<compile_context>
chip_gen: v7x
topology: tpu7x:2x2x1
jax: 0.10.2.dev20260603
libtpu: 0.0.44.dev20260713+nightly
codegen_flags: <defaults>
</compile_context>

<pallas_src>
import jax
import jax.numpy as jnp
from jax import lax
from jax.experimental import pallas as pl
from jax.experimental.pallas import tpu as pltpu
from jax.experimental.pallas import tpu_sc as plsc

N = 10000
E = 160000
IN = 128
U = 64
B = 2

NP = 10112
STRIPE = NP // 16
LAST_ROWS = N - 15 * STRIPE
CHUNK = 128
NBUF = 6
GRP = NBUF // 2
CPT = 84
PADDED_EDGES = 16 * CPT * CHUNK

_NBLK = 10
_R = N // _NBLK



def _k0_body(adv_ref, d_ref):
    d_ref[...] = jnp.sqrt(adv_ref[...])


def _k1_body(xin_ref, st_ref, d_ref, wa_ref, wb_ref, y_ref):
    x = xin_ref[0]
    s = st_ref[0]
    d = d_ref[...]
    y = jnp.dot(x, wa_ref[...], preferred_element_type=jnp.float32)
    y += jnp.dot(s, wb_ref[...], preferred_element_type=jnp.float32)
    y_ref[0] = (y * d).astype(jnp.bfloat16)


def _k2x_body(xin_ref, w2a_ref, xa_ref):
    xa_ref[0] = jnp.dot(xin_ref[0], w2a_ref[...],
                        preferred_element_type=jnp.float32)


def _k34_body(zr_ref, zu_ref, dr_ref, du_ref, de_ref, do_ref, b1_ref,
              sv_ref, xav_ref, w2b_ref, y_ref, u_ref):
    even = pl.program_id(1) < _NBLK // 2
    dr = dr_ref[...]
    du = du_ref[...]
    b1 = b1_ref[...]
    sv = sv_ref[0]
    vr = jax.nn.sigmoid(zr_ref[0].astype(jnp.float32) * dr + b1)
    vu = jax.nn.sigmoid(zu_ref[0].astype(jnp.float32) * du + b1)
    u_ref[0] = vu
    rs = jnp.where(even, vr[:, :U] * sv[:, :U], vr[:, U:] * sv[:, U:])
    xa = xav_ref[0]
    xah = jnp.where(even, xa[:, :U], xa[:, U:])
    dp = jnp.where(even, de_ref[...], do_ref[...])
    y = xah + jnp.dot(rs, w2b_ref[...], preferred_element_type=jnp.float32)
    y_ref[0] = (y * dp).astype(jnp.bfloat16)


def _k5_body(z2e_ref, z2o_ref, de_ref, do_ref, b2_ref, u_ref, sv_ref,
             h_ref):
    b2 = b2_ref[...]
    u = u_ref[0]
    sv = sv_ref[0]
    ce = jnp.maximum(z2e_ref[0].astype(jnp.float32) * de_ref[...] + b2, 0.0)
    co = jnp.maximum(z2o_ref[0].astype(jnp.float32) * do_ref[...] + b2, 0.0)
    he = u[:, :U] * sv[:, :U] + (1.0 - u[:, :U]) * ce
    ho = u[:, U:] * sv[:, U:] + (1.0 - u[:, U:]) * co
    h_ref[0] = jnp.concatenate([he, ho], axis=1)



def _make_spmm(npass: int, D: int = U, dtype=jnp.float32,
               cpt: int = CPT, split_edges: bool = False):
    mesh = plsc.VectorSubcoreMesh(core_axis_name="c", subcore_axis_name="s")

    def body(*refs):
        tables = refs[:npass]
        col, row = refs[npass], refs[npass + 1]
        outs = refs[npass + 2: 2 * npass + 2]
        colv, rowv, zbuf, gbuf, acc, gsem, ssem = refs[2 * npass + 2:]
        cid = lax.axis_index("c")
        sid = lax.axis_index("s")
        base = sid * STRIPE
        if split_edges:
            pltpu.sync_copy(col.at[cid, sid], colv)
            pltpu.sync_copy(row.at[cid, sid], rowv)
        else:
            pltpu.sync_copy(col.at[sid], colv)
            pltpu.sync_copy(row.at[sid], rowv)
        lanes = 16 if dtype == jnp.float32 else 32
        zv = jnp.zeros((lanes,), dtype)

        def zrow(r, carry):
            for c in range(D // lanes):
                zbuf[r, pl.ds(c * lanes, lanes)] = zv
            return carry

        lax.fori_loop(0, CHUNK, zrow, 0)

        for p in range(npass):
            for k in range(STRIPE // CHUNK):
                pltpu.sync_copy(zbuf, acc.at[pl.ds(base + k * CHUNK, CHUNK)])
            rem = STRIPE % CHUNK
            pltpu.sync_copy(zbuf.at[pl.ds(0, rem)],
                            acc.at[pl.ds(base + STRIPE - rem, rem)])
            plsc.subcore_barrier()

            table = tables[p] if split_edges else tables[p].at[cid]

            def _drain_scatters(n):
                for _ in range(n):
                    pltpu.make_async_copy(
                        gbuf.at[0], acc.at[rowv.at[0]], ssem).wait()

            def step(i, carry):
                @pl.when(i > 0)
                def _():
                    _drain_scatters(GRP)

                j0 = i * NBUF
                g0 = [pltpu.async_copy(
                    table.at[colv.at[j0 + b]], gbuf.at[b], gsem)
                    for b in range(GRP)]
                for g in g0:
                    g.wait()
                s0 = [pltpu.async_copy(
                    gbuf.at[b], acc.at[rowv.at[j0 + b]], ssem, add=True)
                    for b in range(GRP)]
                g1 = [pltpu.async_copy(
                    table.at[colv.at[j0 + b]], gbuf.at[b], gsem)
                    for b in range(GRP, NBUF)]
                for g in g1:
                    g.wait()
                for s in s0:
                    s.wait()
                for b in range(GRP, NBUF):
                    pltpu.async_copy(
                        gbuf.at[b], acc.at[rowv.at[j0 + b]], ssem, add=True)
                return carry

            lax.fori_loop(0, cpt // NBUF, step, 0)
            _drain_scatters(GRP)
            plsc.subcore_barrier()

            out = outs[p]

            @pl.when(sid < 15)
            def _():
                pltpu.sync_copy(acc.at[pl.ds(base, STRIPE)],
                                out.at[cid, pl.ds(base, STRIPE)])

            @pl.when(sid == 15)
            def _():
                pltpu.sync_copy(acc.at[pl.ds(base, LAST_ROWS)],
                                out.at[cid, pl.ds(base, LAST_ROWS)])

            if p + 1 < npass:
                plsc.subcore_barrier()

    out_struct = jax.ShapeDtypeStruct((B, N, D), dtype)
    return pl.kernel(
        body,
        out_type=[out_struct] * npass,
        mesh=mesh,
        compiler_params=pltpu.CompilerParams(use_tc_tiling_on_sc=False),
        scratch_types=[
            pltpu.VMEM((cpt, CHUNK), jnp.int32),
            pltpu.VMEM((cpt, CHUNK), jnp.int32),
            pltpu.VMEM((CHUNK, D), dtype),
            pltpu.VMEM((NBUF, CHUNK, D), dtype),
            pltpu.VMEM_SHARED((NP, D), dtype),
            pltpu.SemaphoreType.DMA,
            pltpu.SemaphoreType.DMA,
        ],
    )


_spmm_g1 = _make_spmm(1, 2 * U, jnp.bfloat16)
_spmm_g2 = _make_spmm(1, U, jnp.bfloat16)



def _vspec(shape, imap):
    return pl.BlockSpec(shape, imap)


_k0 = pl.pallas_call(
    _k0_body,
    grid=(1,),
    in_specs=[_vspec((_NBLK, _R), lambda i: (0, 0))],
    out_specs=_vspec((_NBLK, _R), lambda i: (0, 0)),
    out_shape=jax.ShapeDtypeStruct((_NBLK, _R), jnp.float32),
)

_k1 = pl.pallas_call(
    _k1_body,
    grid=(B, _NBLK),
    in_specs=[
        _vspec((1, _R, IN), lambda b, i: (b, i, 0)),
        _vspec((1, _R, U), lambda b, i: (b, i, 0)),
        _vspec((_R, 1), lambda b, i: (i, 0)),
        _vspec((IN, 2 * U), lambda b, i: (0, 0)),
        _vspec((U, 2 * U), lambda b, i: (0, 0)),
    ],
    out_specs=_vspec((1, _R, 2 * U), lambda b, i: (b, i, 0)),
    out_shape=jax.ShapeDtypeStruct((B, N, 2 * U), jnp.bfloat16),
)

_k2x = pl.pallas_call(
    _k2x_body,
    grid=(B, _NBLK),
    in_specs=[
        _vspec((1, _R, IN), lambda b, i: (b, i, 0)),
        _vspec((IN, U), lambda b, i: (0, 0)),
    ],
    out_specs=_vspec((1, _R, U), lambda b, i: (b, i, 0)),
    out_shape=jax.ShapeDtypeStruct((B, N, U), jnp.float32),
)

_k34 = pl.pallas_call(
    _k34_body,
    grid=(B, _NBLK),
    in_specs=[
        _vspec((1, _R, 2 * U), lambda b, i: (b, i % 5, 0)),
        _vspec((1, _R, 2 * U), lambda b, i: (b, 5 + i % 5, 0)),
        _vspec((_R, 1), lambda b, i: (i % 5, 0)),
        _vspec((_R, 1), lambda b, i: (5 + i % 5, 0)),
        _vspec((_R, 1), lambda b, i: (i % 5, 0)),
        _vspec((_R, 1), lambda b, i: (i % 5, 0)),
        _vspec((1, 2 * U), lambda b, i: (0, 0)),
        _vspec((1, _R, 2 * U), lambda b, i: (b, i % 5, 0)),
        _vspec((1, _R, 2 * U), lambda b, i: (b, i % 5, 0)),
        _vspec((U, U), lambda b, i: (0, 0)),
    ],
    out_specs=[
        _vspec((1, _R, U), lambda b, i: (b, i, 0)),
        _vspec((1, _R, 2 * U), lambda b, i: (b, i % 5, 0)),
    ],
    out_shape=[
        jax.ShapeDtypeStruct((B, N, U), jnp.bfloat16),
        jax.ShapeDtypeStruct((B, N // 2, 2 * U), jnp.float32),
    ],
)

_k5 = pl.pallas_call(
    _k5_body,
    grid=(B, _NBLK // 2),
    in_specs=[
        _vspec((1, _R, U), lambda b, i: (b, i, 0)),
        _vspec((1, _R, U), lambda b, i: (b, 5 + i, 0)),
        _vspec((_R, 1), lambda b, i: (i, 0)),
        _vspec((_R, 1), lambda b, i: (i, 0)),
        _vspec((1, U), lambda b, i: (0, 0)),
        _vspec((1, _R, 2 * U), lambda b, i: (b, i, 0)),
        _vspec((1, _R, 2 * U), lambda b, i: (b, i, 0)),
    ],
    out_specs=_vspec((1, _R, 2 * U), lambda b, i: (b, i, 0)),
    out_shape=jax.ShapeDtypeStruct((B, N // 2, 2 * U), jnp.float32),
)


def kernel(inputs, state, adj_row, adj_col, adj_val, w1, b1, w2, b2):
    xin = inputs.reshape(B, N, IN)
    st = state.reshape(B, N, U)
    st3 = st

    pad = PADDED_EDGES - (E + N)
    colp = jnp.concatenate([adj_col, jnp.zeros((pad,), jnp.int32)])
    rowf = jnp.concatenate(
        [adj_row, N + (jnp.arange(pad, dtype=jnp.int32) % 16)])
    col2 = colp.reshape(16, CPT, CHUNK)
    rowp = rowf.reshape(16, CPT, CHUNK)
    colg2 = ((colp % 2) * (N // 2) + colp // 2).reshape(16, CPT, CHUNK)
    rowg2 = jnp.where(rowf < N, (rowf % 2) * (N // 2) + rowf // 2,
                      rowf).reshape(16, CPT, CHUNK)

    d = _k0(adj_val[E:].reshape(_NBLK, _R)).reshape(N, 1)

    y1 = _k1(xin, st, d, w1[:IN], w1[IN:])
    xa = _k2x(xin, w2[:IN])
    (z1,) = _spmm_g1(y1, col2, rowp)

    sv = state.reshape(B, N // 2, 2 * U)
    de = d[0::2]
    do = d[1::2]
    xav = xa.reshape(B, N // 2, 2 * U)
    y2, u_val = _k34(z1, z1, d, d, de, do, b1.reshape(1, 2 * U),
                     sv, xav, w2[IN:])
    (z2,) = _spmm_g2(y2, colg2, rowg2)
    hval = _k5(z2, z2, de, do, b2.reshape(1, U), u_val, sv)

    new_h = hval.reshape(B, N * U)
    return (new_h, new_h)

# --- scband reference (transcript-rebuilt; emitter-appended) ---
"""Pipeline reference for scband-tgcn-cell-3547642987461 (READ-ONLY COPY).

The authoritative reference and input builder live on the scoring server;
editing this copy changes nothing except your own understanding.
"""

import jax, jax.numpy as jnp
import numpy as np

N = 10000
E = 160000
IN = 128
U = 64
B = 2


def setup_inputs(seed: int = 0) -> dict:
    key = jax.random.key(seed)
    ks = jax.random.split(key, 8)
    src = jax.random.randint(ks[0], (E,), 0, N)
    dst = jax.random.randint(ks[1], (E,), 0, N)
    loop = jnp.arange(N)
    rows = jnp.concatenate([src, loop]).astype(jnp.int32)
    cols = jnp.concatenate([dst, loop]).astype(jnp.int32)
    vals = jnp.ones(rows.shape[0], jnp.float32)
    # normalized_adj(A + I) = (A D^{-1/2})^T D^{-1/2} = D^{-1/2} A^T D^{-1/2}
    rowsum = jax.ops.segment_sum(vals, rows, num_segments=N)
    d_inv_sqrt = jnp.where(rowsum > 0, rowsum ** -0.5, 0.0)
    # entry (r, c, v) of A maps to entry (c, r) with value d[r] * v * d[c]
    adj_row = cols
    adj_col = rows
    adj_val = vals * d_inv_sqrt[rows] * d_inv_sqrt[cols]
    inputs = jax.random.normal(ks[2], (B, N * IN), jnp.float32)
    state = jax.random.normal(ks[3], (B, N * U), jnp.float32)
    stdv1 = 1.0 / np.sqrt(2 * U)
    w1 = jax.random.uniform(ks[4], (U + IN, 2 * U), jnp.float32, -stdv1, stdv1)
    b1 = jax.random.uniform(ks[5], (2 * U,), jnp.float32, -stdv1, stdv1)
    stdv2 = 1.0 / np.sqrt(U)
    w2 = jax.random.uniform(ks[6], (U + IN, U), jnp.float32, -stdv2, stdv2)
    b2 = jax.random.uniform(ks[7], (U,), jnp.float32, -stdv2, stdv2)
    return {"inputs": inputs, "state": state, "adj_row": adj_row,
            "adj_col": adj_col, "adj_val": adj_val,
            "w1": w1, "b1": b1, "w2": w2, "b2": b2}


def _gc(inputs, state, adj_row, adj_col, adj_val, w, b, out_size):
    x_in = inputs.reshape(-1, N, IN)
    st = state.reshape(-1, N, U)
    x_s = jnp.concatenate([x_in, st], axis=2)
    input_size = x_s.shape[2]
    x0 = jnp.einsum('ijk->jki', x_s).reshape(N, -1)
    # sparse matmul: gather neighbor features, scale, scatter-add to dst nodes
    x1 = jax.ops.segment_sum(adj_val[:, None] * x0[adj_col], adj_row, num_segments=N)
    x = x1.reshape(N, input_size, -1)
    x = jnp.einsum('ijk->kij', x).reshape(-1, input_size)
    x = x @ w + b
    return x.reshape(-1, N * out_size)


def reference(inputs, state, adj_row, adj_col, adj_val, w1, b1, w2, b2):
    value = jax.nn.sigmoid(_gc(inputs, state, adj_row, adj_col, adj_val, w1, b1, 2 * U))
    half = value.shape[1] // 2
    r = value[:, :half]
    u = value[:, half:]
    r_state = r * state
    c = jax.nn.relu(_gc(inputs, r_state, adj_row, adj_col, adj_val, w2, b2, U))
    new_h = u * state + (1.0 - u) * c
    return (new_h, new_h)

if __name__ == "__main__":
    import jax
    _d = setup_inputs()
    print(jax.jit(kernel)(*tuple(_d.values())))

</pallas_src>

<mosaic_0001>
#map = affine_map<(d0, d1) -> (0, 0, 0)>
module attributes {stable_mosaic.version = 14 : i64} {
  func.func @body(%arg0: i32, %arg1: i32, %arg2: memref<2x10000x128xbf16, #tpu.memory_space<hbm>>, %arg3: memref<16x84x128xi32, #tpu.memory_space<hbm>>, %arg4: memref<16x84x128xi32, #tpu.memory_space<hbm>>, %arg5: memref<2x10000x128xbf16, #tpu.memory_space<hbm>>, %arg6: memref<84x128xi32, #tpu.memory_space<vmem>>, %arg7: memref<84x128xi32, #tpu.memory_space<vmem>>, %arg8: memref<128x128xbf16, #tpu.memory_space<vmem>>, %arg9: memref<6x128x128xbf16, #tpu.memory_space<vmem>>, %arg10: memref<10112x128xbf16, #tpu.memory_space<vmem_shared>>, %arg11: memref<!tpu.dma_semaphore, #tpu.memory_space<semaphore_mem>>, %arg12: memref<!tpu.dma_semaphore, #tpu.memory_space<semaphore_mem>>) attributes {dimension_semantics = [#tpu.dimension_semantics<core_parallel>, #tpu.dimension_semantics<subcore_parallel>], iteration_bounds = array<i64: 2, 16>, scalar_prefetch = 0 : i64, scratch_operands = 7 : i64, tpu.core_type = #tpu.core_type<sc_vector_subcore>, window_params = [{transform_indices = #map}, {transform_indices = #map}, {transform_indices = #map}, {transform_indices = #map}]} {
    %mul3A = arith.constant 632 : i32
    %mul3A_0 = arith.muli %arg1, %mul3A : i32
    "tpu.region"() ({
      %run_scoped3A = tpu.sem_alloc : memref<!tpu.dma_semaphore, #tpu.memory_space<semaphore_mem>>
      %dma_start3A = arith.constant 0 : i32
      %dma_start3A_65 = arith.constant 0 : i32
      %dma_start3A_66 = tpu.memref_slice %arg3[%arg1, %dma_start3A, %dma_start3A_65] : memref<16x84x128xi32, #tpu.memory_space<hbm>> -> memref<1x84x128xi32, #tpu.memory_space<hbm>>
      %dma_start3A_67 = tpu.memref_squeeze %dma_start3A_66 : memref<1x84x128xi32, #tpu.memory_space<hbm>> -> memref<84x128xi32, #tpu.memory_space<hbm>>
      %dma_start3A_68 = arith.constant 0 : i32
      %dma_start3A_69 = arith.constant 0 : i32
      %dma_start3A_70 = tpu.memref_slice %arg3[%arg1, %dma_start3A_68, %dma_start3A_69] : memref<16x84x128xi32, #tpu.memory_space<hbm>> -> memref<1x84x128xi32, #tpu.memory_space<hbm>>
      %dma_start3A_71 = tpu.memref_squeeze %dma_start3A_70 : memref<1x84x128xi32, #tpu.memory_space<hbm>> -> memref<84x128xi32, #tpu.memory_space<hbm>>
      tpu.enqueue_dma source(%dma_start3A_71 : memref<84x128xi32, #tpu.memory_space<hbm>>) target(%arg6 : memref<84x128xi32, #tpu.memory_space<vmem>>) target_semaphore(%run_scoped3A : memref<!tpu.dma_semaphore, #tpu.memory_space<semaphore_mem>>)
      %dma_wait3A_72 = arith.constant 0 : i32
      %dma_wait3A_73 = arith.constant 0 : i32
      %dma_wait3A_74 = tpu.memref_slice %arg3[%arg1, %dma_wait3A_72, %dma_wait3A_73] : memref<16x84x128xi32, #tpu.memory_space<hbm>> -> memref<1x84x128xi32, #tpu.memory_space<hbm>>
      %dma_wait3A_75 = tpu.memref_squeeze %dma_wait3A_74 : memref<1x84x128xi32, #tpu.memory_space<hbm>> -> memref<84x128xi32, #tpu.memory_space<hbm>>
      %dma_wait3A_76 = arith.constant 0 : i32
      %dma_wait3A_77 = arith.constant 0 : i32
      %dma_wait3A_78 = tpu.memref_slice %arg3[%arg1, %dma_wait3A_76, %dma_wait3A_77] : memref<16x84x128xi32, #tpu.memory_space<hbm>> -> memref<1x84x128xi32, #tpu.memory_space<hbm>>
      %dma_wait3A_79 = tpu.memref_squeeze %dma_wait3A_78 : memref<1x84x128xi32, #tpu.memory_space<hbm>> -> memref<84x128xi32, #tpu.memory_space<hbm>>
      tpu.wait_dma2 semaphore(%run_scoped3A : memref<!tpu.dma_semaphore, #tpu.memory_space<semaphore_mem>>) src(%dma_wait3A_79 : memref<84x128xi32, #tpu.memory_space<hbm>>) dst(%arg6 : memref<84x128xi32, #tpu.memory_space<vmem>>)
      tpu.yield
    }) : () -> ()
    "tpu.region"() ({
      %run_scoped3A = tpu.sem_alloc : memref<!tpu.dma_semaphore, #tpu.memory_space<semaphore_mem>>
      %dma_start3A = arith.constant 0 : i32
      %dma_start3A_65 = arith.constant 0 : i32
      %dma_start3A_66 = tpu.memref_slice %arg4[%arg1, %dma_start3A, %dma_start3A_65] : memref<16x84x128xi32, #tpu.memory_space<hbm>> -> memref<1x84x128xi32, #tpu.memory_space<hbm>>
      %dma_start3A_67 = tpu.memref_squeeze %dma_start3A_66 : memref<1x84x128xi32, #tpu.memory_space<hbm>> -> memref<84x128xi32, #tpu.memory_space<hbm>>
      %dma_start3A_68 = arith.constant 0 : i32
      %dma_start3A_69 = arith.constant 0 : i32
      %dma_start3A_70 = tpu.memref_slice %arg4[%arg1, %dma_start3A_68, %dma_start3A_69] : memref<16x84x128xi32, #tpu.memory_space<hbm>> -> memref<1x84x128xi32, #tpu.memory_space<hbm>>
      %dma_start3A_71 = tpu.memref_squeeze %dma_start3A_70 : memref<1x84x128xi32, #tpu.memory_space<hbm>> -> memref<84x128xi32, #tpu.memory_space<hbm>>
      tpu.enqueue_dma source(%dma_start3A_71 : memref<84x128xi32, #tpu.memory_space<hbm>>) target(%arg7 : memref<84x128xi32, #tpu.memory_space<vmem>>) target_semaphore(%run_scoped3A : memref<!tpu.dma_semaphore, #tpu.memory_space<semaphore_mem>>)
      %dma_wait3A_72 = arith.constant 0 : i32
      %dma_wait3A_73 = arith.constant 0 : i32
      %dma_wait3A_74 = tpu.memref_slice %arg4[%arg1, %dma_wait3A_72, %dma_wait3A_73] : memref<16x84x128xi32, #tpu.memory_space<hbm>> -> memref<1x84x128xi32, #tpu.memory_space<hbm>>
      %dma_wait3A_75 = tpu.memref_squeeze %dma_wait3A_74 : memref<1x84x128xi32, #tpu.memory_space<hbm>> -> memref<84x128xi32, #tpu.memory_space<hbm>>
      %dma_wait3A_76 = arith.constant 0 : i32
      %dma_wait3A_77 = arith.constant 0 : i32
      %dma_wait3A_78 = tpu.memref_slice %arg4[%arg1, %dma_wait3A_76, %dma_wait3A_77] : memref<16x84x128xi32, #tpu.memory_space<hbm>> -> memref<1x84x128xi32, #tpu.memory_space<hbm>>
      %dma_wait3A_79 = tpu.memref_squeeze %dma_wait3A_78 : memref<1x84x128xi32, #tpu.memory_space<hbm>> -> memref<84x128xi32, #tpu.memory_space<hbm>>
      tpu.wait_dma2 semaphore(%run_scoped3A : memref<!tpu.dma_semaphore, #tpu.memory_space<semaphore_mem>>) src(%dma_wait3A_79 : memref<84x128xi32, #tpu.memory_space<hbm>>) dst(%arg7 : memref<84x128xi32, #tpu.memory_space<vmem>>)
      tpu.yield
    }) : () -> ()
    %broadcast_in_dim3A = arith.constant 0.000000e+00 : bf16
    %broadcast_in_dim3A_1 = vector.broadcast %broadcast_in_dim3A : bf16 to vector<32xbf16>
    %scan3A = arith.constant 0 : i32
    %scan3A_2 = arith.constant 0 : i32
    %scan3A_3 = arith.constant 128 : i32
    %scan3A_4 = arith.addi %scan3A_2, %scan3A_3 : i32
    %scan3A_5 = arith.constant 1 : i32
    scf.for %scan3A_65 = %scan3A_2 to %scan3A_4 step %scan3A_5  : i32 {
      %swap3A = arith.index_cast %scan3A_65 : i32 to index
      %swap3A_66 = arith.constant 0 : index
      %swap3A_67 = tpu.vector_load %arg8[%swap3A, %swap3A_66] {strides = array<i32>} : memref<128x128xbf16, #tpu.memory_space<vmem>>, vector<1x32xbf16>,
      %swap3A_68 = vector.shape_cast %swap3A_67 : vector<1x32xbf16> to vector<32xbf16>
      %swap3A_69 = vector.shape_cast %broadcast_in_dim3A_1 : vector<32xbf16> to vector<1x32xbf16>
      tpu.vector_store %arg8[%swap3A, %swap3A_66], %swap3A_69 {strides = array<i32>} : memref<128x128xbf16, #tpu.memory_space<vmem>>, vector<1x32xbf16>,
      %swap3A_70 = arith.index_cast %scan3A_65 : i32 to index
      %swap3A_71 = arith.constant 32 : index
      %swap3A_72 = tpu.vector_load %arg8[%swap3A_70, %swap3A_71] {strides = array<i32>} : memref<128x128xbf16, #tpu.memory_space<vmem>>, vector<1x32xbf16>,
      %swap3A_73 = vector.shape_cast %swap3A_72 : vector<1x32xbf16> to vector<32xbf16>
      %swap3A_74 = vector.shape_cast %broadcast_in_dim3A_1 : vector<32xbf16> to vector<1x32xbf16>
      tpu.vector_store %arg8[%swap3A_70, %swap3A_71], %swap3A_74 {strides = array<i32>} : memref<128x128xbf16, #tpu.memory_space<vmem>>, vector<1x32xbf16>,
      %swap3A_75 = arith.index_cast %scan3A_65 : i32 to index
      %swap3A_76 = arith.constant 64 : index
      %swap3A_77 = tpu.vector_load %arg8[%swap3A_75, %swap3A_76] {strides = array<i32>} : memref<128x128xbf16, #tpu.memory_space<vmem>>, vector<1x32xbf16>,
      %swap3A_78 = vector.shape_cast %swap3A_77 : vector<1x32xbf16> to vector<32xbf16>
      %swap3A_79 = vector.shape_cast %broadcast_in_dim3A_1 : vector<32xbf16> to vector<1x32xbf16>
      tpu.vector_store %arg8[%swap3A_75, %swap3A_76], %swap3A_79 {strides = array<i32>} : memref<128x128xbf16, #tpu.memory_space<vmem>>, vector<1x32xbf16>,
      %swap3A_80 = arith.index_cast %scan3A_65 : i32 to index
      %swap3A_81 = arith.constant 96 : index
      %swap3A_82 = tpu.vector_load %arg8[%swap3A_80, %swap3A_81] {strides = array<i32>} : memref<128x128xbf16, #tpu.memory_space<vmem>>, vector<1x32xbf16>,
      %swap3A_83 = vector.shape_cast %swap3A_82 : vector<1x32xbf16> to vector<32xbf16>
      %swap3A_84 = vector.shape_cast %broadcast_in_dim3A_1 : vector<32xbf16> to vector<1x32xbf16>
      tpu.vector_store %arg8[%swap3A_80, %swap3A_81], %swap3A_84 {strides = array<i32>} : memref<128x128xbf16, #tpu.memory_space<vmem>>, vector<1x32xbf16>,
    }
    %scan3A_6 = arith.constant 128 : i32
    %add3A = arith.constant 0 : i32
    %add3A_7 = arith.addi %mul3A_0, %add3A : i32
    "tpu.region"() ({
      %run_scoped3A = tpu.sem_alloc : memref<!tpu.dma_semaphore, #tpu.memory_space<semaphore_mem>>
      %dma_start3A = arith.constant 0 : i32
      %dma_start3A_65 = tpu.memref_slice %arg10[%add3A_7, %dma_start3A] : memref<10112x128xbf16, #tpu.memory_space<vmem_shared>> -> memref<128x128xbf16, #tpu.memory_space<vmem_shared>>
      %dma_start3A_66 = arith.constant 0 : i32
      %dma_start3A_67 = tpu.memref_slice %arg10[%add3A_7, %dma_start3A_66] : memref<10112x128xbf16, #tpu.memory_space<vmem_shared>> -> memref<128x128xbf16, #tpu.memory_space<vmem_shared>>
      tpu.enqueue_dma source(%arg8 : memref<128x128xbf16, #tpu.memory_space<vmem>>) target(%dma_start3A_67 : memref<128x128xbf16, #tpu.memory_space<vmem_shared>>) target_semaphore(%run_scoped3A : memref<!tpu.dma_semaphore, #tpu.memory_space<semaphore_mem>>)
      %dma_wait3A_68 = arith.constant 0 : i32
      %dma_wait3A_69 = tpu.memref_slice %arg10[%add3A_7, %dma_wait3A_68] : memref<10112x128xbf16, #tpu.memory_space<vmem_shared>> -> memref<128x128xbf16, #tpu.memory_space<vmem_shared>>
      %dma_wait3A_70 = arith.constant 0 : i32
      %dma_wait3A_71 = tpu.memref_slice %arg10[%add3A_7, %dma_wait3A_70] : memref<10112x128xbf16, #tpu.memory_space<vmem_shared>> -> memref<128x128xbf16, #tpu.memory_space<vmem_shared>>
      tpu.wait_dma2 semaphore(%run_scoped3A : memref<!tpu.dma_semaphore, #tpu.memory_space<semaphore_mem>>) src(%arg8 : memref<128x128xbf16, #tpu.memory_space<vmem>>) dst(%dma_wait3A_71 : memref<128x128xbf16, #tpu.memory_space<vmem_shared>>)
      tpu.yield
    }) : () -> ()
    %add3A_8 = arith.constant 128 : i32
    %add3A_9 = arith.addi %mul3A_0, %add3A_8 : i32
    "tpu.region"() ({
      %run_scoped3A = tpu.sem_alloc : memref<!tpu.dma_semaphore, #tpu.memory_space<semaphore_mem>>
      %dma_start3A = arith.constant 0 : i32
      %dma_start3A_65 = tpu.memref_slice %arg10[%add3A_9, %dma_start3A] : memref<10112x128xbf16, #tpu.memory_space<vmem_shared>> -> memref<128x128xbf16, #tpu.memory_space<vmem_shared>>
      %dma_start3A_66 = arith.constant 0 : i32
      %dma_start3A_67 = tpu.memref_slice %arg10[%add3A_9, %dma_start3A_66] : memref<10112x128xbf16, #tpu.memory_space<vmem_shared>> -> memref<128x128xbf16, #tpu.memory_space<vmem_shared>>
      tpu.enqueue_dma source(%arg8 : memref<128x128xbf16, #tpu.memory_space<vmem>>) target(%dma_start3A_67 : memref<128x128xbf16, #tpu.memory_space<vmem_shared>>) target_semaphore(%run_scoped3A : memref<!tpu.dma_semaphore, #tpu.memory_space<semaphore_mem>>)
      %dma_wait3A_68 = arith.constant 0 : i32
      %dma_wait3A_69 = tpu.memref_slice %arg10[%add3A_9, %dma_wait3A_68] : memref<10112x128xbf16, #tpu.memory_space<vmem_shared>> -> memref<128x128xbf16, #tpu.memory_space<vmem_shared>>
      %dma_wait3A_70 = arith.constant 0 : i32
      %dma_wait3A_71 = tpu.memref_slice %arg10[%add3A_9, %dma_wait3A_70] : memref<10112x128xbf16, #tpu.memory_space<vmem_shared>> -> memref<128x128xbf16, #tpu.memory_space<vmem_shared>>
      tpu.wait_dma2 semaphore(%run_scoped3A : memref<!tpu.dma_semaphore, #tpu.memory_space<semaphore_mem>>) src(%arg8 : memref<128x128xbf16, #tpu.memory_space<vmem>>) dst(%dma_wait3A_71 : memref<128x128xbf16, #tpu.memory_space<vmem_shared>>)
      tpu.yield
    }) : () -> ()
    %add3A_10 = arith.constant 256 : i32
    %add3A_11 = arith.addi %mul3A_0, %add3A_10 : i32
    "tpu.region"() ({
      %run_scoped3A = tpu.sem_alloc : memref<!tpu.dma_semaphore, #tpu.memory_space<semaphore_mem>>
      %dma_start3A = arith.constant 0 : i32
      %dma_start3A_65 = tpu.memref_slice %arg10[%add3A_11, %dma_start3A] : memref<10112x128xbf16, #tpu.memory_space<vmem_shared>> -> memref<128x128xbf16, #tpu.memory_space<vmem_shared>>
      %dma_start3A_66 = arith.constant 0 : i32
      %dma_start3A_67 = tpu.memref_slice %arg10[%add3A_11, %dma_start3A_66] : memref<10112x128xbf16, #tpu.memory_space<vmem_shared>> -> memref<128x128xbf16, #tpu.memory_space<vmem_shared>>
      tpu.enqueue_dma source(%arg8 : memref<128x128xbf16, #tpu.memory_space<vmem>>) target(%dma_start3A_67 : memref<128x128xbf16, #tpu.memory_space<vmem_shared>>) target_semaphore(%run_scoped3A : memref<!tpu.dma_semaphore, #tpu.memory_space<semaphore_mem>>)
      %dma_wait3A_68 = arith.constant 0 : i32
      %dma_wait3A_69 = tpu.memref_slice %arg10[%add3A_11, %dma_wait3A_68] : memref<10112x128xbf16, #tpu.memory_space<vmem_shared>> -> memref<128x128xbf16, #tpu.memory_space<vmem_shared>>
      %dma_wait3A_70 = arith.constant 0 : i32
      %dma_wait3A_71 = tpu.memref_slice %arg10[%add3A_11, %dma_wait3A_70] : memref<10112x128xbf16, #tpu.memory_space<vmem_shared>> -> memref<128x128xbf16, #tpu.memory_space<vmem_shared>>
      tpu.wait_dma2 semaphore(%run_scoped3A : memref<!tpu.dma_semaphore, #tpu.memory_space<semaphore_mem>>) src(%arg8 : memref<128x128xbf16, #tpu.memory_space<vmem>>) dst(%dma_wait3A_71 : memref<128x128xbf16, #tpu.memory_space<vmem_shared>>)
      tpu.yield
    }) : () -> ()
    %add3A_12 = arith.constant 384 : i32
    %add3A_13 = arith.addi %mul3A_0, %add3A_12 : i32
    "tpu.region"() ({
      %run_scoped3A = tpu.sem_alloc : memref<!tpu.dma_semaphore, #tpu.memory_space<semaphore_mem>>
      %dma_start3A = arith.constant 0 : i32
      %dma_start3A_65 = tpu.memref_slice %arg10[%add3A_13, %dma_start3A] : memref<10112x128xbf16, #tpu.memory_space<vmem_shared>> -> memref<128x128xbf16, #tpu.memory_space<vmem_shared>>
      %dma_start3A_66 = arith.constant 0 : i32
      %dma_start3A_67 = tpu.memref_slice %arg10[%add3A_13, %dma_start3A_66] : memref<10112x128xbf16, #tpu.memory_space<vmem_shared>> -> memref<128x128xbf16, #tpu.memory_space<vmem_shared>>
      tpu.enqueue_dma source(%arg8 : memref<128x128xbf16, #tpu.memory_space<vmem>>) target(%dma_start3A_67 : memref<128x128xbf16, #tpu.memory_space<vmem_shared>>) target_semaphore(%run_scoped3A : memref<!tpu.dma_semaphore, #tpu.memory_space<semaphore_mem>>)
      %dma_wait3A_68 = arith.constant 0 : i32
      %dma_wait3A_69 = tpu.memref_slice %arg10[%add3A_13, %dma_wait3A_68] : memref<10112x128xbf16, #tpu.memory_space<vmem_shared>> -> memref<128x128xbf16, #tpu.memory_space<vmem_shared>>
      %dma_wait3A_70 = arith.constant 0 : i32
      %dma_wait3A_71 = tpu.memref_slice %arg10[%add3A_13, %dma_wait3A_70] : memref<10112x128xbf16, #tpu.memory_space<vmem_shared>> -> memref<128x128xbf16, #tpu.memory_space<vmem_shared>>
      tpu.wait_dma2 semaphore(%run_scoped3A : memref<!tpu.dma_semaphore, #tpu.memory_space<semaphore_mem>>) src(%arg8 : memref<128x128xbf16, #tpu.memory_space<vmem>>) dst(%dma_wait3A_71 : memref<128x128xbf16, #tpu.memory_space<vmem_shared>>)
      tpu.yield
    }) : () -> ()
    %add3A_14 = arith.constant 632 : i32
    %add3A_15 = arith.addi %mul3A_0, %add3A_14 : i32
    %sub3A = arith.constant 120 : i32
    %sub3A_16 = arith.subi %add3A_15, %sub3A : i32
    "tpu.region"() ({
      %run_scoped3A = tpu.sem_alloc : memref<!tpu.dma_semaphore, #tpu.memory_space<semaphore_mem>>
      %dma_start3A = arith.constant 0 : i32
      %dma_start3A_65 = arith.constant 0 : i32
      %dma_start3A_66 = tpu.memref_slice %arg8[%dma_start3A, %dma_start3A_65] : memref<128x128xbf16, #tpu.memory_space<vmem>> -> memref<120x128xbf16, #tpu.memory_space<vmem>>
      %dma_start3A_67 = arith.constant 0 : i32
      %dma_start3A_68 = tpu.memref_slice %arg10[%sub3A_16, %dma_start3A_67] : memref<10112x128xbf16, #tpu.memory_space<vmem_shared>> -> memref<120x128xbf16, #tpu.memory_space<vmem_shared>>
      %dma_start3A_69 = arith.constant 0 : i32
      %dma_start3A_70 = tpu.memref_slice %arg10[%sub3A_16, %dma_start3A_69] : memref<10112x128xbf16, #tpu.memory_space<vmem_shared>> -> memref<120x128xbf16, #tpu.memory_space<vmem_shared>>
      %dma_start3A_71 = arith.constant 0 : i32
      %dma_start3A_72 = arith.constant 0 : i32
      %dma_start3A_73 = tpu.memref_slice %arg8[%dma_start3A_71, %dma_start3A_72] : memref<128x128xbf16, #tpu.memory_space<vmem>> -> memref<120x128xbf16, #tpu.memory_space<vmem>>
      tpu.enqueue_dma source(%dma_start3A_73 : memref<120x128xbf16, #tpu.memory_space<vmem>>) target(%dma_start3A_70 : memref<120x128xbf16, #tpu.memory_space<vmem_shared>>) target_semaphore(%run_scoped3A : memref<!tpu.dma_semaphore, #tpu.memory_space<semaphore_mem>>)
      %dma_wait3A_74 = arith.constant 0 : i32
      %dma_wait3A_75 = arith.constant 0 : i32
      %dma_wait3A_76 = tpu.memref_slice %arg8[%dma_wait3A_74, %dma_wait3A_75] : memref<128x128xbf16, #tpu.memory_space<vmem>> -> memref<120x128xbf16, #tpu.memory_space<vmem>>
      %dma_wait3A_77 = arith.constant 0 : i32
      %dma_wait3A_78 = tpu.memref_slice %arg10[%sub3A_16, %dma_wait3A_77] : memref<10112x128xbf16, #tpu.memory_space<vmem_shared>> -> memref<120x128xbf16, #tpu.memory_space<vmem_shared>>
      %dma_wait3A_79 = arith.constant 0 : i32
      %dma_wait3A_80 = tpu.memref_slice %arg10[%sub3A_16, %dma_wait3A_79] : memref<10112x128xbf16, #tpu.memory_space<vmem_shared>> -> memref<120x128xbf16, #tpu.memory_space<vmem_shared>>
      %dma_wait3A_81 = arith.constant 0 : i32
      %dma_wait3A_82 = arith.constant 0 : i32
      %dma_wait3A_83 = tpu.memref_slice %arg8[%dma_wait3A_81, %dma_wait3A_82] : memref<128x128xbf16, #tpu.memory_space<vmem>> -> memref<120x128xbf16, #tpu.memory_space<vmem>>
      tpu.wait_dma2 semaphore(%run_scoped3A : memref<!tpu.dma_semaphore, #tpu.memory_space<semaphore_mem>>) src(%dma_wait3A_83 : memref<120x128xbf16, #tpu.memory_space<vmem>>) dst(%dma_wait3A_80 : memref<120x128xbf16, #tpu.memory_space<vmem_shared>>)
      tpu.yield
    }) : () -> ()
    %barrier3A = arith.constant 0 : index
    tpu.barrier barrier_id(%barrier3A)
    %scan3A_17 = arith.constant 0 : i32
    %scan3A_18 = arith.constant 0 : i32
    %scan3A_19 = arith.constant 14 : i32
    %scan3A_20 = arith.addi %scan3A_18, %scan3A_19 : i32
    %scan3A_21 = arith.constant 1 : i32
    scf.for %scan3A_65 = %scan3A_18 to %scan3A_20 step %scan3A_21  : i32 {
      %gt3A = arith.constant 0 : i32
      %gt3A_66 = arith.cmpi sgt, %scan3A_65, %gt3A : i32
      %convert_element_type3A_67 = arith.extui %gt3A_66 : i1 to i32
      %cond3A_68 = arith.constant 0 : i32
      %cond3A_69 = arith.cmpi ne, %convert_element_type3A_67, %cond3A_68 : i32
      scf.if %cond3A_69 {
        %dma_wait3A_374 = arith.constant 0 : i32
        %dma_wait3A_375 = arith.constant 0 : i32
        %dma_wait3A_376 = arith.constant 0 : i32
        %dma_wait3A_377 = arith.constant 0 : i32
        %dma_wait3A_378 = tpu.memref_slice %arg9[%dma_wait3A_374, %dma_wait3A_376, %dma_wait3A_377] : memref<6x128x128xbf16, #tpu.memory_space<vmem>> -> memref<1x128x128xbf16, #tpu.memory_space<vmem>>
        %dma_wait3A_379 = tpu.memref_squeeze %dma_wait3A_378 : memref<1x128x128xbf16, #tpu.memory_space<vmem>> -> memref<128x128xbf16, #tpu.memory_space<vmem>>
        %dma_wait3A_380 = arith.constant 0 : i32
        %dma_wait3A_381 = tpu.memref_slice %arg7[%dma_wait3A_375, %dma_wait3A_380] : memref<84x128xi32, #tpu.memory_space<vmem>> -> memref<1x128xi32, #tpu.memory_space<vmem>>
        %dma_wait3A_382 = tpu.memref_squeeze %dma_wait3A_381 : memref<1x128xi32, #tpu.memory_space<vmem>> -> memref<128xi32, #tpu.memory_space<vmem>>
        %dma_wait3A_383 = arith.constant 0 : i32
        %dma_wait3A_384 = arith.constant 0 : i32
        %dma_wait3A_385 = tpu.memref_slice %arg10[%dma_wait3A_383, %dma_wait3A_384] : memref<10112x128xbf16, #tpu.memory_space<vmem_shared>> -> memref<10112x128xbf16, #tpu.memory_space<vmem_shared>>
        tpu.wait_indirect_dma semaphore(%arg12 : memref<!tpu.dma_semaphore, #tpu.memory_space<semaphore_mem>>) src(%dma_wait3A_379 : memref<128x128xbf16, #tpu.memory_space<vmem>>) dst(%dma_wait3A_385 : memref<10112x128xbf16, #tpu.memory_space<vmem_shared>>)
        %dma_wait3A_386 = arith.constant 0 : i32
        %dma_wait3A_387 = arith.constant 0 : i32
        %dma_wait3A_388 = arith.constant 0 : i32
        %dma_wait3A_389 = arith.constant 0 : i32
        %dma_wait3A_390 = tpu.memref_slice %arg9[%dma_wait3A_386, %dma_wait3A_388, %dma_wait3A_389] : memref<6x128x128xbf16, #tpu.memory_space<vmem>> -> memref<1x128x128xbf16, #tpu.memory_space<vmem>>
        %dma_wait3A_391 = tpu.memref_squeeze %dma_wait3A_390 : memref<1x128x128xbf16, #tpu.memory_space<vmem>> -> memref<128x128xbf16, #tpu.memory_space<vmem>>
        %dma_wait3A_392 = arith.constant 0 : i32
        %dma_wait3A_393 = tpu.memref_slice %arg7[%dma_wait3A_387, %dma_wait3A_392] : memref<84x128xi32, #tpu.memory_space<vmem>> -> memref<1x128xi32, #tpu.memory_space<vmem>>
        %dma_wait3A_394 = tpu.memref_squeeze %dma_wait3A_393 : memref<1x128xi32, #tpu.memory_space<vmem>> -> memref<128xi32, #tpu.memory_space<vmem>>
        %dma_wait3A_395 = arith.constant 0 : i32
        %dma_wait3A_396 = arith.constant 0 : i32
        %dma_wait3A_397 = tpu.memref_slice %arg10[%dma_wait3A_395, %dma_wait3A_396] : memref<10112x128xbf16, #tpu.memory_space<vmem_shared>> -> memref<10112x128xbf16, #tpu.memory_space<vmem_shared>>
        tpu.wait_indirect_dma semaphore(%arg12 : memref<!tpu.dma_semaphore, #tpu.memory_space<semaphore_mem>>) src(%dma_wait3A_391 : memref<128x128xbf16, #tpu.memory_space<vmem>>) dst(%dma_wait3A_397 : memref<10112x128xbf16, #tpu.memory_space<vmem_shared>>)
        %dma_wait3A_398 = arith.constant 0 : i32
        %dma_wait3A_399 = arith.constant 0 : i32
        %dma_wait3A_400 = arith.constant 0 : i32
        %dma_wait3A_401 = arith.constant 0 : i32
        %dma_wait3A_402 = tpu.memref_slice %arg9[%dma_wait3A_398, %dma_wait3A_400, %dma_wait3A_401] : memref<6x128x128xbf16, #tpu.memory_space<vmem>> -> memref<1x128x128xbf16, #tpu.memory_space<vmem>>
        %dma_wait3A_403 = tpu.memref_squeeze %dma_wait3A_402 : memref<1x128x128xbf16, #tpu.memory_space<vmem>> -> memref<128x128xbf16, #tpu.memory_space<vmem>>
        %dma_wait3A_404 = arith.constant 0 : i32
        %dma_wait3A_405 = tpu.memref_slice %arg7[%dma_wait3A_399, %dma_wait3A_404] : memref<84x128xi32, #tpu.memory_space<vmem>> -> memref<1x128xi32, #tpu.memory_space<vmem>>
        %dma_wait3A_406 = tpu.memref_squeeze %dma_wait3A_405 : memref<1x128xi32, #tpu.memory_space<vmem>> -> memref<128xi32, #tpu.memory_space<vmem>>
        %dma_wait3A_407 = arith.constant 0 : i32
        %dma_wait3A_408 = arith.constant 0 : i32
        %dma_wait3A_409 = tpu.memref_slice %arg10[%dma_wait3A_407, %dma_wait3A_408] : memref<10112x128xbf16, #tpu.memory_space<vmem_shared>> -> memref<10112x128xbf16, #tpu.memory_space<vmem_shared>>
        tpu.wait_indirect_dma semaphore(%arg12 : memref<!tpu.dma_semaphore, #tpu.memory_space<semaphore_mem>>) src(%dma_wait3A_403 : memref<128x128xbf16, #tpu.memory_space<vmem>>) dst(%dma_wait3A_409 : memref<10112x128xbf16, #tpu.memory_space<vmem_shared>>)
      } else {
      }
      %mul3A_70 = arith.constant 6 : i32
      %mul3A_71 = arith.muli %scan3A_65, %mul3A_70 : i32
      %add3A_72 = arith.constant 0 : i32
      %add3A_73 = arith.addi %mul3A_71, %add3A_72 : i32
      %dma_start3A = arith.constant 0 : i32
      %dma_start3A_74 = arith.constant 0 : i32
      %dma_start3A_75 = arith.constant 0 : i32
      %dma_start3A_76 = tpu.memref_slice %arg9[%dma_start3A, %dma_start3A_74, %dma_start3A_75] : memref<6x128x128xbf16, #tpu.memory_space<vmem>> -> memref<1x128x128xbf16, #tpu.memory_space<vmem>>
      %dma_start3A_77 = tpu.memref_squeeze %dma_start3A_76 : memref<1x128x128xbf16, #tpu.memory_space<vmem>> -> memref<128x128xbf16, #tpu.memory_space<vmem>>
      %dma_start3A_78 = arith.constant 0 : i32
      %dma_start3A_79 = tpu.memref_slice %arg6[%add3A_73, %dma_start3A_78] : memref<84x128xi32, #tpu.memory_space<vmem>> -> memref<1x128xi32, #tpu.memory_space<vmem>>
      %dma_start3A_80 = tpu.memref_squeeze %dma_start3A_79 : memref<1x128xi32, #tpu.memory_space<vmem>> -> memref<128xi32, #tpu.memory_space<vmem>>
      %dma_start3A_81 = arith.constant 0 : i32
      %dma_start3A_82 = arith.constant 0 : i32
      %dma_start3A_83 = tpu.memref_slice %arg2[%arg0, %dma_start3A_81, %dma_start3A_82] : memref<2x10000x128xbf16, #tpu.memory_space<hbm>> -> memref<1x10000x128xbf16, #tpu.memory_space<hbm>>
      %dma_start3A_84 = tpu.memref_squeeze %dma_start3A_83 : memref<1x10000x128xbf16, #tpu.memory_space<hbm>> -> memref<10000x128xbf16, #tpu.memory_space<hbm>>
      %dma_start3A_85 = arith.constant 0 : i32
      %dma_start3A_86 = arith.constant 0 : i32
      %dma_start3A_87 = tpu.memref_slice %dma_start3A_84[%dma_start3A_85, %dma_start3A_86] : memref<10000x128xbf16, #tpu.memory_space<hbm>> -> memref<10000x128xbf16, #tpu.memory_space<hbm>>
      tpu.enqueue_indirect_dma source(%dma_start3A_87 : memref<10000x128xbf16, #tpu.memory_space<hbm>>) target(%dma_start3A_77 : memref<128x128xbf16, #tpu.memory_space<vmem>>) offsets(%dma_start3A_80 : memref<128xi32, #tpu.memory_space<vmem>>) semaphore(%arg11 : memref<!tpu.dma_semaphore, #tpu.memory_space<semaphore_mem>>)
      %add3A_88 = arith.constant 1 : i32
      %add3A_89 = arith.addi %mul3A_71, %add3A_88 : i32
      %dma_start3A_90 = arith.constant 1 : i32
      %dma_start3A_91 = arith.constant 0 : i32
      %dma_start3A_92 = arith.constant 0 : i32
      %dma_start3A_93 = tpu.memref_slice %arg9[%dma_start3A_90, %dma_start3A_91, %dma_start3A_92] : memref<6x128x128xbf16, #tpu.memory_space<vmem>> -> memref<1x128x128xbf16, #tpu.memory_space<vmem>>
      %dma_start3A_94 = tpu.memref_squeeze %dma_start3A_93 : memref<1x128x128xbf16, #tpu.memory_space<vmem>> -> memref<128x128xbf16, #tpu.memory_space<vmem>>
      %dma_start3A_95 = arith.constant 0 : i32
      %dma_start3A_96 = tpu.memref_slice %arg6[%add3A_89, %dma_start3A_95] : memref<84x128xi32, #tpu.memory_space<vmem>> -> memref<1x128xi32, #tpu.memory_space<vmem>>
      %dma_start3A_97 = tpu.memref_squeeze %dma_start3A_96 : memref<1x128xi32, #tpu.memory_space<vmem>> -> memref<128xi32, #tpu.memory_space<vmem>>
      %dma_start3A_98 = arith.constant 0 : i32
      %dma_start3A_99 = arith.constant 0 : i32
      %dma_start3A_100 = tpu.memref_slice %arg2[%arg0, %dma_start3A_98, %dma_start3A_99] : memref<2x10000x128xbf16, #tpu.memory_space<hbm>> -> memref<1x10000x128xbf16, #tpu.memory_space<hbm>>
      %dma_start3A_101 = tpu.memref_squeeze %dma_start3A_100 : memref<1x10000x128xbf16, #tpu.memory_space<hbm>> -> memref<10000x128xbf16, #tpu.memory_space<hbm>>
      %dma_start3A_102 = arith.constant 0 : i32
      %dma_start3A_103 = arith.constant 0 : i32
      %dma_start3A_104 = tpu.memref_slice %dma_start3A_101[%dma_start3A_102, %dma_start3A_103] : memref<10000x128xbf16, #tpu.memory_space<hbm>> -> memref<10000x128xbf16, #tpu.memory_space<hbm>>
      tpu.enqueue_indirect_dma source(%dma_start3A_104 : memref<10000x128xbf16, #tpu.memory_space<hbm>>) target(%dma_start3A_94 : memref<128x128xbf16, #tpu.memory_space<vmem>>) offsets(%dma_start3A_97 : memref<128xi32, #tpu.memory_space<vmem>>) semaphore(%arg11 : memref<!tpu.dma_semaphore, #tpu.memory_space<semaphore_mem>>)
      %add3A_105 = arith.constant 2 : i32
      %add3A_106 = arith.addi %mul3A_71, %add3A_105 : i32
      %dma_start3A_107 = arith.constant 2 : i32
      %dma_start3A_108 = arith.constant 0 : i32
      %dma_start3A_109 = arith.constant 0 : i32
      %dma_start3A_110 = tpu.memref_slice %arg9[%dma_start3A_107, %dma_start3A_108, %dma_start3A_109] : memref<6x128x128xbf16, #tpu.memory_space<vmem>> -> memref<1x128x128xbf16, #tpu.memory_space<vmem>>
      %dma_start3A_111 = tpu.memref_squeeze %dma_start3A_110 : memref<1x128x128xbf16, #tpu.memory_space<vmem>> -> memref<128x128xbf16, #tpu.memory_space<vmem>>
      %dma_start3A_112 = arith.constant 0 : i32
      %dma_start3A_113 = tpu.memref_slice %arg6[%add3A_106, %dma_start3A_112] : memref<84x128xi32, #tpu.memory_space<vmem>> -> memref<1x128xi32, #tpu.memory_space<vmem>>
      %dma_start3A_114 = tpu.memref_squeeze %dma_start3A_113 : memref<1x128xi32, #tpu.memory_space<vmem>> -> memref<128xi32, #tpu.memory_space<vmem>>
      %dma_start3A_115 = arith.constant 0 : i32
      %dma_start3A_116 = arith.constant 0 : i32
      %dma_start3A_117 = tpu.memref_slice %arg2[%arg0, %dma_start3A_115, %dma_start3A_116] : memref<2x10000x128xbf16, #tpu.memory_space<hbm>> -> memref<1x10000x128xbf16, #tpu.memory_space<hbm>>
      %dma_start3A_118 = tpu.memref_squeeze %dma_start3A_117 : memref<1x10000x128xbf16, #tpu.memory_space<hbm>> -> memref<10000x128xbf16, #tpu.memory_space<hbm>>
      %dma_start3A_119 = arith.constant 0 : i32
      %dma_start3A_120 = arith.constant 0 : i32
      %dma_start3A_121 = tpu.memref_slice %dma_start3A_118[%dma_start3A_119, %dma_start3A_120] : memref<10000x128xbf16, #tpu.memory_space<hbm>> -> memref<10000x128xbf16, #tpu.memory_space<hbm>>
      tpu.enqueue_indirect_dma source(%dma_start3A_121 : memref<10000x128xbf16, #tpu.memory_space<hbm>>) target(%dma_start3A_111 : memref<128x128xbf16, #tpu.memory_space<vmem>>) offsets(%dma_start3A_114 : memref<128xi32, #tpu.memory_space<vmem>>) semaphore(%arg11 : memref<!tpu.dma_semaphore, #tpu.memory_space<semaphore_mem>>)
      %dma_wait3A_122 = arith.constant 0 : i32
      %dma_wait3A_123 = arith.constant 0 : i32
      %dma_wait3A_124 = arith.constant 0 : i32
      %dma_wait3A_125 = tpu.memref_slice %arg9[%dma_wait3A_122, %dma_wait3A_123, %dma_wait3A_124] : memref<6x128x128xbf16, #tpu.memory_space<vmem>> -> memref<1x128x128xbf16, #tpu.memory_space<vmem>>
      %dma_wait3A_126 = tpu.memref_squeeze %dma_wait3A_125 : memref<1x128x128xbf16, #tpu.memory_space<vmem>> -> memref<128x128xbf16, #tpu.memory_space<vmem>>
      %dma_wait3A_127 = arith.constant 0 : i32
      %dma_wait3A_128 = tpu.memref_slice %arg6[%add3A_73, %dma_wait3A_127] : memref<84x128xi32, #tpu.memory_space<vmem>> -> memref<1x128xi32, #tpu.memory_space<vmem>>
      %dma_wait3A_129 = tpu.memref_squeeze %dma_wait3A_128 : memref<1x128xi32, #tpu.memory_space<vmem>> -> memref<128xi32, #tpu.memory_space<vmem>>
      %dma_wait3A_130 = arith.constant 0 : i32
      %dma_wait3A_131 = arith.constant 0 : i32
      %dma_wait3A_132 = tpu.memref_slice %arg2[%arg0, %dma_wait3A_130, %dma_wait3A_131] : memref<2x10000x128xbf16, #tpu.memory_space<hbm>> -> memref<1x10000x128xbf16, #tpu.memory_space<hbm>>
      %dma_wait3A_133 = tpu.memref_squeeze %dma_wait3A_132 : memref<1x10000x128xbf16, #tpu.memory_space<hbm>> -> memref<10000x128xbf16, #tpu.memory_space<hbm>>
      %dma_wait3A_134 = arith.constant 0 : i32
      %dma_wait3A_135 = arith.constant 0 : i32
      %dma_wait3A_136 = tpu.memref_slice %dma_wait3A_133[%dma_wait3A_134, %dma_wait3A_135] : memref<10000x128xbf16, #tpu.memory_space<hbm>> -> memref<10000x128xbf16, #tpu.memory_space<hbm>>
      tpu.wait_indirect_dma semaphore(%arg11 : memref<!tpu.dma_semaphore, #tpu.memory_space<semaphore_mem>>) src(%dma_wait3A_136 : memref<10000x128xbf16, #tpu.memory_space<hbm>>) dst(%dma_wait3A_126 : memref<128x128xbf16, #tpu.memory_space<vmem>>)
      %dma_wait3A_137 = arith.constant 1 : i32
      %dma_wait3A_138 = arith.constant 0 : i32
      %dma_wait3A_139 = arith.constant 0 : i32
      %dma_wait3A_140 = tpu.memref_slice %arg9[%dma_wait3A_137, %dma_wait3A_138, %dma_wait3A_139] : memref<6x128x128xbf16, #tpu.memory_space<vmem>> -> memref<1x128x128xbf16, #tpu.memory_space<vmem>>
      %dma_wait3A_141 = tpu.memref_squeeze %dma_wait3A_140 : memref<1x128x128xbf16, #tpu.memory_space<vmem>> -> memref<128x128xbf16, #tpu.memory_space<vmem>>
      %dma_wait3A_142 = arith.constant 0 : i32
      %dma_wait3A_143 = tpu.memref_slice %arg6[%add3A_89, %dma_wait3A_142] : memref<84x128xi32, #tpu.memory_space<vmem>> -> memref<1x128xi32, #tpu.memory_space<vmem>>
      %dma_wait3A_144 = tpu.memref_squeeze %dma_wait3A_143 : memref<1x128xi32, #tpu.memory_space<vmem>> -> memref<128xi32, #tpu.memory_space<vmem>>
      %dma_wait3A_145 = arith.constant 0 : i32
      %dma_wait3A_146 = arith.constant 0 : i32
      %dma_wait3A_147 = tpu.memref_slice %arg2[%arg0, %dma_wait3A_145, %dma_wait3A_146] : memref<2x10000x128xbf16, #tpu.memory_space<hbm>> -> memref<1x10000x128xbf16, #tpu.memory_space<hbm>>
      %dma_wait3A_148 = tpu.memref_squeeze %dma_wait3A_147 : memref<1x10000x128xbf16, #tpu.memory_space<hbm>> -> memref<10000x128xbf16, #tpu.memory_space<hbm>>
      %dma_wait3A_149 = arith.constant 0 : i32
      %dma_wait3A_150 = arith.constant 0 : i32
      %dma_wait3A_151 = tpu.memref_slice %dma_wait3A_148[%dma_wait3A_149, %dma_wait3A_150] : memref<10000x128xbf16, #tpu.memory_space<hbm>> -> memref<10000x128xbf16, #tpu.memory_space<hbm>>
      tpu.wait_indirect_dma semaphore(%arg11 : memref<!tpu.dma_semaphore, #tpu.memory_space<semaphore_mem>>) src(%dma_wait3A_151 : memref<10000x128xbf16, #tpu.memory_space<hbm>>) dst(%dma_wait3A_141 : memref<128x128xbf16, #tpu.memory_space<vmem>>)
      %dma_wait3A_152 = arith.constant 2 : i32
      %dma_wait3A_153 = arith.constant 0 : i32
      %dma_wait3A_154 = arith.constant 0 : i32
      %dma_wait3A_155 = tpu.memref_slice %arg9[%dma_wait3A_152, %dma_wait3A_153, %dma_wait3A_154] : memref<6x128x128xbf16, #tpu.memory_space<vmem>> -> memref<1x128x128xbf16, #tpu.memory_space<vmem>>
      %dma_wait3A_156 = tpu.memref_squeeze %dma_wait3A_155 : memref<1x128x128xbf16, #tpu.memory_space<vmem>> -> memref<128x128xbf16, #tpu.memory_space<vmem>>
      %dma_wait3A_157 = arith.constant 0 : i32
      %dma_wait3A_158 = tpu.memref_slice %arg6[%add3A_106, %dma_wait3A_157] : memref<84x128xi32, #tpu.memory_space<vmem>> -> memref<1x128xi32, #tpu.memory_space<vmem>>
      %dma_wait3A_159 = tpu.memref_squeeze %dma_wait3A_158 : memref<1x128xi32, #tpu.memory_space<vmem>> -> memref<128xi32, #tpu.memory_space<vmem>>
      %dma_wait3A_160 = arith.constant 0 : i32
      %dma_wait3A_161 = arith.constant 0 : i32
      %dma_wait3A_162 = tpu.memref_slice %arg2[%arg0, %dma_wait3A_160, %dma_wait3A_161] : memref<2x10000x128xbf16, #tpu.memory_space<hbm>> -> memref<1x10000x128xbf16, #tpu.memory_space<hbm>>
      %dma_wait3A_163 = tpu.memref_squeeze %dma_wait3A_162 : memref<1x10000x128xbf16, #tpu.memory_space<hbm>> -> memref<10000x128xbf16, #tpu.memory_space<hbm>>
      %dma_wait3A_164 = arith.constant 0 : i32
      %dma_wait3A_165 = arith.constant 0 : i32
      %dma_wait3A_166 = tpu.memref_slice %dma_wait3A_163[%dma_wait3A_164, %dma_wait3A_165] : memref<10000x128xbf16, #tpu.memory_space<hbm>> -> memref<10000x128xbf16, #tpu.memory_space<hbm>>
      tpu.wait_indirect_dma semaphore(%arg11 : memref<!tpu.dma_semaphore, #tpu.memory_space<semaphore_mem>>) src(%dma_wait3A_166 : memref<10000x128xbf16, #tpu.memory_space<hbm>>) dst(%dma_wait3A_156 : memref<128x128xbf16, #tpu.memory_space<vmem>>)
      %add3A_167 = arith.constant 0 : i32
      %add3A_168 = arith.addi %mul3A_71, %add3A_167 : i32
      %dma_start3A_169 = arith.constant 0 : i32
      %dma_start3A_170 = arith.constant 0 : i32
      %dma_start3A_171 = arith.constant 0 : i32
      %dma_start3A_172 = tpu.memref_slice %arg9[%dma_start3A_169, %dma_start3A_170, %dma_start3A_171] : memref<6x128x128xbf16, #tpu.memory_space<vmem>> -> memref<1x128x128xbf16, #tpu.memory_space<vmem>>
      %dma_start3A_173 = tpu.memref_squeeze %dma_start3A_172 : memref<1x128x128xbf16, #tpu.memory_space<vmem>> -> memref<128x128xbf16, #tpu.memory_space<vmem>>
      %dma_start3A_174 = arith.constant 0 : i32
      %dma_start3A_175 = tpu.memref_slice %arg7[%add3A_168, %dma_start3A_174] : memref<84x128xi32, #tpu.memory_space<vmem>> -> memref<1x128xi32, #tpu.memory_space<vmem>>
      %dma_start3A_176 = tpu.memref_squeeze %dma_start3A_175 : memref<1x128xi32, #tpu.memory_space<vmem>> -> memref<128xi32, #tpu.memory_space<vmem>>
      %dma_start3A_177 = arith.constant 0 : i32
      %dma_start3A_178 = arith.constant 0 : i32
      %dma_start3A_179 = tpu.memref_slice %arg10[%dma_start3A_177, %dma_start3A_178] : memref<10112x128xbf16, #tpu.memory_space<vmem_shared>> -> memref<10112x128xbf16, #tpu.memory_space<vmem_shared>>
      tpu.enqueue_indirect_dma source(%dma_start3A_173 : memref<128x128xbf16, #tpu.memory_space<vmem>>) target(%dma_start3A_179 : memref<10112x128xbf16, #tpu.memory_space<vmem_shared>>) offsets(%dma_start3A_176 : memref<128xi32, #tpu.memory_space<vmem>>) semaphore(%arg12 : memref<!tpu.dma_semaphore, #tpu.memory_space<semaphore_mem>>) {add = true}
      %add3A_180 = arith.constant 1 : i32
      %add3A_181 = arith.addi %mul3A_71, %add3A_180 : i32
      %dma_start3A_182 = arith.constant 1 : i32
      %dma_start3A_183 = arith.constant 0 : i32
      %dma_start3A_184 = arith.constant 0 : i32
      %dma_start3A_185 = tpu.memref_slice %arg9[%dma_start3A_182, %dma_start3A_183, %dma_start3A_184] : memref<6x128x128xbf16, #tpu.memory_space<vmem>> -> memref<1x128x128xbf16, #tpu.memory_space<vmem>>
      %dma_start3A_186 = tpu.memref_squeeze %dma_start3A_185 : memref<1x128x128xbf16, #tpu.memory_space<vmem>> -> memref<128x128xbf16, #tpu.memory_space<vmem>>
      %dma_start3A_187 = arith.constant 0 : i32
      %dma_start3A_188 = tpu.memref_slice %arg7[%add3A_181, %dma_start3A_187] : memref<84x128xi32, #tpu.memory_space<vmem>> -> memref<1x128xi32, #tpu.memory_space<vmem>>
      %dma_start3A_189 = tpu.memref_squeeze %dma_start3A_188 : memref<1x128xi32, #tpu.memory_space<vmem>> -> memref<128xi32, #tpu.memory_space<vmem>>
      %dma_start3A_190 = arith.constant 0 : i32
      %dma_start3A_191 = arith.constant 0 : i32
      %dma_start3A_192 = tpu.memref_slice %arg10[%dma_start3A_190, %dma_start3A_191] : memref<10112x128xbf16, #tpu.memory_space<vmem_shared>> -> memref<10112x128xbf16, #tpu.memory_space<vmem_shared>>
      tpu.enqueue_indirect_dma source(%dma_start3A_186 : memref<128x128xbf16, #tpu.memory_space<vmem>>) target(%dma_start3A_192 : memref<10112x128xbf16, #tpu.memory_space<vmem_shared>>) offsets(%dma_start3A_189 : memref<128xi32, #tpu.memory_space<vmem>>) semaphore(%arg12 : memref<!tpu.dma_semaphore, #tpu.memory_space<semaphore_mem>>) {add = true}
      %add3A_193 = arith.constant 2 : i32
      %add3A_194 = arith.addi %mul3A_71, %add3A_193 : i32
      %dma_start3A_195 = arith.constant 2 : i32
      %dma_start3A_196 = arith.constant 0 : i32
      %dma_start3A_197 = arith.constant 0 : i32
      %dma_start3A_198 = tpu.memref_slice %arg9[%dma_start3A_195, %dma_start3A_196, %dma_start3A_197] : memref<6x128x128xbf16, #tpu.memory_space<vmem>> -> memref<1x128x128xbf16, #tpu.memory_space<vmem>>
      %dma_start3A_199 = tpu.memref_squeeze %dma_start3A_198 : memref<1x128x128xbf16, #tpu.memory_space<vmem>> -> memref<128x128xbf16, #tpu.memory_space<vmem>>
      %dma_start3A_200 = arith.constant 0 : i32
      %dma_start3A_201 = tpu.memref_slice %arg7[%add3A_194, %dma_start3A_200] : memref<84x128xi32, #tpu.memory_space<vmem>> -> memref<1x128xi32, #tpu.memory_space<vmem>>
      %dma_start3A_202 = tpu.memref_squeeze %dma_start3A_201 : memref<1x128xi32, #tpu.memory_space<vmem>> -> memref<128xi32, #tpu.memory_space<vmem>>
      %dma_start3A_203 = arith.constant 0 : i32
      %dma_start3A_204 = arith.constant 0 : i32
      %dma_start3A_205 = tpu.memref_slice %arg10[%dma_start3A_203, %dma_start3A_204] : memref<10112x128xbf16, #tpu.memory_space<vmem_shared>> -> memref<10112x128xbf16, #tpu.memory_space<vmem_shared>>
      tpu.enqueue_indirect_dma source(%dma_start3A_199 : memref<128x128xbf16, #tpu.memory_space<vmem>>) target(%dma_start3A_205 : memref<10112x128xbf16, #tpu.memory_space<vmem_shared>>) offsets(%dma_start3A_202 : memref<128xi32, #tpu.memory_space<vmem>>) semaphore(%arg12 : memref<!tpu.dma_semaphore, #tpu.memory_space<semaphore_mem>>) {add = true}
      %add3A_206 = arith.constant 3 : i32
      %add3A_207 = arith.addi %mul3A_71, %add3A_206 : i32
      %dma_start3A_208 = arith.constant 3 : i32
      %dma_start3A_209 = arith.constant 0 : i32
      %dma_start3A_210 = arith.constant 0 : i32
      %dma_start3A_211 = tpu.memref_slice %arg9[%dma_start3A_208, %dma_start3A_209, %dma_start3A_210] : memref<6x128x128xbf16, #tpu.memory_space<vmem>> -> memref<1x128x128xbf16, #tpu.memory_space<vmem>>
      %dma_start3A_212 = tpu.memref_squeeze %dma_start3A_211 : memref<1x128x128xbf16, #tpu.memory_space<vmem>> -> memref<128x128xbf16, #tpu.memory_space<vmem>>
      %dma_start3A_213 = arith.constant 0 : i32
      %dma_start3A_214 = tpu.memref_slice %arg6[%add3A_207, %dma_start3A_213] : memref<84x128xi32, #tpu.memory_space<vmem>> -> memref<1x128xi32, #tpu.memory_space<vmem>>
      %dma_start3A_215 = tpu.memref_squeeze %dma_start3A_214 : memref<1x128xi32, #tpu.memory_space<vmem>> -> memref<128xi32, #tpu.memory_space<vmem>>
      %dma_start3A_216 = arith.constant 0 : i32
      %dma_start3A_217 = arith.constant 0 : i32
      %dma_start3A_218 = tpu.memref_slice %arg2[%arg0, %dma_start3A_216, %dma_start3A_217] : memref<2x10000x128xbf16, #tpu.memory_space<hbm>> -> memref<1x10000x128xbf16, #tpu.memory_space<hbm>>
      %dma_start3A_219 = tpu.memref_squeeze %dma_start3A_218 : memref<1x10000x128xbf16, #tpu.memory_space<hbm>> -> memref<10000x128xbf16, #tpu.memory_space<hbm>>
      %dma_start3A_220 = arith.constant 0 : i32
      %dma_start3A_221 = arith.constant 0 : i32
      %dma_start3A_222 = tpu.memref_slice %dma_start3A_219[%dma_start3A_220, %dma_start3A_221] : memref<10000x128xbf16, #tpu.memory_space<hbm>> -> memref<10000x128xbf16, #tpu.memory_space<hbm>>
      tpu.enqueue_indirect_dma source(%dma_start3A_222 : memref<10000x128xbf16, #tpu.memory_space<hbm>>) target(%dma_start3A_212 : memref<128x128xbf16, #tpu.memory_space<vmem>>) offsets(%dma_start3A_215 : memref<128xi32, #tpu.memory_space<vmem>>) semaphore(%arg11 : memref<!tpu.dma_semaphore, #tpu.memory_space<semaphore_mem>>)
      %add3A_223 = arith.constant 4 : i32
      %add3A_224 = arith.addi %mul3A_71, %add3A_223 : i32
      %dma_start3A_225 = arith.constant 4 : i32
      %dma_start3A_226 = arith.constant 0 : i32
      %dma_start3A_227 = arith.constant 0 : i32
      %dma_start3A_228 = tpu.memref_slice %arg9[%dma_start3A_225, %dma_start3A_226, %dma_start3A_227] : memref<6x128x128xbf16, #tpu.memory_space<vmem>> -> memref<1x128x128xbf16, #tpu.memory_space<vmem>>
      %dma_start3A_229 = tpu.memref_squeeze %dma_start3A_228 : memref<1x128x128xbf16, #tpu.memory_space<vmem>> -> memref<128x128xbf16, #tpu.memory_space<vmem>>
      %dma_start3A_230 = arith.constant 0 : i32
      %dma_start3A_231 = tpu.memref_slice %arg6[%add3A_224, %dma_start3A_230] : memref<84x128xi32, #tpu.memory_space<vmem>> -> memref<1x128xi32, #tpu.memory_space<vmem>>
      %dma_start3A_232 = tpu.memref_squeeze %dma_start3A_231 : memref<1x128xi32, #tpu.memory_space<vmem>> -> memref<128xi32, #tpu.memory_space<vmem>>
      %dma_start3A_233 = arith.constant 0 : i32
      %dma_start3A_234 = arith.constant 0 : i32
      %dma_start3A_235 = tpu.memref_slice %arg2[%arg0, %dma_start3A_233, %dma_start3A_234] : memref<2x10000x128xbf16, #tpu.memory_space<hbm>> -> memref<1x10000x128xbf16, #tpu.memory_space<hbm>>
      %dma_start3A_236 = tpu.memref_squeeze %dma_start3A_235 : memref<1x10000x128xbf16, #tpu.memory_space<hbm>> -> memref<10000x128xbf16, #tpu.memory_space<hbm>>
      %dma_start3A_237 = arith.constant 0 : i32
      %dma_start3A_238 = arith.constant 0 : i32
      %dma_start3A_239 = tpu.memref_slice %dma_start3A_236[%dma_start3A_237, %dma_start3A_238] : memref<10000x128xbf16, #tpu.memory_space<hbm>> -> memref<10000x128xbf16, #tpu.memory_space<hbm>>
      tpu.enqueue_indirect_dma source(%dma_start3A_239 : memref<10000x128xbf16, #tpu.memory_space<hbm>>) target(%dma_start3A_229 : memref<128x128xbf16, #tpu.memory_space<vmem>>) offsets(%dma_start3A_232 : memref<128xi32, #tpu.memory_space<vmem>>) semaphore(%arg11 : memref<!tpu.dma_semaphore, #tpu.memory_space<semaphore_mem>>)
      %add3A_240 = arith.constant 5 : i32
      %add3A_241 = arith.addi %mul3A_71, %add3A_240 : i32
      %dma_start3A_242 = arith.constant 5 : i32
      %dma_start3A_243 = arith.constant 0 : i32
      %dma_start3A_244 = arith.constant 0 : i32
      %dma_start3A_245 = tpu.memref_slice %arg9[%dma_start3A_242, %dma_start3A_243, %dma_start3A_244] : memref<6x128x128xbf16, #tpu.memory_space<vmem>> -> memref<1x128x128xbf16, #tpu.memory_space<vmem>>
      %dma_start3A_246 = tpu.memref_squeeze %dma_start3A_245 : memref<1x128x128xbf16, #tpu.memory_space<vmem>> -> memref<128x128xbf16, #tpu.memory_space<vmem>>
      %dma_start3A_247 = arith.constant 0 : i32
      %dma_start3A_248 = tpu.memref_slice %arg6[%add3A_241, %dma_start3A_247] : memref<84x128xi32, #tpu.memory_space<vmem>> -> memref<1x128xi32, #tpu.memory_space<vmem>>
      %dma_start3A_249 = tpu.memref_squeeze %dma_start3A_248 : memref<1x128xi32, #tpu.memory_space<vmem>> -> memref<128xi32, #tpu.memory_space<vmem>>
      %dma_start3A_250 = arith.constant 0 : i32
      %dma_start3A_251 = arith.constant 0 : i32
      %dma_start3A_252 = tpu.memref_slice %arg2[%arg0, %dma_start3A_250, %dma_start3A_251] : memref<2x10000x128xbf16, #tpu.memory_space<hbm>> -> memref<1x10000x128xbf16, #tpu.memory_space<hbm>>
      %dma_start3A_253 = tpu.memref_squeeze %dma_start3A_252 : memref<1x10000x128xbf16, #tpu.memory_space<hbm>> -> memref<10000x128xbf16, #tpu.memory_space<hbm>>
      %dma_start3A_254 = arith.constant 0 : i32
      %dma_start3A_255 = arith.constant 0 : i32
      %dma_start3A_256 = tpu.memref_slice %dma_start3A_253[%dma_start3A_254, %dma_start3A_255] : memref<10000x128xbf16, #tpu.memory_space<hbm>> -> memref<10000x128xbf16, #tpu.memory_space<hbm>>
      tpu.enqueue_indirect_dma source(%dma_start3A_256 : memref<10000x128xbf16, #tpu.memory_space<hbm>>) target(%dma_start3A_246 : memref<128x128xbf16, #tpu.memory_space<vmem>>) offsets(%dma_start3A_249 : memref<128xi32, #tpu.memory_space<vmem>>) semaphore(%arg11 : memref<!tpu.dma_semaphore, #tpu.memory_space<semaphore_mem>>)
      %dma_wait3A_257 = arith.constant 3 : i32
      %dma_wait3A_258 = arith.constant 0 : i32
      %dma_wait3A_259 = arith.constant 0 : i32
      %dma_wait3A_260 = tpu.memref_slice %arg9[%dma_wait3A_257, %dma_wait3A_258, %dma_wait3A_259] : memref<6x128x128xbf16, #tpu.memory_space<vmem>> -> memref<1x128x128xbf16, #tpu.memory_space<vmem>>
      %dma_wait3A_261 = tpu.memref_squeeze %dma_wait3A_260 : memref<1x128x128xbf16, #tpu.memory_space<vmem>> -> memref<128x128xbf16, #tpu.memory_space<vmem>>
      %dma_wait3A_262 = arith.constant 0 : i32
      %dma_wait3A_263 = tpu.memref_slice %arg6[%add3A_207, %dma_wait3A_262] : memref<84x128xi32, #tpu.memory_space<vmem>> -> memref<1x128xi32, #tpu.memory_space<vmem>>
      %dma_wait3A_264 = tpu.memref_squeeze %dma_wait3A_263 : memref<1x128xi32, #tpu.memory_space<vmem>> -> memref<128xi32, #tpu.memory_space<vmem>>
      %dma_wait3A_265 = arith.constant 0 : i32
      %dma_wait3A_266 = arith.constant 0 : i32
      %dma_wait3A_267 = tpu.memref_slice %arg2[%arg0, %dma_wait3A_265, %dma_wait3A_266] : memref<2x10000x128xbf16, #tpu.memory_space<hbm>> -> memref<1x10000x128xbf16, #tpu.memory_space<hbm>>
      %dma_wait3A_268 = tpu.memref_squeeze %dma_wait3A_267 : memref<1x10000x128xbf16, #tpu.memory_space<hbm>> -> memref<10000x128xbf16, #tpu.memory_space<hbm>>
      %dma_wait3A_269 = arith.constant 0 : i32
      %dma_wait3A_270 = arith.constant 0 : i32
      %dma_wait3A_271 = tpu.memref_slice %dma_wait3A_268[%dma_wait3A_269, %dma_wait3A_270] : memref<10000x128xbf16, #tpu.memory_space<hbm>> -> memref<10000x128xbf16, #tpu.memory_space<hbm>>
      tpu.wait_indirect_dma semaphore(%arg11 : memref<!tpu.dma_semaphore, #tpu.memory_space<semaphore_mem>>) src(%dma_wait3A_271 : memref<10000x128xbf16, #tpu.memory_space<hbm>>) dst(%dma_wait3A_261 : memref<128x128xbf16, #tpu.memory_space<vmem>>)
      %dma_wait3A_272 = arith.constant 4 : i32
      %dma_wait3A_273 = arith.constant 0 : i32
      %dma_wait3A_274 = arith.constant 0 : i32
      %dma_wait3A_275 = tpu.memref_slice %arg9[%dma_wait3A_272, %dma_wait3A_273, %dma_wait3A_274] : memref<6x128x128xbf16, #tpu.memory_space<vmem>> -> memref<1x128x128xbf16, #tpu.memory_space<vmem>>
      %dma_wait3A_276 = tpu.memref_squeeze %dma_wait3A_275 : memref<1x128x128xbf16, #tpu.memory_space<vmem>> -> memref<128x128xbf16, #tpu.memory_space<vmem>>
      %dma_wait3A_277 = arith.constant 0 : i32
      %dma_wait3A_278 = tpu.memref_slice %arg6[%add3A_224, %dma_wait3A_277] : memref<84x128xi32, #tpu.memory_space<vmem>> -> memref<1x128xi32, #tpu.memory_space<vmem>>
      %dma_wait3A_279 = tpu.memref_squeeze %dma_wait3A_278 : memref<1x128xi32, #tpu.memory_space<vmem>> -> memref<128xi32, #tpu.memory_space<vmem>>
      %dma_wait3A_280 = arith.constant 0 : i32
      %dma_wait3A_281 = arith.constant 0 : i32
      %dma_wait3A_282 = tpu.memref_slice %arg2[%arg0, %dma_wait3A_280, %dma_wait3A_281] : memref<2x10000x128xbf16, #tpu.memory_space<hbm>> -> memref<1x10000x128xbf16, #tpu.memory_space<hbm>>
      %dma_wait3A_283 = tpu.memref_squeeze %dma_wait3A_282 : memref<1x10000x128xbf16, #tpu.memory_space<hbm>> -> memref<10000x128xbf16, #tpu.memory_space<hbm>>
      %dma_wait3A_284 = arith.constant 0 : i32
      %dma_wait3A_285 = arith.constant 0 : i32
      %dma_wait3A_286 = tpu.memref_slice %dma_wait3A_283[%dma_wait3A_284, %dma_wait3A_285] : memref<10000x128xbf16, #tpu.memory_space<hbm>> -> memref<10000x128xbf16, #tpu.memory_space<hbm>>
      tpu.wait_indirect_dma semaphore(%arg11 : memref<!tpu.dma_semaphore, #tpu.memory_space<semaphore_mem>>) src(%dma_wait3A_286 : memref<10000x128xbf16, #tpu.memory_space<hbm>>) dst(%dma_wait3A_276 : memref<128x128xbf16, #tpu.memory_space<vmem>>)
      %dma_wait3A_287 = arith.constant 5 : i32
      %dma_wait3A_288 = arith.constant 0 : i32
      %dma_wait3A_289 = arith.constant 0 : i32
      %dma_wait3A_290 = tpu.memref_slice %arg9[%dma_wait3A_287, %dma_wait3A_288, %dma_wait3A_289] : memref<6x128x128xbf16, #tpu.memory_space<vmem>> -> memref<1x128x128xbf16, #tpu.memory_space<vmem>>
      %dma_wait3A_291 = tpu.memref_squeeze %dma_wait3A_290 : memref<1x128x128xbf16, #tpu.memory_space<vmem>> -> memref<128x128xbf16, #tpu.memory_space<vmem>>
      %dma_wait3A_292 = arith.constant 0 : i32
      %dma_wait3A_293 = tpu.memref_slice %arg6[%add3A_241, %dma_wait3A_292] : memref<84x128xi32, #tpu.memory_space<vmem>> -> memref<1x128xi32, #tpu.memory_space<vmem>>
      %dma_wait3A_294 = tpu.memref_squeeze %dma_wait3A_293 : memref<1x128xi32, #tpu.memory_space<vmem>> -> memref<128xi32, #tpu.memory_space<vmem>>
      %dma_wait3A_295 = arith.constant 0 : i32
      %dma_wait3A_296 = arith.constant 0 : i32
      %dma_wait3A_297 = tpu.memref_slice %arg2[%arg0, %dma_wait3A_295, %dma_wait3A_296] : memref<2x10000x128xbf16, #tpu.memory_space<hbm>> -> memref<1x10000x128xbf16, #tpu.memory_space<hbm>>
      %dma_wait3A_298 = tpu.memref_squeeze %dma_wait3A_297 : memref<1x10000x128xbf16, #tpu.memory_space<hbm>> -> memref<10000x128xbf16, #tpu.memory_space<hbm>>
      %dma_wait3A_299 = arith.constant 0 : i32
      %dma_wait3A_300 = arith.constant 0 : i32
      %dma_wait3A_301 = tpu.memref_slice %dma_wait3A_298[%dma_wait3A_299, %dma_wait3A_300] : memref<10000x128xbf16, #tpu.memory_space<hbm>> -> memref<10000x128xbf16, #tpu.memory_space<hbm>>
      tpu.wait_indirect_dma semaphore(%arg11 : memref<!tpu.dma_semaphore, #tpu.memory_space<semaphore_mem>>) src(%dma_wait3A_301 : memref<10000x128xbf16, #tpu.memory_space<hbm>>) dst(%dma_wait3A_291 : memref<128x128xbf16, #tpu.memory_space<vmem>>)
      %dma_wait3A_302 = arith.constant 0 : i32
      %dma_wait3A_303 = arith.constant 0 : i32
      %dma_wait3A_304 = arith.constant 0 : i32
      %dma_wait3A_305 = tpu.memref_slice %arg9[%dma_wait3A_302, %dma_wait3A_303, %dma_wait3A_304] : memref<6x128x128xbf16, #tpu.memory_space<vmem>> -> memref<1x128x128xbf16, #tpu.memory_space<vmem>>
      %dma_wait3A_306 = tpu.memref_squeeze %dma_wait3A_305 : memref<1x128x128xbf16, #tpu.memory_space<vmem>> -> memref<128x128xbf16, #tpu.memory_space<vmem>>
      %dma_wait3A_307 = arith.constant 0 : i32
      %dma_wait3A_308 = tpu.memref_slice %arg7[%add3A_168, %dma_wait3A_307] : memref<84x128xi32, #tpu.memory_space<vmem>> -> memref<1x128xi32, #tpu.memory_space<vmem>>
      %dma_wait3A_309 = tpu.memref_squeeze %dma_wait3A_308 : memref<1x128xi32, #tpu.memory_space<vmem>> -> memref<128xi32, #tpu.memory_space<vmem>>
      %dma_wait3A_310 = arith.constant 0 : i32
      %dma_wait3A_311 = arith.constant 0 : i32
      %dma_wait3A_312 = tpu.memref_slice %arg10[%dma_wait3A_310, %dma_wait3A_311] : memref<10112x128xbf16, #tpu.memory_space<vmem_shared>> -> memref<10112x128xbf16, #tpu.memory_space<vmem_shared>>
      tpu.wait_indirect_dma semaphore(%arg12 : memref<!tpu.dma_semaphore, #tpu.memory_space<semaphore_mem>>) src(%dma_wait3A_306 : memref<128x128xbf16, #tpu.memory_space<vmem>>) dst(%dma_wait3A_312 : memref<10112x128xbf16, #tpu.memory_space<vmem_shared>>)
      %dma_wait3A_313 = arith.constant 1 : i32
      %dma_wait3A_314 = arith.constant 0 : i32
      %dma_wait3A_315 = arith.constant 0 : i32
      %dma_wait3A_316 = tpu.memref_slice %arg9[%dma_wait3A_313, %dma_wait3A_314, %dma_wait3A_315] : memref<6x128x128xbf16, #tpu.memory_space<vmem>> -> memref<1x128x128xbf16, #tpu.memory_space<vmem>>
      %dma_wait3A_317 = tpu.memref_squeeze %dma_wait3A_316 : memref<1x128x128xbf16, #tpu.memory_space<vmem>> -> memref<128x128xbf16, #tpu.memory_space<vmem>>
      %dma_wait3A_318 = arith.constant 0 : i32
      %dma_wait3A_319 = tpu.memref_slice %arg7[%add3A_181, %dma_wait3A_318] : memref<84x128xi32, #tpu.memory_space<vmem>> -> memref<1x128xi32, #tpu.memory_space<vmem>>
      %dma_wait3A_320 = tpu.memref_squeeze %dma_wait3A_319 : memref<1x128xi32, #tpu.memory_space<vmem>> -> memref<128xi32, #tpu.memory_space<vmem>>
      %dma_wait3A_321 = arith.constant 0 : i32
      %dma_wait3A_322 = arith.constant 0 : i32
      %dma_wait3A_323 = tpu.memref_slice %arg10[%dma_wait3A_321, %dma_wait3A_322] : memref<10112x128xbf16, #tpu.memory_space<vmem_shared>> -> memref<10112x128xbf16, #tpu.memory_space<vmem_shared>>
      tpu.wait_indirect_dma semaphore(%arg12 : memref<!tpu.dma_semaphore, #tpu.memory_space<semaphore_mem>>) src(%dma_wait3A_317 : memref<128x128xbf16, #tpu.memory_space<vmem>>) dst(%dma_wait3A_323 : memref<10112x128xbf16, #tpu.memory_space<vmem_shared>>)
      %dma_wait3A_324 = arith.constant 2 : i32
      %dma_wait3A_325 = arith.constant 0 : i32
      %dma_wait3A_326 = arith.constant 0 : i32
      %dma_wait3A_327 = tpu.memref_slice %arg9[%dma_wait3A_324, %dma_wait3A_325, %dma_wait3A_326] : memref<6x128x128xbf16, #tpu.memory_space<vmem>> -> memref<1x128x128xbf16, #tpu.memory_space<vmem>>
      %dma_wait3A_328 = tpu.memref_squeeze %dma_wait3A_327 : memref<1x128x128xbf16, #tpu.memory_space<vmem>> -> memref<128x128xbf16, #tpu.memory_space<vmem>>
      %dma_wait3A_329 = arith.constant 0 : i32
      %dma_wait3A_330 = tpu.memref_slice %arg7[%add3A_194, %dma_wait3A_329] : memref<84x128xi32, #tpu.memory_space<vmem>> -> memref<1x128xi32, #tpu.memory_space<vmem>>
      %dma_wait3A_331 = tpu.memref_squeeze %dma_wait3A_330 : memref<1x128xi32, #tpu.memory_space<vmem>> -> memref<128xi32, #tpu.memory_space<vmem>>
      %dma_wait3A_332 = arith.constant 0 : i32
      %dma_wait3A_333 = arith.constant 0 : i32
      %dma_wait3A_334 = tpu.memref_slice %arg10[%dma_wait3A_332, %dma_wait3A_333] : memref<10112x128xbf16, #tpu.memory_space<vmem_shared>> -> memref<10112x128xbf16, #tpu.memory_space<vmem_shared>>
      tpu.wait_indirect_dma semaphore(%arg12 : memref<!tpu.dma_semaphore, #tpu.memory_space<semaphore_mem>>) src(%dma_wait3A_328 : memref<128x128xbf16, #tpu.memory_space<vmem>>) dst(%dma_wait3A_334 : memref<10112x128xbf16, #tpu.memory_space<vmem_shared>>)
      %add3A_335 = arith.constant 3 : i32
      %add3A_336 = arith.addi %mul3A_71, %add3A_335 : i32
      %dma_start3A_337 = arith.constant 3 : i32
      %dma_start3A_338 = arith.constant 0 : i32
      %dma_start3A_339 = arith.constant 0 : i32
      %dma_start3A_340 = tpu.memref_slice %arg9[%dma_start3A_337, %dma_start3A_338, %dma_start3A_339] : memref<6x128x128xbf16, #tpu.memory_space<vmem>> -> memref<1x128x128xbf16, #tpu.memory_space<vmem>>
      %dma_start3A_341 = tpu.memref_squeeze %dma_start3A_340 : memref<1x128x128xbf16, #tpu.memory_space<vmem>> -> memref<128x128xbf16, #tpu.memory_space<vmem>>
      %dma_start3A_342 = arith.constant 0 : i32
      %dma_start3A_343 = tpu.memref_slice %arg7[%add3A_336, %dma_start3A_342] : memref<84x128xi32, #tpu.memory_space<vmem>> -> memref<1x128xi32, #tpu.memory_space<vmem>>
      %dma_start3A_344 = tpu.memref_squeeze %dma_start3A_343 : memref<1x128xi32, #tpu.memory_space<vmem>> -> memref<128xi32, #tpu.memory_space<vmem>>
      %dma_start3A_345 = arith.constant 0 : i32
      %dma_start3A_346 = arith.constant 0 : i32
      %dma_start3A_347 = tpu.memref_slice %arg10[%dma_start3A_345, %dma_start3A_346] : memref<10112x128xbf16, #tpu.memory_space<vmem_shared>> -> memref<10112x128xbf16, #tpu.memory_space<vmem_shared>>
      tpu.enqueue_indirect_dma source(%dma_start3A_341 : memref<128x128xbf16, #tpu.memory_space<vmem>>) target(%dma_start3A_347 : memref<10112x128xbf16, #tpu.memory_space<vmem_shared>>) offsets(%dma_start3A_344 : memref<128xi32, #tpu.memory_space<vmem>>) semaphore(%arg12 : memref<!tpu.dma_semaphore, #tpu.memory_space<semaphore_mem>>) {add = true}
      %add3A_348 = arith.constant 4 : i32
      %add3A_349 = arith.addi %mul3A_71, %add3A_348 : i32
      %dma_start3A_350 = arith.constant 4 : i32
      %dma_start3A_351 = arith.constant 0 : i32
      %dma_start3A_352 = arith.constant 0 : i32
      %dma_start3A_353 = tpu.memref_slice %arg9[%dma_start3A_350, %dma_start3A_351, %dma_start3A_352] : memref<6x128x128xbf16, #tpu.memory_space<vmem>> -> memref<1x128x128xbf16, #tpu.memory_space<vmem>>
      %dma_start3A_354 = tpu.memref_squeeze %dma_start3A_353 : memref<1x128x128xbf16, #tpu.memory_space<vmem>> -> memref<128x128xbf16, #tpu.memory_space<vmem>>
      %dma_start3A_355 = arith.constant 0 : i32
      %dma_start3A_356 = tpu.memref_slice %arg7[%add3A_349, %dma_start3A_355] : memref<84x128xi32, #tpu.memory_space<vmem>> -> memref<1x128xi32, #tpu.memory_space<vmem>>
      %dma_start3A_357 = tpu.memref_squeeze %dma_start3A_356 : memref<1x128xi32, #tpu.memory_space<vmem>> -> memref<128xi32, #tpu.memory_space<vmem>>
      %dma_start3A_358 = arith.constant 0 : i32
      %dma_start3A_359 = arith.constant 0 : i32
      %dma_start3A_360 = tpu.memref_slice %arg10[%dma_start3A_358, %dma_start3A_359] : memref<10112x128xbf16, #tpu.memory_space<vmem_shared>> -> memref<10112x128xbf16, #tpu.memory_space<vmem_shared>>
      tpu.enqueue_indirect_dma source(%dma_start3A_354 : memref<128x128xbf16, #tpu.memory_space<vmem>>) target(%dma_start3A_360 : memref<10112x128xbf16, #tpu.memory_space<vmem_shared>>) offsets(%dma_start3A_357 : memref<128xi32, #tpu.memory_space<vmem>>) semaphore(%arg12 : memref<!tpu.dma_semaphore, #tpu.memory_space<semaphore_mem>>) {add = true}
      %add3A_361 = arith.constant 5 : i32
      %add3A_362 = arith.addi %mul3A_71, %add3A_361 : i32
      %dma_start3A_363 = arith.constant 5 : i32
      %dma_start3A_364 = arith.constant 0 : i32
      %dma_start3A_365 = arith.constant 0 : i32
      %dma_start3A_366 = tpu.memref_slice %arg9[%dma_start3A_363, %dma_start3A_364, %dma_start3A_365] : memref<6x128x128xbf16, #tpu.memory_space<vmem>> -> memref<1x128x128xbf16, #tpu.memory_space<vmem>>
      %dma_start3A_367 = tpu.memref_squeeze %dma_start3A_366 : memref<1x128x128xbf16, #tpu.memory_space<vmem>> -> memref<128x128xbf16, #tpu.memory_space<vmem>>
      %dma_start3A_368 = arith.constant 0 : i32
      %dma_start3A_369 = tpu.memref_slice %arg7[%add3A_362, %dma_start3A_368] : memref<84x128xi32, #tpu.memory_space<vmem>> -> memref<1x128xi32, #tpu.memory_space<vmem>>
      %dma_start3A_370 = tpu.memref_squeeze %dma_start3A_369 : memref<1x128xi32, #tpu.memory_space<vmem>> -> memref<128xi32, #tpu.memory_space<vmem>>
      %dma_start3A_371 = arith.constant 0 : i32
      %dma_start3A_372 = arith.constant 0 : i32
      %dma_start3A_373 = tpu.memref_slice %arg10[%dma_start3A_371, %dma_start3A_372] : memref<10112x128xbf16, #tpu.memory_space<vmem_shared>> -> memref<10112x128xbf16, #tpu.memory_space<vmem_shared>>
      tpu.enqueue_indirect_dma source(%dma_start3A_367 : memref<128x128xbf16, #tpu.memory_space<vmem>>) target(%dma_start3A_373 : memref<10112x128xbf16, #tpu.memory_space<vmem_shared>>) offsets(%dma_start3A_370 : memref<128xi32, #tpu.memory_space<vmem>>) semaphore(%arg12 : memref<!tpu.dma_semaphore, #tpu.memory_space<semaphore_mem>>) {add = true}
    }
    %scan3A_22 = arith.constant 14 : i32
    %dma_wait3A = arith.constant 0 : i32
    %dma_wait3A_23 = arith.constant 0 : i32
    %dma_wait3A_24 = arith.constant 0 : i32
    %dma_wait3A_25 = arith.constant 0 : i32
    %dma_wait3A_26 = tpu.memref_slice %arg9[%dma_wait3A, %dma_wait3A_24, %dma_wait3A_25] : memref<6x128x128xbf16, #tpu.memory_space<vmem>> -> memref<1x128x128xbf16, #tpu.memory_space<vmem>>
    %dma_wait3A_27 = tpu.memref_squeeze %dma_wait3A_26 : memref<1x128x128xbf16, #tpu.memory_space<vmem>> -> memref<128x128xbf16, #tpu.memory_space<vmem>>
    %dma_wait3A_28 = arith.constant 0 : i32
    %dma_wait3A_29 = tpu.memref_slice %arg7[%dma_wait3A_23, %dma_wait3A_28] : memref<84x128xi32, #tpu.memory_space<vmem>> -> memref<1x128xi32, #tpu.memory_space<vmem>>
    %dma_wait3A_30 = tpu.memref_squeeze %dma_wait3A_29 : memref<1x128xi32, #tpu.memory_space<vmem>> -> memref<128xi32, #tpu.memory_space<vmem>>
    %dma_wait3A_31 = arith.constant 0 : i32
    %dma_wait3A_32 = arith.constant 0 : i32
    %dma_wait3A_33 = tpu.memref_slice %arg10[%dma_wait3A_31, %dma_wait3A_32] : memref<10112x128xbf16, #tpu.memory_space<vmem_shared>> -> memref<10112x128xbf16, #tpu.memory_space<vmem_shared>>
    tpu.wait_indirect_dma semaphore(%arg12 : memref<!tpu.dma_semaphore, #tpu.memory_space<semaphore_mem>>) src(%dma_wait3A_27 : memref<128x128xbf16, #tpu.memory_space<vmem>>) dst(%dma_wait3A_33 : memref<10112x128xbf16, #tpu.memory_space<vmem_shared>>)
    %dma_wait3A_34 = arith.constant 0 : i32
    %dma_wait3A_35 = arith.constant 0 : i32
    %dma_wait3A_36 = arith.constant 0 : i32
    %dma_wait3A_37 = arith.constant 0 : i32
    %dma_wait3A_38 = tpu.memref_slice %arg9[%dma_wait3A_34, %dma_wait3A_36, %dma_wait3A_37] : memref<6x128x128xbf16, #tpu.memory_space<vmem>> -> memref<1x128x128xbf16, #tpu.memory_space<vmem>>
    %dma_wait3A_39 = tpu.memref_squeeze %dma_wait3A_38 : memref<1x128x128xbf16, #tpu.memory_space<vmem>> -> memref<128x128xbf16, #tpu.memory_space<vmem>>
    %dma_wait3A_40 = arith.constant 0 : i32
    %dma_wait3A_41 = tpu.memref_slice %arg7[%dma_wait3A_35, %dma_wait3A_40] : memref<84x128xi32, #tpu.memory_space<vmem>> -> memref<1x128xi32, #tpu.memory_space<vmem>>
    %dma_wait3A_42 = tpu.memref_squeeze %dma_wait3A_41 : memref<1x128xi32, #tpu.memory_space<vmem>> -> memref<128xi32, #tpu.memory_space<vmem>>
    %dma_wait3A_43 = arith.constant 0 : i32
    %dma_wait3A_44 = arith.constant 0 : i32
    %dma_wait3A_45 = tpu.memref_slice %arg10[%dma_wait3A_43, %dma_wait3A_44] : memref<10112x128xbf16, #tpu.memory_space<vmem_shared>> -> memref<10112x128xbf16, #tpu.memory_space<vmem_shared>>
    tpu.wait_indirect_dma semaphore(%arg12 : memref<!tpu.dma_semaphore, #tpu.memory_space<semaphore_mem>>) src(%dma_wait3A_39 : memref<128x128xbf16, #tpu.memory_space<vmem>>) dst(%dma_wait3A_45 : memref<10112x128xbf16, #tpu.memory_space<vmem_shared>>)
    %dma_wait3A_46 = arith.constant 0 : i32
    %dma_wait3A_47 = arith.constant 0 : i32
    %dma_wait3A_48 = arith.constant 0 : i32
    %dma_wait3A_49 = arith.constant 0 : i32
    %dma_wait3A_50 = tpu.memref_slice %arg9[%dma_wait3A_46, %dma_wait3A_48, %dma_wait3A_49] : memref<6x128x128xbf16, #tpu.memory_space<vmem>> -> memref<1x128x128xbf16, #tpu.memory_space<vmem>>
    %dma_wait3A_51 = tpu.memref_squeeze %dma_wait3A_50 : memref<1x128x128xbf16, #tpu.memory_space<vmem>> -> memref<128x128xbf16, #tpu.memory_space<vmem>>
    %dma_wait3A_52 = arith.constant 0 : i32
    %dma_wait3A_53 = tpu.memref_slice %arg7[%dma_wait3A_47, %dma_wait3A_52] : memref<84x128xi32, #tpu.memory_space<vmem>> -> memref<1x128xi32, #tpu.memory_space<vmem>>
    %dma_wait3A_54 = tpu.memref_squeeze %dma_wait3A_53 : memref<1x128xi32, #tpu.memory_space<vmem>> -> memref<128xi32, #tpu.memory_space<vmem>>
    %dma_wait3A_55 = arith.constant 0 : i32
    %dma_wait3A_56 = arith.constant 0 : i32
    %dma_wait3A_57 = tpu.memref_slice %arg10[%dma_wait3A_55, %dma_wait3A_56] : memref<10112x128xbf16, #tpu.memory_space<vmem_shared>> -> memref<10112x128xbf16, #tpu.memory_space<vmem_shared>>
    tpu.wait_indirect_dma semaphore(%arg12 : memref<!tpu.dma_semaphore, #tpu.memory_space<semaphore_mem>>) src(%dma_wait3A_51 : memref<128x128xbf16, #tpu.memory_space<vmem>>) dst(%dma_wait3A_57 : memref<10112x128xbf16, #tpu.memory_space<vmem_shared>>)
    %barrier3A_58 = arith.constant 0 : index
    tpu.barrier barrier_id(%barrier3A_58)
    %lt3A = arith.constant 15 : i32
    %lt3A_59 = arith.cmpi slt, %arg1, %lt3A : i32
    %convert_element_type3A = arith.extui %lt3A_59 : i1 to i32
    %cond3A = arith.constant 0 : i32
    %cond3A_60 = arith.cmpi ne, %convert_element_type3A, %cond3A : i32
    scf.if %cond3A_60 {
      "tpu.region"() ({
        %run_scoped3A = tpu.sem_alloc : memref<!tpu.dma_semaphore, #tpu.memory_space<semaphore_mem>>
        %dma_start3A = arith.constant 0 : i32
        %dma_start3A_65 = tpu.memref_slice %arg5[%arg0, %mul3A_0, %dma_start3A] : memref<2x10000x128xbf16, #tpu.memory_space<hbm>> -> memref<1x632x128xbf16, #tpu.memory_space<hbm>>
        %dma_start3A_66 = tpu.memref_squeeze %dma_start3A_65 : memref<1x632x128xbf16, #tpu.memory_space<hbm>> -> memref<632x128xbf16, #tpu.memory_space<hbm>>
        %dma_start3A_67 = arith.constant 0 : i32
        %dma_start3A_68 = tpu.memref_slice %arg10[%mul3A_0, %dma_start3A_67] : memref<10112x128xbf16, #tpu.memory_space<vmem_shared>> -> memref<632x128xbf16, #tpu.memory_space<vmem_shared>>
        tpu.enqueue_dma source(%dma_start3A_68 : memref<632x128xbf16, #tpu.memory_space<vmem_shared>>) target(%dma_start3A_66 : memref<632x128xbf16, #tpu.memory_space<hbm>>) target_semaphore(%run_scoped3A : memref<!tpu.dma_semaphore, #tpu.memory_space<semaphore_mem>>)
        %dma_wait3A_69 = arith.constant 0 : i32
        %dma_wait3A_70 = tpu.memref_slice %arg5[%arg0, %mul3A_0, %dma_wait3A_69] : memref<2x10000x128xbf16, #tpu.memory_space<hbm>> -> memref<1x632x128xbf16, #tpu.memory_space<hbm>>
        %dma_wait3A_71 = tpu.memref_squeeze %dma_wait3A_70 : memref<1x632x128xbf16, #tpu.memory_space<hbm>> -> memref<632x128xbf16, #tpu.memory_space<hbm>>
        %dma_wait3A_72 = arith.constant 0 : i32
        %dma_wait3A_73 = tpu.memref_slice %arg10[%mul3A_0, %dma_wait3A_72] : memref<10112x128xbf16, #tpu.memory_space<vmem_shared>> -> memref<632x128xbf16, #tpu.memory_space<vmem_shared>>
        tpu.wait_dma2 semaphore(%run_scoped3A : memref<!tpu.dma_semaphore, #tpu.memory_space<semaphore_mem>>) src(%dma_wait3A_73 : memref<632x128xbf16, #tpu.memory_space<vmem_shared>>) dst(%dma_wait3A_71 : memref<632x128xbf16, #tpu.memory_space<hbm>>)
        tpu.yield
      }) : () -> ()
    } else {
    }
    %eq3A = arith.constant 15 : i32
    %eq3A_61 = arith.cmpi eq, %arg1, %eq3A : i32
    %convert_element_type3A_62 = arith.extui %eq3A_61 : i1 to i32
    %cond3A_63 = arith.constant 0 : i32
    %cond3A_64 = arith.cmpi ne, %convert_element_type3A_62, %cond3A_63 : i32
    scf.if %cond3A_64 {
      "tpu.region"() ({
        %run_scoped3A = tpu.sem_alloc : memref<!tpu.dma_semaphore, #tpu.memory_space<semaphore_mem>>
        %dma_start3A = arith.constant 0 : i32
        %dma_start3A_65 = tpu.memref_slice %arg5[%arg0, %mul3A_0, %dma_start3A] : memref<2x10000x128xbf16, #tpu.memory_space<hbm>> -> memref<1x520x128xbf16, #tpu.memory_space<hbm>>
        %dma_start3A_66 = tpu.memref_squeeze %dma_start3A_65 : memref<1x520x128xbf16, #tpu.memory_space<hbm>> -> memref<520x128xbf16, #tpu.memory_space<hbm>>
        %dma_start3A_67 = arith.constant 0 : i32
        %dma_start3A_68 = tpu.memref_slice %arg10[%mul3A_0, %dma_start3A_67] : memref<10112x128xbf16, #tpu.memory_space<vmem_shared>> -> memref<520x128xbf16, #tpu.memory_space<vmem_shared>>
        tpu.enqueue_dma source(%dma_start3A_68 : memref<520x128xbf16, #tpu.memory_space<vmem_shared>>) target(%dma_start3A_66 : memref<520x128xbf16, #tpu.memory_space<hbm>>) target_semaphore(%run_scoped3A : memref<!tpu.dma_semaphore, #tpu.memory_space<semaphore_mem>>)
        %dma_wait3A_69 = arith.constant 0 : i32
        %dma_wait3A_70 = tpu.memref_slice %arg5[%arg0, %mul3A_0, %dma_wait3A_69] : memref<2x10000x128xbf16, #tpu.memory_space<hbm>> -> memref<1x520x128xbf16, #tpu.memory_space<hbm>>
        %dma_wait3A_71 = tpu.memref_squeeze %dma_wait3A_70 : memref<1x520x128xbf16, #tpu.memory_space<hbm>> -> memref<520x128xbf16, #tpu.memory_space<hbm>>
        %dma_wait3A_72 = arith.constant 0 : i32
        %dma_wait3A_73 = tpu.memref_slice %arg10[%mul3A_0, %dma_wait3A_72] : memref<10112x128xbf16, #tpu.memory_space<vmem_shared>> -> memref<520x128xbf16, #tpu.memory_space<vmem_shared>>
        tpu.wait_dma2 semaphore(%run_scoped3A : memref<!tpu.dma_semaphore, #tpu.memory_space<semaphore_mem>>) src(%dma_wait3A_73 : memref<520x128xbf16, #tpu.memory_space<vmem_shared>>) dst(%dma_wait3A_71 : memref<520x128xbf16, #tpu.memory_space<hbm>>)
        tpu.yield
      }) : () -> ()
    } else {
    }
    return
  }
}

#map = affine_map<(d0, d1) -> (0, 0, 0)>
module attributes {stable_mosaic.version = 14 : i64} {
  func.func @body(%arg0: i32, %arg1: i32, %arg2: memref<2x10000x64xbf16, #tpu.memory_space<hbm>>, %arg3: memref<16x84x128xi32, #tpu.memory_space<hbm>>, %arg4: memref<16x84x128xi32, #tpu.memory_space<hbm>>, %arg5: memref<2x10000x64xbf16, #tpu.memory_space<hbm>>, %arg6: memref<84x128xi32, #tpu.memory_space<vmem>>, %arg7: memref<84x128xi32, #tpu.memory_space<vmem>>, %arg8: memref<128x64xbf16, #tpu.memory_space<vmem>>, %arg9: memref<6x128x64xbf16, #tpu.memory_space<vmem>>, %arg10: memref<10112x64xbf16, #tpu.memory_space<vmem_shared>>, %arg11: memref<!tpu.dma_semaphore, #tpu.memory_space<semaphore_mem>>, %arg12: memref<!tpu.dma_semaphore, #tpu.memory_space<semaphore_mem>>) attributes {dimension_semantics = [#tpu.dimension_semantics<core_parallel>, #tpu.dimension_semantics<subcore_parallel>], iteration_bounds = array<i64: 2, 16>, scalar_prefetch = 0 : i64, scratch_operands = 7 : i64, tpu.core_type = #tpu.core_type<sc_vector_subcore>, window_params = [{transform_indices = #map}, {transform_indices = #map}, {transform_indices = #map}, {transform_indices = #map}]} {
    %mul3A = arith.constant 632 : i32
    %mul3A_0 = arith.muli %arg1, %mul3A : i32
    "tpu.region"() ({
      %run_scoped3A = tpu.sem_alloc : memref<!tpu.dma_semaphore, #tpu.memory_space<semaphore_mem>>
      %dma_start3A = arith.constant 0 : i32
      %dma_start3A_65 = arith.constant 0 : i32
      %dma_start3A_66 = tpu.memref_slice %arg3[%arg1, %dma_start3A, %dma_start3A_65] : memref<16x84x128xi32, #tpu.memory_space<hbm>> -> memref<1x84x128xi32, #tpu.memory_space<hbm>>
      %dma_start3A_67 = tpu.memref_squeeze %dma_start3A_66 : memref<1x84x128xi32, #tpu.memory_space<hbm>> -> memref<84x128xi32, #tpu.memory_space<hbm>>
      %dma_start3A_68 = arith.constant 0 : i32
      %dma_start3A_69 = arith.constant 0 : i32
      %dma_start3A_70 = tpu.memref_slice %arg3[%arg1, %dma_start3A_68, %dma_start3A_69] : memref<16x84x128xi32, #tpu.memory_space<hbm>> -> memref<1x84x128xi32, #tpu.memory_space<hbm>>
      %dma_start3A_71 = tpu.memref_squeeze %dma_start3A_70 : memref<1x84x128xi32, #tpu.memory_space<hbm>> -> memref<84x128xi32, #tpu.memory_space<hbm>>
      tpu.enqueue_dma source(%dma_start3A_71 : memref<84x128xi32, #tpu.memory_space<hbm>>) target(%arg6 : memref<84x128xi32, #tpu.memory_space<vmem>>) target_semaphore(%run_scoped3A : memref<!tpu.dma_semaphore, #tpu.memory_space<semaphore_mem>>)
      %dma_wait3A_72 = arith.constant 0 : i32
      %dma_wait3A_73 = arith.constant 0 : i32
      %dma_wait3A_74 = tpu.memref_slice %arg3[%arg1, %dma_wait3A_72, %dma_wait3A_73] : memref<16x84x128xi32, #tpu.memory_space<hbm>> -> memref<1x84x128xi32, #tpu.memory_space<hbm>>
      %dma_wait3A_75 = tpu.memref_squeeze %dma_wait3A_74 : memref<1x84x128xi32, #tpu.memory_space<hbm>> -> memref<84x128xi32, #tpu.memory_space<hbm>>
      %dma_wait3A_76 = arith.constant 0 : i32
      %dma_wait3A_77 = arith.constant 0 : i32
      %dma_wait3A_78 = tpu.memref_slice %arg3[%arg1, %dma_wait3A_76, %dma_wait3A_77] : memref<16x84x128xi32, #tpu.memory_space<hbm>> -> memref<1x84x128xi32, #tpu.memory_space<hbm>>
      %dma_wait3A_79 = tpu.memref_squeeze %dma_wait3A_78 : memref<1x84x128xi32, #tpu.memory_space<hbm>> -> memref<84x128xi32, #tpu.memory_space<hbm>>
      tpu.wait_dma2 semaphore(%run_scoped3A : memref<!tpu.dma_semaphore, #tpu.memory_space<semaphore_mem>>) src(%dma_wait3A_79 : memref<84x128xi32, #tpu.memory_space<hbm>>) dst(%arg6 : memref<84x128xi32, #tpu.memory_space<vmem>>)
      tpu.yield
    }) : () -> ()
    "tpu.region"() ({
      %run_scoped3A = tpu.sem_alloc : memref<!tpu.dma_semaphore, #tpu.memory_space<semaphore_mem>>
      %dma_start3A = arith.constant 0 : i32
      %dma_start3A_65 = arith.constant 0 : i32
      %dma_start3A_66 = tpu.memref_slice %arg4[%arg1, %dma_start3A, %dma_start3A_65] : memref<16x84x128xi32, #tpu.memory_space<hbm>> -> memref<1x84x128xi32, #tpu.memory_space<hbm>>
      %dma_start3A_67 = tpu.memref_squeeze %dma_start3A_66 : memref<1x84x128xi32, #tpu.memory_space<hbm>> -> memref<84x128xi32, #tpu.memory_space<hbm>>
      %dma_start3A_68 = arith.constant 0 : i32
      %dma_start3A_69 = arith.constant 0 : i32
      %dma_start3A_70 = tpu.memref_slice %arg4[%arg1, %dma_start3A_68, %dma_start3A_69] : memref<16x84x128xi32, #tpu.memory_space<hbm>> -> memref<1x84x128xi32, #tpu.memory_space<hbm>>
      %dma_start3A_71 = tpu.memref_squeeze %dma_start3A_70 : memref<1x84x128xi32, #tpu.memory_space<hbm>> -> memref<84x128xi32, #tpu.memory_space<hbm>>
      tpu.enqueue_dma source(%dma_start3A_71 : memref<84x128xi32, #tpu.memory_space<hbm>>) target(%arg7 : memref<84x128xi32, #tpu.memory_space<vmem>>) target_semaphore(%run_scoped3A : memref<!tpu.dma_semaphore, #tpu.memory_space<semaphore_mem>>)
      %dma_wait3A_72 = arith.constant 0 : i32
      %dma_wait3A_73 = arith.constant 0 : i32
      %dma_wait3A_74 = tpu.memref_slice %arg4[%arg1, %dma_wait3A_72, %dma_wait3A_73] : memref<16x84x128xi32, #tpu.memory_space<hbm>> -> memref<1x84x128xi32, #tpu.memory_space<hbm>>
      %dma_wait3A_75 = tpu.memref_squeeze %dma_wait3A_74 : memref<1x84x128xi32, #tpu.memory_space<hbm>> -> memref<84x128xi32, #tpu.memory_space<hbm>>
      %dma_wait3A_76 = arith.constant 0 : i32
      %dma_wait3A_77 = arith.constant 0 : i32
      %dma_wait3A_78 = tpu.memref_slice %arg4[%arg1, %dma_wait3A_76, %dma_wait3A_77] : memref<16x84x128xi32, #tpu.memory_space<hbm>> -> memref<1x84x128xi32, #tpu.memory_space<hbm>>
      %dma_wait3A_79 = tpu.memref_squeeze %dma_wait3A_78 : memref<1x84x128xi32, #tpu.memory_space<hbm>> -> memref<84x128xi32, #tpu.memory_space<hbm>>
      tpu.wait_dma2 semaphore(%run_scoped3A : memref<!tpu.dma_semaphore, #tpu.memory_space<semaphore_mem>>) src(%dma_wait3A_79 : memref<84x128xi32, #tpu.memory_space<hbm>>) dst(%arg7 : memref<84x128xi32, #tpu.memory_space<vmem>>)
      tpu.yield
    }) : () -> ()
    %broadcast_in_dim3A = arith.constant 0.000000e+00 : bf16
    %broadcast_in_dim3A_1 = vector.broadcast %broadcast_in_dim3A : bf16 to vector<32xbf16>
    %scan3A = arith.constant 0 : i32
    %scan3A_2 = arith.constant 0 : i32
    %scan3A_3 = arith.constant 128 : i32
    %scan3A_4 = arith.addi %scan3A_2, %scan3A_3 : i32
    %scan3A_5 = arith.constant 1 : i32
    scf.for %scan3A_65 = %scan3A_2 to %scan3A_4 step %scan3A_5  : i32 {
      %swap3A = arith.index_cast %scan3A_65 : i32 to index
      %swap3A_66 = arith.constant 0 : index
      %swap3A_67 = tpu.vector_load %arg8[%swap3A, %swap3A_66] {strides = array<i32>} : memref<128x64xbf16, #tpu.memory_space<vmem>>, vector<1x32xbf16>,
      %swap3A_68 = vector.shape_cast %swap3A_67 : vector<1x32xbf16> to vector<32xbf16>
      %swap3A_69 = vector.shape_cast %broadcast_in_dim3A_1 : vector<32xbf16> to vector<1x32xbf16>
      tpu.vector_store %arg8[%swap3A, %swap3A_66], %swap3A_69 {strides = array<i32>} : memref<128x64xbf16, #tpu.memory_space<vmem>>, vector<1x32xbf16>,
      %swap3A_70 = arith.index_cast %scan3A_65 : i32 to index
      %swap3A_71 = arith.constant 32 : index
      %swap3A_72 = tpu.vector_load %arg8[%swap3A_70, %swap3A_71] {strides = array<i32>} : memref<128x64xbf16, #tpu.memory_space<vmem>>, vector<1x32xbf16>,
      %swap3A_73 = vector.shape_cast %swap3A_72 : vector<1x32xbf16> to vector<32xbf16>
      %swap3A_74 = vector.shape_cast %broadcast_in_dim3A_1 : vector<32xbf16> to vector<1x32xbf16>
      tpu.vector_store %arg8[%swap3A_70, %swap3A_71], %swap3A_74 {strides = array<i32>} : memref<128x64xbf16, #tpu.memory_space<vmem>>, vector<1x32xbf16>,
    }
    %scan3A_6 = arith.constant 128 : i32
    %add3A = arith.constant 0 : i32
    %add3A_7 = arith.addi %mul3A_0, %add3A : i32
    "tpu.region"() ({
      %run_scoped3A = tpu.sem_alloc : memref<!tpu.dma_semaphore, #tpu.memory_space<semaphore_mem>>
      %dma_start3A = arith.constant 0 : i32
      %dma_start3A_65 = tpu.memref_slice %arg10[%add3A_7, %dma_start3A] : memref<10112x64xbf16, #tpu.memory_space<vmem_shared>> -> memref<128x64xbf16, #tpu.memory_space<vmem_shared>>
      %dma_start3A_66 = arith.constant 0 : i32
      %dma_start3A_67 = tpu.memref_slice %arg10[%add3A_7, %dma_start3A_66] : memref<10112x64xbf16, #tpu.memory_space<vmem_shared>> -> memref<128x64xbf16, #tpu.memory_space<vmem_shared>>
      tpu.enqueue_dma source(%arg8 : memref<128x64xbf16, #tpu.memory_space<vmem>>) target(%dma_start3A_67 : memref<128x64xbf16, #tpu.memory_space<vmem_shared>>) target_semaphore(%run_scoped3A : memref<!tpu.dma_semaphore, #tpu.memory_space<semaphore_mem>>)
      %dma_wait3A_68 = arith.constant 0 : i32
      %dma_wait3A_69 = tpu.memref_slice %arg10[%add3A_7, %dma_wait3A_68] : memref<10112x64xbf16, #tpu.memory_space<vmem_shared>> -> memref<128x64xbf16, #tpu.memory_space<vmem_shared>>
      %dma_wait3A_70 = arith.constant 0 : i32
      %dma_wait3A_71 = tpu.memref_slice %arg10[%add3A_7, %dma_wait3A_70] : memref<10112x64xbf16, #tpu.memory_space<vmem_shared>> -> memref<128x64xbf16, #tpu.memory_space<vmem_shared>>
      tpu.wait_dma2 semaphore(%run_scoped3A : memref<!tpu.dma_semaphore, #tpu.memory_space<semaphore_mem>>) src(%arg8 : memref<128x64xbf16, #tpu.memory_space<vmem>>) dst(%dma_wait3A_71 : memref<128x64xbf16, #tpu.memory_space<vmem_shared>>)
      tpu.yield
    }) : () -> ()
    %add3A_8 = arith.constant 128 : i32
    %add3A_9 = arith.addi %mul3A_0, %add3A_8 : i32
    "tpu.region"() ({
      %run_scoped3A = tpu.sem_alloc : memref<!tpu.dma_semaphore, #tpu.memory_space<semaphore_mem>>
      %dma_start3A = arith.constant 0 : i32
      %dma_start3A_65 = tpu.memref_slice %arg10[%add3A_9, %dma_start3A] : memref<10112x64xbf16, #tpu.memory_space<vmem_shared>> -> memref<128x64xbf16, #tpu.memory_space<vmem_shared>>
      %dma_start3A_66 = arith.constant 0 : i32
      %dma_start3A_67 = tpu.memref_slice %arg10[%add3A_9, %dma_start3A_66] : memref<10112x64xbf16, #tpu.memory_space<vmem_shared>> -> memref<128x64xbf16, #tpu.memory_space<vmem_shared>>
      tpu.enqueue_dma source(%arg8 : memref<128x64xbf16, #tpu.memory_space<vmem>>) target(%dma_start3A_67 : memref<128x64xbf16, #tpu.memory_space<vmem_shared>>) target_semaphore(%run_scoped3A : memref<!tpu.dma_semaphore, #tpu.memory_space<semaphore_mem>>)
      %dma_wait3A_68 = arith.constant 0 : i32
      %dma_wait3A_69 = tpu.memref_slice %arg10[%add3A_9, %dma_wait3A_68] : memref<10112x64xbf16, #tpu.memory_space<vmem_shared>> -> memref<128x64xbf16, #tpu.memory_space<vmem_shared>>
      %dma_wait3A_70 = arith.constant 0 : i32
      %dma_wait3A_71 = tpu.memref_slice %arg10[%add3A_9, %dma_wait3A_70] : memref<10112x64xbf16, #tpu.memory_space<vmem_shared>> -> memref<128x64xbf16, #tpu.memory_space<vmem_shared>>
      tpu.wait_dma2 semaphore(%run_scoped3A : memref<!tpu.dma_semaphore, #tpu.memory_space<semaphore_mem>>) src(%arg8 : memref<128x64xbf16, #tpu.memory_space<vmem>>) dst(%dma_wait3A_71 : memref<128x64xbf16, #tpu.memory_space<vmem_shared>>)
      tpu.yield
    }) : () -> ()
    %add3A_10 = arith.constant 256 : i32
    %add3A_11 = arith.addi %mul3A_0, %add3A_10 : i32
    "tpu.region"() ({
      %run_scoped3A = tpu.sem_alloc : memref<!tpu.dma_semaphore, #tpu.memory_space<semaphore_mem>>
      %dma_start3A = arith.constant 0 : i32
      %dma_start3A_65 = tpu.memref_slice %arg10[%add3A_11, %dma_start3A] : memref<10112x64xbf16, #tpu.memory_space<vmem_shared>> -> memref<128x64xbf16, #tpu.memory_space<vmem_shared>>
      %dma_start3A_66 = arith.constant 0 : i32
      %dma_start3A_67 = tpu.memref_slice %arg10[%add3A_11, %dma_start3A_66] : memref<10112x64xbf16, #tpu.memory_space<vmem_shared>> -> memref<128x64xbf16, #tpu.memory_space<vmem_shared>>
      tpu.enqueue_dma source(%arg8 : memref<128x64xbf16, #tpu.memory_space<vmem>>) target(%dma_start3A_67 : memref<128x64xbf16, #tpu.memory_space<vmem_shared>>) target_semaphore(%run_scoped3A : memref<!tpu.dma_semaphore, #tpu.memory_space<semaphore_mem>>)
      %dma_wait3A_68 = arith.constant 0 : i32
      %dma_wait3A_69 = tpu.memref_slice %arg10[%add3A_11, %dma_wait3A_68] : memref<10112x64xbf16, #tpu.memory_space<vmem_shared>> -> memref<128x64xbf16, #tpu.memory_space<vmem_shared>>
      %dma_wait3A_70 = arith.constant 0 : i32
      %dma_wait3A_71 = tpu.memref_slice %arg10[%add3A_11, %dma_wait3A_70] : memref<10112x64xbf16, #tpu.memory_space<vmem_shared>> -> memref<128x64xbf16, #tpu.memory_space<vmem_shared>>
      tpu.wait_dma2 semaphore(%run_scoped3A : memref<!tpu.dma_semaphore, #tpu.memory_space<semaphore_mem>>) src(%arg8 : memref<128x64xbf16, #tpu.memory_space<vmem>>) dst(%dma_wait3A_71 : memref<128x64xbf16, #tpu.memory_space<vmem_shared>>)
      tpu.yield
    }) : () -> ()
    %add3A_12 = arith.constant 384 : i32
    %add3A_13 = arith.addi %mul3A_0, %add3A_12 : i32
    "tpu.region"() ({
      %run_scoped3A = tpu.sem_alloc : memref<!tpu.dma_semaphore, #tpu.memory_space<semaphore_mem>>
      %dma_start3A = arith.constant 0 : i32
      %dma_start3A_65 = tpu.memref_slice %arg10[%add3A_13, %dma_start3A] : memref<10112x64xbf16, #tpu.memory_space<vmem_shared>> -> memref<128x64xbf16, #tpu.memory_space<vmem_shared>>
      %dma_start3A_66 = arith.constant 0 : i32
      %dma_start3A_67 = tpu.memref_slice %arg10[%add3A_13, %dma_start3A_66] : memref<10112x64xbf16, #tpu.memory_space<vmem_shared>> -> memref<128x64xbf16, #tpu.memory_space<vmem_shared>>
      tpu.enqueue_dma source(%arg8 : memref<128x64xbf16, #tpu.memory_space<vmem>>) target(%dma_start3A_67 : memref<128x64xbf16, #tpu.memory_space<vmem_shared>>) target_semaphore(%run_scoped3A : memref<!tpu.dma_semaphore, #tpu.memory_space<semaphore_mem>>)
      %dma_wait3A_68 = arith.constant 0 : i32
      %dma_wait3A_69 = tpu.memref_slice %arg10[%add3A_13, %dma_wait3A_68] : memref<10112x64xbf16, #tpu.memory_space<vmem_shared>> -> memref<128x64xbf16, #tpu.memory_space<vmem_shared>>
      %dma_wait3A_70 = arith.constant 0 : i32
      %dma_wait3A_71 = tpu.memref_slice %arg10[%add3A_13, %dma_wait3A_70] : memref<10112x64xbf16, #tpu.memory_space<vmem_shared>> -> memref<128x64xbf16, #tpu.memory_space<vmem_shared>>
      tpu.wait_dma2 semaphore(%run_scoped3A : memref<!tpu.dma_semaphore, #tpu.memory_space<semaphore_mem>>) src(%arg8 : memref<128x64xbf16, #tpu.memory_space<vmem>>) dst(%dma_wait3A_71 : memref<128x64xbf16, #tpu.memory_space<vmem_shared>>)
      tpu.yield
    }) : () -> ()
    %add3A_14 = arith.constant 632 : i32
    %add3A_15 = arith.addi %mul3A_0, %add3A_14 : i32
    %sub3A = arith.constant 120 : i32
    %sub3A_16 = arith.subi %add3A_15, %sub3A : i32
    "tpu.region"() ({
      %run_scoped3A = tpu.sem_alloc : memref<!tpu.dma_semaphore, #tpu.memory_space<semaphore_mem>>
      %dma_start3A = arith.constant 0 : i32
      %dma_start3A_65 = arith.constant 0 : i32
      %dma_start3A_66 = tpu.memref_slice %arg8[%dma_start3A, %dma_start3A_65] : memref<128x64xbf16, #tpu.memory_space<vmem>> -> memref<120x64xbf16, #tpu.memory_space<vmem>>
      %dma_start3A_67 = arith.constant 0 : i32
      %dma_start3A_68 = tpu.memref_slice %arg10[%sub3A_16, %dma_start3A_67] : memref<10112x64xbf16, #tpu.memory_space<vmem_shared>> -> memref<120x64xbf16, #tpu.memory_space<vmem_shared>>
      %dma_start3A_69 = arith.constant 0 : i32
      %dma_start3A_70 = tpu.memref_slice %arg10[%sub3A_16, %dma_start3A_69] : memref<10112x64xbf16, #tpu.memory_space<vmem_shared>> -> memref<120x64xbf16, #tpu.memory_space<vmem_shared>>
      %dma_start3A_71 = arith.constant 0 : i32
      %dma_start3A_72 = arith.constant 0 : i32
      %dma_start3A_73 = tpu.memref_slice %arg8[%dma_start3A_71, %dma_start3A_72] : memref<128x64xbf16, #tpu.memory_space<vmem>> -> memref<120x64xbf16, #tpu.memory_space<vmem>>
      tpu.enqueue_dma source(%dma_start3A_73 : memref<120x64xbf16, #tpu.memory_space<vmem>>) target(%dma_start3A_70 : memref<120x64xbf16, #tpu.memory_space<vmem_shared>>) target_semaphore(%run_scoped3A : memref<!tpu.dma_semaphore, #tpu.memory_space<semaphore_mem>>)
      %dma_wait3A_74 = arith.constant 0 : i32
      %dma_wait3A_75 = arith.constant 0 : i32
      %dma_wait3A_76 = tpu.memref_slice %arg8[%dma_wait3A_74, %dma_wait3A_75] : memref<128x64xbf16, #tpu.memory_space<vmem>> -> memref<120x64xbf16, #tpu.memory_space<vmem>>
      %dma_wait3A_77 = arith.constant 0 : i32
      %dma_wait3A_78 = tpu.memref_slice %arg10[%sub3A_16, %dma_wait3A_77] : memref<10112x64xbf16, #tpu.memory_space<vmem_shared>> -> memref<120x64xbf16, #tpu.memory_space<vmem_shared>>
      %dma_wait3A_79 = arith.constant 0 : i32
      %dma_wait3A_80 = tpu.memref_slice %arg10[%sub3A_16, %dma_wait3A_79] : memref<10112x64xbf16, #tpu.memory_space<vmem_shared>> -> memref<120x64xbf16, #tpu.memory_space<vmem_shared>>
      %dma_wait3A_81 = arith.constant 0 : i32
      %dma_wait3A_82 = arith.constant 0 : i32
      %dma_wait3A_83 = tpu.memref_slice %arg8[%dma_wait3A_81, %dma_wait3A_82] : memref<128x64xbf16, #tpu.memory_space<vmem>> -> memref<120x64xbf16, #tpu.memory_space<vmem>>
      tpu.wait_dma2 semaphore(%run_scoped3A : memref<!tpu.dma_semaphore, #tpu.memory_space<semaphore_mem>>) src(%dma_wait3A_83 : memref<120x64xbf16, #tpu.memory_space<vmem>>) dst(%dma_wait3A_80 : memref<120x64xbf16, #tpu.memory_space<vmem_shared>>)
      tpu.yield
    }) : () -> ()
    %barrier3A = arith.constant 0 : index
    tpu.barrier barrier_id(%barrier3A)
    %scan3A_17 = arith.constant 0 : i32
    %scan3A_18 = arith.constant 0 : i32
    %scan3A_19 = arith.constant 14 : i32
    %scan3A_20 = arith.addi %scan3A_18, %scan3A_19 : i32
    %scan3A_21 = arith.constant 1 : i32
    scf.for %scan3A_65 = %scan3A_18 to %scan3A_20 step %scan3A_21  : i32 {
      %gt3A = arith.constant 0 : i32
      %gt3A_66 = arith.cmpi sgt, %scan3A_65, %gt3A : i32
      %convert_element_type3A_67 = arith.extui %gt3A_66 : i1 to i32
      %cond3A_68 = arith.constant 0 : i32
      %cond3A_69 = arith.cmpi ne, %convert_element_type3A_67, %cond3A_68 : i32
      scf.if %cond3A_69 {
        %dma_wait3A_374 = arith.constant 0 : i32
        %dma_wait3A_375 = arith.constant 0 : i32
        %dma_wait3A_376 = arith.constant 0 : i32
        %dma_wait3A_377 = arith.constant 0 : i32
        %dma_wait3A_378 = tpu.memref_slice %arg9[%dma_wait3A_374, %dma_wait3A_376, %dma_wait3A_377] : memref<6x128x64xbf16, #tpu.memory_space<vmem>> -> memref<1x128x64xbf16, #tpu.memory_space<vmem>>
        %dma_wait3A_379 = tpu.memref_squeeze %dma_wait3A_378 : memref<1x128x64xbf16, #tpu.memory_space<vmem>> -> memref<128x64xbf16, #tpu.memory_space<vmem>>
        %dma_wait3A_380 = arith.constant 0 : i32
        %dma_wait3A_381 = tpu.memref_slice %arg7[%dma_wait3A_375, %dma_wait3A_380] : memref<84x128xi32, #tpu.memory_space<vmem>> -> memref<1x128xi32, #tpu.memory_space<vmem>>
        %dma_wait3A_382 = tpu.memref_squeeze %dma_wait3A_381 : memref<1x128xi32, #tpu.memory_space<vmem>> -> memref<128xi32, #tpu.memory_space<vmem>>
        %dma_wait3A_383 = arith.constant 0 : i32
        %dma_wait3A_384 = arith.constant 0 : i32
        %dma_wait3A_385 = tpu.memref_slice %arg10[%dma_wait3A_383, %dma_wait3A_384] : memref<10112x64xbf16, #tpu.memory_space<vmem_shared>> -> memref<10112x64xbf16, #tpu.memory_space<vmem_shared>>
        tpu.wait_indirect_dma semaphore(%arg12 : memref<!tpu.dma_semaphore, #tpu.memory_space<semaphore_mem>>) src(%dma_wait3A_379 : memref<128x64xbf16, #tpu.memory_space<vmem>>) dst(%dma_wait3A_385 : memref<10112x64xbf16, #tpu.memory_space<vmem_shared>>)
        %dma_wait3A_386 = arith.constant 0 : i32
        %dma_wait3A_387 = arith.constant 0 : i32
        %dma_wait3A_388 = arith.constant 0 : i32
        %dma_wait3A_389 = arith.constant 0 : i32
        %dma_wait3A_390 = tpu.memref_slice %arg9[%dma_wait3A_386, %dma_wait3A_388, %dma_wait3A_389] : memref<6x128x64xbf16, #tpu.memory_space<vmem>> -> memref<1x128x64xbf16, #tpu.memory_space<vmem>>
        %dma_wait3A_391 = tpu.memref_squeeze %dma_wait3A_390 : memref<1x128x64xbf16, #tpu.memory_space<vmem>> -> memref<128x64xbf16, #tpu.memory_space<vmem>>
        %dma_wait3A_392 = arith.constant 0 : i32
        %dma_wait3A_393 = tpu.memref_slice %arg7[%dma_wait3A_387, %dma_wait3A_392] : memref<84x128xi32, #tpu.memory_space<vmem>> -> memref<1x128xi32, #tpu.memory_space<vmem>>
        %dma_wait3A_394 = tpu.memref_squeeze %dma_wait3A_393 : memref<1x128xi32, #tpu.memory_space<vmem>> -> memref<128xi32, #tpu.memory_space<vmem>>
        %dma_wait3A_395 = arith.constant 0 : i32
        %dma_wait3A_396 = arith.constant 0 : i32
        %dma_wait3A_397 = tpu.memref_slice %arg10[%dma_wait3A_395, %dma_wait3A_396] : memref<10112x64xbf16, #tpu.memory_space<vmem_shared>> -> memref<10112x64xbf16, #tpu.memory_space<vmem_shared>>
        tpu.wait_indirect_dma semaphore(%arg12 : memref<!tpu.dma_semaphore, #tpu.memory_space<semaphore_mem>>) src(%dma_wait3A_391 : memref<128x64xbf16, #tpu.memory_space<vmem>>) dst(%dma_wait3A_397 : memref<10112x64xbf16, #tpu.memory_space<vmem_shared>>)
        %dma_wait3A_398 = arith.constant 0 : i32
        %dma_wait3A_399 = arith.constant 0 : i32
        %dma_wait3A_400 = arith.constant 0 : i32
        %dma_wait3A_401 = arith.constant 0 : i32
        %dma_wait3A_402 = tpu.memref_slice %arg9[%dma_wait3A_398, %dma_wait3A_400, %dma_wait3A_401] : memref<6x128x64xbf16, #tpu.memory_space<vmem>> -> memref<1x128x64xbf16, #tpu.memory_space<vmem>>
        %dma_wait3A_403 = tpu.memref_squeeze %dma_wait3A_402 : memref<1x128x64xbf16, #tpu.memory_space<vmem>> -> memref<128x64xbf16, #tpu.memory_space<vmem>>
        %dma_wait3A_404 = arith.constant 0 : i32
        %dma_wait3A_405 = tpu.memref_slice %arg7[%dma_wait3A_399, %dma_wait3A_404] : memref<84x128xi32, #tpu.memory_space<vmem>> -> memref<1x128xi32, #tpu.memory_space<vmem>>
        %dma_wait3A_406 = tpu.memref_squeeze %dma_wait3A_405 : memref<1x128xi32, #tpu.memory_space<vmem>> -> memref<128xi32, #tpu.memory_space<vmem>>
        %dma_wait3A_407 = arith.constant 0 : i32
        %dma_wait3A_408 = arith.constant 0 : i32
        %dma_wait3A_409 = tpu.memref_slice %arg10[%dma_wait3A_407, %dma_wait3A_408] : memref<10112x64xbf16, #tpu.memory_space<vmem_shared>> -> memref<10112x64xbf16, #tpu.memory_space<vmem_shared>>
        tpu.wait_indirect_dma semaphore(%arg12 : memref<!tpu.dma_semaphore, #tpu.memory_space<semaphore_mem>>) src(%dma_wait3A_403 : memref<128x64xbf16, #tpu.memory_space<vmem>>) dst(%dma_wait3A_409 : memref<10112x64xbf16, #tpu.memory_space<vmem_shared>>)
      } else {
      }
      %mul3A_70 = arith.constant 6 : i32
      %mul3A_71 = arith.muli %scan3A_65, %mul3A_70 : i32
      %add3A_72 = arith.constant 0 : i32
      %add3A_73 = arith.addi %mul3A_71, %add3A_72 : i32
      %dma_start3A = arith.constant 0 : i32
      %dma_start3A_74 = arith.constant 0 : i32
      %dma_start3A_75 = arith.constant 0 : i32
      %dma_start3A_76 = tpu.memref_slice %arg9[%dma_start3A, %dma_start3A_74, %dma_start3A_75] : memref<6x128x64xbf16, #tpu.memory_space<vmem>> -> memref<1x128x64xbf16, #tpu.memory_space<vmem>>
      %dma_start3A_77 = tpu.memref_squeeze %dma_start3A_76 : memref<1x128x64xbf16, #tpu.memory_space<vmem>> -> memref<128x64xbf16, #tpu.memory_space<vmem>>
      %dma_start3A_78 = arith.constant 0 : i32
      %dma_start3A_79 = tpu.memref_slice %arg6[%add3A_73, %dma_start3A_78] : memref<84x128xi32, #tpu.memory_space<vmem>> -> memref<1x128xi32, #tpu.memory_space<vmem>>
      %dma_start3A_80 = tpu.memref_squeeze %dma_start3A_79 : memref<1x128xi32, #tpu.memory_space<vmem>> -> memref<128xi32, #tpu.memory_space<vmem>>
      %dma_start3A_81 = arith.constant 0 : i32
      %dma_start3A_82 = arith.constant 0 : i32
      %dma_start3A_83 = tpu.memref_slice %arg2[%arg0, %dma_start3A_81, %dma_start3A_82] : memref<2x10000x64xbf16, #tpu.memory_space<hbm>> -> memref<1x10000x64xbf16, #tpu.memory_space<hbm>>
      %dma_start3A_84 = tpu.memref_squeeze %dma_start3A_83 : memref<1x10000x64xbf16, #tpu.memory_space<hbm>> -> memref<10000x64xbf16, #tpu.memory_space<hbm>>
      %dma_start3A_85 = arith.constant 0 : i32
      %dma_start3A_86 = arith.constant 0 : i32
      %dma_start3A_87 = tpu.memref_slice %dma_start3A_84[%dma_start3A_85, %dma_start3A_86] : memref<10000x64xbf16, #tpu.memory_space<hbm>> -> memref<10000x64xbf16, #tpu.memory_space<hbm>>
      tpu.enqueue_indirect_dma source(%dma_start3A_87 : memref<10000x64xbf16, #tpu.memory_space<hbm>>) target(%dma_start3A_77 : memref<128x64xbf16, #tpu.memory_space<vmem>>) offsets(%dma_start3A_80 : memref<128xi32, #tpu.memory_space<vmem>>) semaphore(%arg11 : memref<!tpu.dma_semaphore, #tpu.memory_space<semaphore_mem>>)
      %add3A_88 = arith.constant 1 : i32
      %add3A_89 = arith.addi %mul3A_71, %add3A_88 : i32
      %dma_start3A_90 = arith.constant 1 : i32
      %dma_start3A_91 = arith.constant 0 : i32
      %dma_start3A_92 = arith.constant 0 : i32
      %dma_start3A_93 = tpu.memref_slice %arg9[%dma_start3A_90, %dma_start3A_91, %dma_start3A_92] : memref<6x128x64xbf16, #tpu.memory_space<vmem>> -> memref<1x128x64xbf16, #tpu.memory_space<vmem>>
      %dma_start3A_94 = tpu.memref_squeeze %dma_start3A_93 : memref<1x128x64xbf16, #tpu.memory_space<vmem>> -> memref<128x64xbf16, #tpu.memory_space<vmem>>
      %dma_start3A_95 = arith.constant 0 : i32
      %dma_start3A_96 = tpu.memref_slice %arg6[%add3A_89, %dma_start3A_95] : memref<84x128xi32, #tpu.memory_space<vmem>> -> memref<1x128xi32, #tpu.memory_space<vmem>>
      %dma_start3A_97 = tpu.memref_squeeze %dma_start3A_96 : memref<1x128xi32, #tpu.memory_space<vmem>> -> memref<128xi32, #tpu.memory_space<vmem>>
      %dma_start3A_98 = arith.constant 0 : i32
      %dma_start3A_99 = arith.constant 0 : i32
      %dma_start3A_100 = tpu.memref_slice %arg2[%arg0, %dma_start3A_98, %dma_start3A_99] : memref<2x10000x64xbf16, #tpu.memory_space<hbm>> -> memref<1x10000x64xbf16, #tpu.memory_space<hbm>>
      %dma_start3A_101 = tpu.memref_squeeze %dma_start3A_100 : memref<1x10000x64xbf16, #tpu.memory_space<hbm>> -> memref<10000x64xbf16, #tpu.memory_space<hbm>>
      %dma_start3A_102 = arith.constant 0 : i32
      %dma_start3A_103 = arith.constant 0 : i32
      %dma_start3A_104 = tpu.memref_slice %dma_start3A_101[%dma_start3A_102, %dma_start3A_103] : memref<10000x64xbf16, #tpu.memory_space<hbm>> -> memref<10000x64xbf16, #tpu.memory_space<hbm>>
      tpu.enqueue_indirect_dma source(%dma_start3A_104 : memref<10000x64xbf16, #tpu.memory_space<hbm>>) target(%dma_start3A_94 : memref<128x64xbf16, #tpu.memory_space<vmem>>) offsets(%dma_start3A_97 : memref<128xi32, #tpu.memory_space<vmem>>) semaphore(%arg11 : memref<!tpu.dma_semaphore, #tpu.memory_space<semaphore_mem>>)
      %add3A_105 = arith.constant 2 : i32
      %add3A_106 = arith.addi %mul3A_71, %add3A_105 : i32
      %dma_start3A_107 = arith.constant 2 : i32
      %dma_start3A_108 = arith.constant 0 : i32
      %dma_start3A_109 = arith.constant 0 : i32
      %dma_start3A_110 = tpu.memref_slice %arg9[%dma_start3A_107, %dma_start3A_108, %dma_start3A_109] : memref<6x128x64xbf16, #tpu.memory_space<vmem>> -> memref<1x128x64xbf16, #tpu.memory_space<vmem>>
      %dma_start3A_111 = tpu.memref_squeeze %dma_start3A_110 : memref<1x128x64xbf16, #tpu.memory_space<vmem>> -> memref<128x64xbf16, #tpu.memory_space<vmem>>
      %dma_start3A_112 = arith.constant 0 : i32
      %dma_start3A_113 = tpu.memref_slice %arg6[%add3A_106, %dma_start3A_112] : memref<84x128xi32, #tpu.memory_space<vmem>> -> memref<1x128xi32, #tpu.memory_space<vmem>>
      %dma_start3A_114 = tpu.memref_squeeze %dma_start3A_113 : memref<1x128xi32, #tpu.memory_space<vmem>> -> memref<128xi32, #tpu.memory_space<vmem>>
      %dma_start3A_115 = arith.constant 0 : i32
      %dma_start3A_116 = arith.constant 0 : i32
      %dma_start3A_117 = tpu.memref_slice %arg2[%arg0, %dma_start3A_115, %dma_start3A_116] : memref<2x10000x64xbf16, #tpu.memory_space<hbm>> -> memref<1x10000x64xbf16, #tpu.memory_space<hbm>>
      %dma_start3A_118 = tpu.memref_squeeze %dma_start3A_117 : memref<1x10000x64xbf16, #tpu.memory_space<hbm>> -> memref<10000x64xbf16, #tpu.memory_space<hbm>>
      %dma_start3A_119 = arith.constant 0 : i32
      %dma_start3A_120 = arith.constant 0 : i32
      %dma_start3A_121 = tpu.memref_slice %dma_start3A_118[%dma_start3A_119, %dma_start3A_120] : memref<10000x64xbf16, #tpu.memory_space<hbm>> -> memref<10000x64xbf16, #tpu.memory_space<hbm>>
      tpu.enqueue_indirect_dma source(%dma_start3A_121 : memref<10000x64xbf16, #tpu.memory_space<hbm>>) target(%dma_start3A_111 : memref<128x64xbf16, #tpu.memory_space<vmem>>) offsets(%dma_start3A_114 : memref<128xi32, #tpu.memory_space<vmem>>) semaphore(%arg11 : memref<!tpu.dma_semaphore, #tpu.memory_space<semaphore_mem>>)
      %dma_wait3A_122 = arith.constant 0 : i32
      %dma_wait3A_123 = arith.constant 0 : i32
      %dma_wait3A_124 = arith.constant 0 : i32
      %dma_wait3A_125 = tpu.memref_slice %arg9[%dma_wait3A_122, %dma_wait3A_123, %dma_wait3A_124] : memref<6x128x64xbf16, #tpu.memory_space<vmem>> -> memref<1x128x64xbf16, #tpu.memory_space<vmem>>
      %dma_wait3A_126 = tpu.memref_squeeze %dma_wait3A_125 : memref<1x128x64xbf16, #tpu.memory_space<vmem>> -> memref<128x64xbf16, #tpu.memory_space<vmem>>
      %dma_wait3A_127 = arith.constant 0 : i32
      %dma_wait3A_128 = tpu.memref_slice %arg6[%add3A_73, %dma_wait3A_127] : memref<84x128xi32, #tpu.memory_space<vmem>> -> memref<1x128xi32, #tpu.memory_space<vmem>>
      %dma_wait3A_129 = tpu.memref_squeeze %dma_wait3A_128 : memref<1x128xi32, #tpu.memory_space<vmem>> -> memref<128xi32, #tpu.memory_space<vmem>>
      %dma_wait3A_130 = arith.constant 0 : i32
      %dma_wait3A_131 = arith.constant 0 : i32
      %dma_wait3A_132 = tpu.memref_slice %arg2[%arg0, %dma_wait3A_130, %dma_wait3A_131] : memref<2x10000x64xbf16, #tpu.memory_space<hbm>> -> memref<1x10000x64xbf16, #tpu.memory_space<hbm>>
      %dma_wait3A_133 = tpu.memref_squeeze %dma_wait3A_132 : memref<1x10000x64xbf16, #tpu.memory_space<hbm>> -> memref<10000x64xbf16, #tpu.memory_space<hbm>>
      %dma_wait3A_134 = arith.constant 0 : i32
      %dma_wait3A_135 = arith.constant 0 : i32
      %dma_wait3A_136 = tpu.memref_slice %dma_wait3A_133[%dma_wait3A_134, %dma_wait3A_135] : memref<10000x64xbf16, #tpu.memory_space<hbm>> -> memref<10000x64xbf16, #tpu.memory_space<hbm>>
      tpu.wait_indirect_dma semaphore(%arg11 : memref<!tpu.dma_semaphore, #tpu.memory_space<semaphore_mem>>) src(%dma_wait3A_136 : memref<10000x64xbf16, #tpu.memory_space<hbm>>) dst(%dma_wait3A_126 : memref<128x64xbf16, #tpu.memory_space<vmem>>)
      %dma_wait3A_137 = arith.constant 1 : i32
      %dma_wait3A_138 = arith.constant 0 : i32
      %dma_wait3A_139 = arith.constant 0 : i32
      %dma_wait3A_140 = tpu.memref_slice %arg9[%dma_wait3A_137, %dma_wait3A_138, %dma_wait3A_139] : memref<6x128x64xbf16, #tpu.memory_space<vmem>> -> memref<1x128x64xbf16, #tpu.memory_space<vmem>>
      %dma_wait3A_141 = tpu.memref_squeeze %dma_wait3A_140 : memref<1x128x64xbf16, #tpu.memory_space<vmem>> -> memref<128x64xbf16, #tpu.memory_space<vmem>>
      %dma_wait3A_142 = arith.constant 0 : i32
      %dma_wait3A_143 = tpu.memref_slice %arg6[%add3A_89, %dma_wait3A_142] : memref<84x128xi32, #tpu.memory_space<vmem>> -> memref<1x128xi32, #tpu.memory_space<vmem>>
      %dma_wait3A_144 = tpu.memref_squeeze %dma_wait3A_143 : memref<1x128xi32, #tpu.memory_space<vmem>> -> memref<128xi32, #tpu.memory_space<vmem>>
      %dma_wait3A_145 = arith.constant 0 : i32
      %dma_wait3A_146 = arith.constant 0 : i32
      %dma_wait3A_147 = tpu.memref_slice %arg2[%arg0, %dma_wait3A_145, %dma_wait3A_146] : memref<2x10000x64xbf16, #tpu.memory_space<hbm>> -> memref<1x10000x64xbf16, #tpu.memory_space<hbm>>
      %dma_wait3A_148 = tpu.memref_squeeze %dma_wait3A_147 : memref<1x10000x64xbf16, #tpu.memory_space<hbm>> -> memref<10000x64xbf16, #tpu.memory_space<hbm>>
      %dma_wait3A_149 = arith.constant 0 : i32
      %dma_wait3A_150 = arith.constant 0 : i32
      %dma_wait3A_151 = tpu.memref_slice %dma_wait3A_148[%dma_wait3A_149, %dma_wait3A_150] : memref<10000x64xbf16, #tpu.memory_space<hbm>> -> memref<10000x64xbf16, #tpu.memory_space<hbm>>
      tpu.wait_indirect_dma semaphore(%arg11 : memref<!tpu.dma_semaphore, #tpu.memory_space<semaphore_mem>>) src(%dma_wait3A_151 : memref<10000x64xbf16, #tpu.memory_space<hbm>>) dst(%dma_wait3A_141 : memref<128x64xbf16, #tpu.memory_space<vmem>>)
      %dma_wait3A_152 = arith.constant 2 : i32
      %dma_wait3A_153 = arith.constant 0 : i32
      %dma_wait3A_154 = arith.constant 0 : i32
      %dma_wait3A_155 = tpu.memref_slice %arg9[%dma_wait3A_152, %dma_wait3A_153, %dma_wait3A_154] : memref<6x128x64xbf16, #tpu.memory_space<vmem>> -> memref<1x128x64xbf16, #tpu.memory_space<vmem>>
      %dma_wait3A_156 = tpu.memref_squeeze %dma_wait3A_155 : memref<1x128x64xbf16, #tpu.memory_space<vmem>> -> memref<128x64xbf16, #tpu.memory_space<vmem>>
      %dma_wait3A_157 = arith.constant 0 : i32
      %dma_wait3A_158 = tpu.memref_slice %arg6[%add3A_106, %dma_wait3A_157] : memref<84x128xi32, #tpu.memory_space<vmem>> -> memref<1x128xi32, #tpu.memory_space<vmem>>
      %dma_wait3A_159 = tpu.memref_squeeze %dma_wait3A_158 : memref<1x128xi32, #tpu.memory_space<vmem>> -> memref<128xi32, #tpu.memory_space<vmem>>
      %dma_wait3A_160 = arith.constant 0 : i32
      %dma_wait3A_161 = arith.constant 0 : i32
      %dma_wait3A_162 = tpu.memref_slice %arg2[%arg0, %dma_wait3A_160, %dma_wait3A_161] : memref<2x10000x64xbf16, #tpu.memory_space<hbm>> -> memref<1x10000x64xbf16, #tpu.memory_space<hbm>>
      %dma_wait3A_163 = tpu.memref_squeeze %dma_wait3A_162 : memref<1x10000x64xbf16, #tpu.memory_space<hbm>> -> memref<10000x64xbf16, #tpu.memory_space<hbm>>
      %dma_wait3A_164 = arith.constant 0 : i32
      %dma_wait3A_165 = arith.constant 0 : i32
      %dma_wait3A_166 = tpu.memref_slice %dma_wait3A_163[%dma_wait3A_164, %dma_wait3A_165] : memref<10000x64xbf16, #tpu.memory_space<hbm>> -> memref<10000x64xbf16, #tpu.memory_space<hbm>>
      tpu.wait_indirect_dma semaphore(%arg11 : memref<!tpu.dma_semaphore, #tpu.memory_space<semaphore_mem>>) src(%dma_wait3A_166 : memref<10000x64xbf16, #tpu.memory_space<hbm>>) dst(%dma_wait3A_156 : memref<128x64xbf16, #tpu.memory_space<vmem>>)
      %add3A_167 = arith.constant 0 : i32
      %add3A_168 = arith.addi %mul3A_71, %add3A_167 : i32
      %dma_start3A_169 = arith.constant 0 : i32
      %dma_start3A_170 = arith.constant 0 : i32
      %dma_start3A_171 = arith.constant 0 : i32
      %dma_start3A_172 = tpu.memref_slice %arg9[%dma_start3A_169, %dma_start3A_170, %dma_start3A_171] : memref<6x128x64xbf16, #tpu.memory_space<vmem>> -> memref<1x128x64xbf16, #tpu.memory_space<vmem>>
      %dma_start3A_173 = tpu.memref_squeeze %dma_start3A_172 : memref<1x128x64xbf16, #tpu.memory_space<vmem>> -> memref<128x64xbf16, #tpu.memory_space<vmem>>
      %dma_start3A_174 = arith.constant 0 : i32
      %dma_start3A_175 = tpu.memref_slice %arg7[%add3A_168, %dma_start3A_174] : memref<84x128xi32, #tpu.memory_space<vmem>> -> memref<1x128xi32, #tpu.memory_space<vmem>>
      %dma_start3A_176 = tpu.memref_squeeze %dma_start3A_175 : memref<1x128xi32, #tpu.memory_space<vmem>> -> memref<128xi32, #tpu.memory_space<vmem>>
      %dma_start3A_177 = arith.constant 0 : i32
      %dma_start3A_178 = arith.constant 0 : i32
      %dma_start3A_179 = tpu.memref_slice %arg10[%dma_start3A_177, %dma_start3A_178] : memref<10112x64xbf16, #tpu.memory_space<vmem_shared>> -> memref<10112x64xbf16, #tpu.memory_space<vmem_shared>>
      tpu.enqueue_indirect_dma source(%dma_start3A_173 : memref<128x64xbf16, #tpu.memory_space<vmem>>) target(%dma_start3A_179 : memref<10112x64xbf16, #tpu.memory_space<vmem_shared>>) offsets(%dma_start3A_176 : memref<128xi32, #tpu.memory_space<vmem>>) semaphore(%arg12 : memref<!tpu.dma_semaphore, #tpu.memory_space<semaphore_mem>>) {add = true}
      %add3A_180 = arith.constant 1 : i32
      %add3A_181 = arith.addi %mul3A_71, %add3A_180 : i32
      %dma_start3A_182 = arith.constant 1 : i32
      %dma_start3A_183 = arith.constant 0 : i32
      %dma_start3A_184 = arith.constant 0 : i32
      %dma_start3A_185 = tpu.memref_slice %arg9[%dma_start3A_182, %dma_start3A_183, %dma_start3A_184] : memref<6x128x64xbf16, #tpu.memory_space<vmem>> -> memref<1x128x64xbf16, #tpu.memory_space<vmem>>
      %dma_start3A_186 = tpu.memref_squeeze %dma_start3A_185 : memref<1x128x64xbf16, #tpu.memory_space<vmem>> -> memref<128x64xbf16, #tpu.memory_space<vmem>>
      %dma_start3A_187 = arith.constant 0 : i32
      %dma_start3A_188 = tpu.memref_slice %arg7[%add3A_181, %dma_start3A_187] : memref<84x128xi32, #tpu.memory_space<vmem>> -> memref<1x128xi32, #tpu.memory_space<vmem>>
      %dma_start3A_189 = tpu.memref_squeeze %dma_start3A_188 : memref<1x128xi32, #tpu.memory_space<vmem>> -> memref<128xi32, #tpu.memory_space<vmem>>
      %dma_start3A_190 = arith.constant 0 : i32
      %dma_start3A_191 = arith.constant 0 : i32
      %dma_start3A_192 = tpu.memref_slice %arg10[%dma_start3A_190, %dma_start3A_191] : memref<10112x64xbf16, #tpu.memory_space<vmem_shared>> -> memref<10112x64xbf16, #tpu.memory_space<vmem_shared>>
      tpu.enqueue_indirect_dma source(%dma_start3A_186 : memref<128x64xbf16, #tpu.memory_space<vmem>>) target(%dma_start3A_192 : memref<10112x64xbf16, #tpu.memory_space<vmem_shared>>) offsets(%dma_start3A_189 : memref<128xi32, #tpu.memory_space<vmem>>) semaphore(%arg12 : memref<!tpu.dma_semaphore, #tpu.memory_space<semaphore_mem>>) {add = true}
      %add3A_193 = arith.constant 2 : i32
      %add3A_194 = arith.addi %mul3A_71, %add3A_193 : i32
      %dma_start3A_195 = arith.constant 2 : i32
      %dma_start3A_196 = arith.constant 0 : i32
      %dma_start3A_197 = arith.constant 0 : i32
      %dma_start3A_198 = tpu.memref_slice %arg9[%dma_start3A_195, %dma_start3A_196, %dma_start3A_197] : memref<6x128x64xbf16, #tpu.memory_space<vmem>> -> memref<1x128x64xbf16, #tpu.memory_space<vmem>>
      %dma_start3A_199 = tpu.memref_squeeze %dma_start3A_198 : memref<1x128x64xbf16, #tpu.memory_space<vmem>> -> memref<128x64xbf16, #tpu.memory_space<vmem>>
      %dma_start3A_200 = arith.constant 0 : i32
      %dma_start3A_201 = tpu.memref_slice %arg7[%add3A_194, %dma_start3A_200] : memref<84x128xi32, #tpu.memory_space<vmem>> -> memref<1x128xi32, #tpu.memory_space<vmem>>
      %dma_start3A_202 = tpu.memref_squeeze %dma_start3A_201 : memref<1x128xi32, #tpu.memory_space<vmem>> -> memref<128xi32, #tpu.memory_space<vmem>>
      %dma_start3A_203 = arith.constant 0 : i32
      %dma_start3A_204 = arith.constant 0 : i32
      %dma_start3A_205 = tpu.memref_slice %arg10[%dma_start3A_203, %dma_start3A_204] : memref<10112x64xbf16, #tpu.memory_space<vmem_shared>> -> memref<10112x64xbf16, #tpu.memory_space<vmem_shared>>
      tpu.enqueue_indirect_dma source(%dma_start3A_199 : memref<128x64xbf16, #tpu.memory_space<vmem>>) target(%dma_start3A_205 : memref<10112x64xbf16, #tpu.memory_space<vmem_shared>>) offsets(%dma_start3A_202 : memref<128xi32, #tpu.memory_space<vmem>>) semaphore(%arg12 : memref<!tpu.dma_semaphore, #tpu.memory_space<semaphore_mem>>) {add = true}
      %add3A_206 = arith.constant 3 : i32
      %add3A_207 = arith.addi %mul3A_71, %add3A_206 : i32
      %dma_start3A_208 = arith.constant 3 : i32
      %dma_start3A_209 = arith.constant 0 : i32
      %dma_start3A_210 = arith.constant 0 : i32
      %dma_start3A_211 = tpu.memref_slice %arg9[%dma_start3A_208, %dma_start3A_209, %dma_start3A_210] : memref<6x128x64xbf16, #tpu.memory_space<vmem>> -> memref<1x128x64xbf16, #tpu.memory_space<vmem>>
      %dma_start3A_212 = tpu.memref_squeeze %dma_start3A_211 : memref<1x128x64xbf16, #tpu.memory_space<vmem>> -> memref<128x64xbf16, #tpu.memory_space<vmem>>
      %dma_start3A_213 = arith.constant 0 : i32
      %dma_start3A_214 = tpu.memref_slice %arg6[%add3A_207, %dma_start3A_213] : memref<84x128xi32, #tpu.memory_space<vmem>> -> memref<1x128xi32, #tpu.memory_space<vmem>>
      %dma_start3A_215 = tpu.memref_squeeze %dma_start3A_214 : memref<1x128xi32, #tpu.memory_space<vmem>> -> memref<128xi32, #tpu.memory_space<vmem>>
      %dma_start3A_216 = arith.constant 0 : i32
      %dma_start3A_217 = arith.constant 0 : i32
      %dma_start3A_218 = tpu.memref_slice %arg2[%arg0, %dma_start3A_216, %dma_start3A_217] : memref<2x10000x64xbf16, #tpu.memory_space<hbm>> -> memref<1x10000x64xbf16, #tpu.memory_space<hbm>>
      %dma_start3A_219 = tpu.memref_squeeze %dma_start3A_218 : memref<1x10000x64xbf16, #tpu.memory_space<hbm>> -> memref<10000x64xbf16, #tpu.memory_space<hbm>>
      %dma_start3A_220 = arith.constant 0 : i32
      %dma_start3A_221 = arith.constant 0 : i32
      %dma_start3A_222 = tpu.memref_slice %dma_start3A_219[%dma_start3A_220, %dma_start3A_221] : memref<10000x64xbf16, #tpu.memory_space<hbm>> -> memref<10000x64xbf16, #tpu.memory_space<hbm>>
      tpu.enqueue_indirect_dma source(%dma_start3A_222 : memref<10000x64xbf16, #tpu.memory_space<hbm>>) target(%dma_start3A_212 : memref<128x64xbf16, #tpu.memory_space<vmem>>) offsets(%dma_start3A_215 : memref<128xi32, #tpu.memory_space<vmem>>) semaphore(%arg11 : memref<!tpu.dma_semaphore, #tpu.memory_space<semaphore_mem>>)
      %add3A_223 = arith.constant 4 : i32
      %add3A_224 = arith.addi %mul3A_71, %add3A_223 : i32
      %dma_start3A_225 = arith.constant 4 : i32
      %dma_start3A_226 = arith.constant 0 : i32
      %dma_start3A_227 = arith.constant 0 : i32
      %dma_start3A_228 = tpu.memref_slice %arg9[%dma_start3A_225, %dma_start3A_226, %dma_start3A_227] : memref<6x128x64xbf16, #tpu.memory_space<vmem>> -> memref<1x128x64xbf16, #tpu.memory_space<vmem>>
      %dma_start3A_229 = tpu.memref_squeeze %dma_start3A_228 : memref<1x128x64xbf16, #tpu.memory_space<vmem>> -> memref<128x64xbf16, #tpu.memory_space<vmem>>
      %dma_start3A_230 = arith.constant 0 : i32
      %dma_start3A_231 = tpu.memref_slice %arg6[%add3A_224, %dma_start3A_230] : memref<84x128xi32, #tpu.memory_space<vmem>> -> memref<1x128xi32, #tpu.memory_space<vmem>>
      %dma_start3A_232 = tpu.memref_squeeze %dma_start3A_231 : memref<1x128xi32, #tpu.memory_space<vmem>> -> memref<128xi32, #tpu.memory_space<vmem>>
      %dma_start3A_233 = arith.constant 0 : i32
      %dma_start3A_234 = arith.constant 0 : i32
      %dma_start3A_235 = tpu.memref_slice %arg2[%arg0, %dma_start3A_233, %dma_start3A_234] : memref<2x10000x64xbf16, #tpu.memory_space<hbm>> -> memref<1x10000x64xbf16, #tpu.memory_space<hbm>>
      %dma_start3A_236 = tpu.memref_squeeze %dma_start3A_235 : memref<1x10000x64xbf16, #tpu.memory_space<hbm>> -> memref<10000x64xbf16, #tpu.memory_space<hbm>>
      %dma_start3A_237 = arith.constant 0 : i32
      %dma_start3A_238 = arith.constant 0 : i32
      %dma_start3A_239 = tpu.memref_slice %dma_start3A_236[%dma_start3A_237, %dma_start3A_238] : memref<10000x64xbf16, #tpu.memory_space<hbm>> -> memref<10000x64xbf16, #tpu.memory_space<hbm>>
      tpu.enqueue_indirect_dma source(%dma_start3A_239 : memref<10000x64xbf16, #tpu.memory_space<hbm>>) target(%dma_start3A_229 : memref<128x64xbf16, #tpu.memory_space<vmem>>) offsets(%dma_start3A_232 : memref<128xi32, #tpu.memory_space<vmem>>) semaphore(%arg11 : memref<!tpu.dma_semaphore, #tpu.memory_space<semaphore_mem>>)
      %add3A_240 = arith.constant 5 : i32
      %add3A_241 = arith.addi %mul3A_71, %add3A_240 : i32
      %dma_start3A_242 = arith.constant 5 : i32
      %dma_start3A_243 = arith.constant 0 : i32
      %dma_start3A_244 = arith.constant 0 : i32
      %dma_start3A_245 = tpu.memref_slice %arg9[%dma_start3A_242, %dma_start3A_243, %dma_start3A_244] : memref<6x128x64xbf16, #tpu.memory_space<vmem>> -> memref<1x128x64xbf16, #tpu.memory_space<vmem>>
      %dma_start3A_246 = tpu.memref_squeeze %dma_start3A_245 : memref<1x128x64xbf16, #tpu.memory_space<vmem>> -> memref<128x64xbf16, #tpu.memory_space<vmem>>
      %dma_start3A_247 = arith.constant 0 : i32
      %dma_start3A_248 = tpu.memref_slice %arg6[%add3A_241, %dma_start3A_247] : memref<84x128xi32, #tpu.memory_space<vmem>> -> memref<1x128xi32, #tpu.memory_space<vmem>>
      %dma_start3A_249 = tpu.memref_squeeze %dma_start3A_248 : memref<1x128xi32, #tpu.memory_space<vmem>> -> memref<128xi32, #tpu.memory_space<vmem>>
      %dma_start3A_250 = arith.constant 0 : i32
      %dma_start3A_251 = arith.constant 0 : i32
      %dma_start3A_252 = tpu.memref_slice %arg2[%arg0, %dma_start3A_250, %dma_start3A_251] : memref<2x10000x64xbf16, #tpu.memory_space<hbm>> -> memref<1x10000x64xbf16, #tpu.memory_space<hbm>>
      %dma_start3A_253 = tpu.memref_squeeze %dma_start3A_252 : memref<1x10000x64xbf16, #tpu.memory_space<hbm>> -> memref<10000x64xbf16, #tpu.memory_space<hbm>>
      %dma_start3A_254 = arith.constant 0 : i32
      %dma_start3A_255 = arith.constant 0 : i32
      %dma_start3A_256 = tpu.memref_slice %dma_start3A_253[%dma_start3A_254, %dma_start3A_255] : memref<10000x64xbf16, #tpu.memory_space<hbm>> -> memref<10000x64xbf16, #tpu.memory_space<hbm>>
      tpu.enqueue_indirect_dma source(%dma_start3A_256 : memref<10000x64xbf16, #tpu.memory_space<hbm>>) target(%dma_start3A_246 : memref<128x64xbf16, #tpu.memory_space<vmem>>) offsets(%dma_start3A_249 : memref<128xi32, #tpu.memory_space<vmem>>) semaphore(%arg11 : memref<!tpu.dma_semaphore, #tpu.memory_space<semaphore_mem>>)
      %dma_wait3A_257 = arith.constant 3 : i32
      %dma_wait3A_258 = arith.constant 0 : i32
      %dma_wait3A_259 = arith.constant 0 : i32
      %dma_wait3A_260 = tpu.memref_slice %arg9[%dma_wait3A_257, %dma_wait3A_258, %dma_wait3A_259] : memref<6x128x64xbf16, #tpu.memory_space<vmem>> -> memref<1x128x64xbf16, #tpu.memory_space<vmem>>
      %dma_wait3A_261 = tpu.memref_squeeze %dma_wait3A_260 : memref<1x128x64xbf16, #tpu.memory_space<vmem>> -> memref<128x64xbf16, #tpu.memory_space<vmem>>
      %dma_wait3A_262 = arith.constant 0 : i32
      %dma_wait3A_263 = tpu.memref_slice %arg6[%add3A_207, %dma_wait3A_262] : memref<84x128xi32, #tpu.memory_space<vmem>> -> memref<1x128xi32, #tpu.memory_space<vmem>>
      %dma_wait3A_264 = tpu.memref_squeeze %dma_wait3A_263 : memref<1x128xi32, #tpu.memory_space<vmem>> -> memref<128xi32, #tpu.memory_space<vmem>>
      %dma_wait3A_265 = arith.constant 0 : i32
      %dma_wait3A_266 = arith.constant 0 : i32
      %dma_wait3A_267 = tpu.memref_slice %arg2[%arg0, %dma_wait3A_265, %dma_wait3A_266] : memref<2x10000x64xbf16, #tpu.memory_space<hbm>> -> memref<1x10000x64xbf16, #tpu.memory_space<hbm>>
      %dma_wait3A_268 = tpu.memref_squeeze %dma_wait3A_267 : memref<1x10000x64xbf16, #tpu.memory_space<hbm>> -> memref<10000x64xbf16, #tpu.memory_space<hbm>>
      %dma_wait3A_269 = arith.constant 0 : i32
      %dma_wait3A_270 = arith.constant 0 : i32
      %dma_wait3A_271 = tpu.memref_slice %dma_wait3A_268[%dma_wait3A_269, %dma_wait3A_270] : memref<10000x64xbf16, #tpu.memory_space<hbm>> -> memref<10000x64xbf16, #tpu.memory_space<hbm>>
      tpu.wait_indirect_dma semaphore(%arg11 : memref<!tpu.dma_semaphore, #tpu.memory_space<semaphore_mem>>) src(%dma_wait3A_271 : memref<10000x64xbf16, #tpu.memory_space<hbm>>) dst(%dma_wait3A_261 : memref<128x64xbf16, #tpu.memory_space<vmem>>)
      %dma_wait3A_272 = arith.constant 4 : i32
      %dma_wait3A_273 = arith.constant 0 : i32
      %dma_wait3A_274 = arith.constant 0 : i32
      %dma_wait3A_275 = tpu.memref_slice %arg9[%dma_wait3A_272, %dma_wait3A_273, %dma_wait3A_274] : memref<6x128x64xbf16, #tpu.memory_space<vmem>> -> memref<1x128x64xbf16, #tpu.memory_space<vmem>>
      %dma_wait3A_276 = tpu.memref_squeeze %dma_wait3A_275 : memref<1x128x64xbf16, #tpu.memory_space<vmem>> -> memref<128x64xbf16, #tpu.memory_space<vmem>>
      %dma_wait3A_277 = arith.constant 0 : i32
      %dma_wait3A_278 = tpu.memref_slice %arg6[%add3A_224, %dma_wait3A_277] : memref<84x128xi32, #tpu.memory_space<vmem>> -> memref<1x128xi32, #tpu.memory_space<vmem>>
      %dma_wait3A_279 = tpu.memref_squeeze %dma_wait3A_278 : memref<1x128xi32, #tpu.memory_space<vmem>> -> memref<128xi32, #tpu.memory_space<vmem>>
      %dma_wait3A_280 = arith.constant 0 : i32
      %dma_wait3A_281 = arith.constant 0 : i32
      %dma_wait3A_282 = tpu.memref_slice %arg2[%arg0, %dma_wait3A_280, %dma_wait3A_281] : memref<2x10000x64xbf16, #tpu.memory_space<hbm>> -> memref<1x10000x64xbf16, #tpu.memory_space<hbm>>
      %dma_wait3A_283 = tpu.memref_squeeze %dma_wait3A_282 : memref<1x10000x64xbf16, #tpu.memory_space<hbm>> -> memref<10000x64xbf16, #tpu.memory_space<hbm>>
      %dma_wait3A_284 = arith.constant 0 : i32
      %dma_wait3A_285 = arith.constant 0 : i32
      %dma_wait3A_286 = tpu.memref_slice %dma_wait3A_283[%dma_wait3A_284, %dma_wait3A_285] : memref<10000x64xbf16, #tpu.memory_space<hbm>> -> memref<10000x64xbf16, #tpu.memory_space<hbm>>
      tpu.wait_indirect_dma semaphore(%arg11 : memref<!tpu.dma_semaphore, #tpu.memory_space<semaphore_mem>>) src(%dma_wait3A_286 : memref<10000x64xbf16, #tpu.memory_space<hbm>>) dst(%dma_wait3A_276 : memref<128x64xbf16, #tpu.memory_space<vmem>>)
      %dma_wait3A_287 = arith.constant 5 : i32
      %dma_wait3A_288 = arith.constant 0 : i32
      %dma_wait3A_289 = arith.constant 0 : i32
      %dma_wait3A_290 = tpu.memref_slice %arg9[%dma_wait3A_287, %dma_wait3A_288, %dma_wait3A_289] : memref<6x128x64xbf16, #tpu.memory_space<vmem>> -> memref<1x128x64xbf16, #tpu.memory_space<vmem>>
      %dma_wait3A_291 = tpu.memref_squeeze %dma_wait3A_290 : memref<1x128x64xbf16, #tpu.memory_space<vmem>> -> memref<128x64xbf16, #tpu.memory_space<vmem>>
      %dma_wait3A_292 = arith.constant 0 : i32
      %dma_wait3A_293 = tpu.memref_slice %arg6[%add3A_241, %dma_wait3A_292] : memref<84x128xi32, #tpu.memory_space<vmem>> -> memref<1x128xi32, #tpu.memory_space<vmem>>
      %dma_wait3A_294 = tpu.memref_squeeze %dma_wait3A_293 : memref<1x128xi32, #tpu.memory_space<vmem>> -> memref<128xi32, #tpu.memory_space<vmem>>
      %dma_wait3A_295 = arith.constant 0 : i32
      %dma_wait3A_296 = arith.constant 0 : i32
      %dma_wait3A_297 = tpu.memref_slice %arg2[%arg0, %dma_wait3A_295, %dma_wait3A_296] : memref<2x10000x64xbf16, #tpu.memory_space<hbm>> -> memref<1x10000x64xbf16, #tpu.memory_space<hbm>>
      %dma_wait3A_298 = tpu.memref_squeeze %dma_wait3A_297 : memref<1x10000x64xbf16, #tpu.memory_space<hbm>> -> memref<10000x64xbf16, #tpu.memory_space<hbm>>
      %dma_wait3A_299 = arith.constant 0 : i32
      %dma_wait3A_300 = arith.constant 0 : i32
      %dma_wait3A_301 = tpu.memref_slice %dma_wait3A_298[%dma_wait3A_299, %dma_wait3A_300] : memref<10000x64xbf16, #tpu.memory_space<hbm>> -> memref<10000x64xbf16, #tpu.memory_space<hbm>>
      tpu.wait_indirect_dma semaphore(%arg11 : memref<!tpu.dma_semaphore, #tpu.memory_space<semaphore_mem>>) src(%dma_wait3A_301 : memref<10000x64xbf16, #tpu.memory_space<hbm>>) dst(%dma_wait3A_291 : memref<128x64xbf16, #tpu.memory_space<vmem>>)
      %dma_wait3A_302 = arith.constant 0 : i32
      %dma_wait3A_303 = arith.constant 0 : i32
      %dma_wait3A_304 = arith.constant 0 : i32
      %dma_wait3A_305 = tpu.memref_slice %arg9[%dma_wait3A_302, %dma_wait3A_303, %dma_wait3A_304] : memref<6x128x64xbf16, #tpu.memory_space<vmem>> -> memref<1x128x64xbf16, #tpu.memory_space<vmem>>
      %dma_wait3A_306 = tpu.memref_squeeze %dma_wait3A_305 : memref<1x128x64xbf16, #tpu.memory_space<vmem>> -> memref<128x64xbf16, #tpu.memory_space<vmem>>
      %dma_wait3A_307 = arith.constant 0 : i32
      %dma_wait3A_308 = tpu.memref_slice %arg7[%add3A_168, %dma_wait3A_307] : memref<84x128xi32, #tpu.memory_space<vmem>> -> memref<1x128xi32, #tpu.memory_space<vmem>>
      %dma_wait3A_309 = tpu.memref_squeeze %dma_wait3A_308 : memref<1x128xi32, #tpu.memory_space<vmem>> -> memref<128xi32, #tpu.memory_space<vmem>>
      %dma_wait3A_310 = arith.constant 0 : i32
      %dma_wait3A_311 = arith.constant 0 : i32
      %dma_wait3A_312 = tpu.memref_slice %arg10[%dma_wait3A_310, %dma_wait3A_311] : memref<10112x64xbf16, #tpu.memory_space<vmem_shared>> -> memref<10112x64xbf16, #tpu.memory_space<vmem_shared>>
      tpu.wait_indirect_dma semaphore(%arg12 : memref<!tpu.dma_semaphore, #tpu.memory_space<semaphore_mem>>) src(%dma_wait3A_306 : memref<128x64xbf16, #tpu.memory_space<vmem>>) dst(%dma_wait3A_312 : memref<10112x64xbf16, #tpu.memory_space<vmem_shared>>)
      %dma_wait3A_313 = arith.constant 1 : i32
      %dma_wait3A_314 = arith.constant 0 : i32
      %dma_wait3A_315 = arith.constant 0 : i32
      %dma_wait3A_316 = tpu.memref_slice %arg9[%dma_wait3A_313, %dma_wait3A_314, %dma_wait3A_315] : memref<6x128x64xbf16, #tpu.memory_space<vmem>> -> memref<1x128x64xbf16, #tpu.memory_space<vmem>>
      %dma_wait3A_317 = tpu.memref_squeeze %dma_wait3A_316 : memref<1x128x64xbf16, #tpu.memory_space<vmem>> -> memref<128x64xbf16, #tpu.memory_space<vmem>>
      %dma_wait3A_318 = arith.constant 0 : i32
      %dma_wait3A_319 = tpu.memref_slice %arg7[%add3A_181, %dma_wait3A_318] : memref<84x128xi32, #tpu.memory_space<vmem>> -> memref<1x128xi32, #tpu.memory_space<vmem>>
      %dma_wait3A_320 = tpu.memref_squeeze %dma_wait3A_319 : memref<1x128xi32, #tpu.memory_space<vmem>> -> memref<128xi32, #tpu.memory_space<vmem>>
      %dma_wait3A_321 = arith.constant 0 : i32
      %dma_wait3A_322 = arith.constant 0 : i32
      %dma_wait3A_323 = tpu.memref_slice %arg10[%dma_wait3A_321, %dma_wait3A_322] : memref<10112x64xbf16, #tpu.memory_space<vmem_shared>> -> memref<10112x64xbf16, #tpu.memory_space<vmem_shared>>
      tpu.wait_indirect_dma semaphore(%arg12 : memref<!tpu.dma_semaphore, #tpu.memory_space<semaphore_mem>>) src(%dma_wait3A_317 : memref<128x64xbf16, #tpu.memory_space<vmem>>) dst(%dma_wait3A_323 : memref<10112x64xbf16, #tpu.memory_space<vmem_shared>>)
      %dma_wait3A_324 = arith.constant 2 : i32
      %dma_wait3A_325 = arith.constant 0 : i32
      %dma_wait3A_326 = arith.constant 0 : i32
      %dma_wait3A_327 = tpu.memref_slice %arg9[%dma_wait3A_324, %dma_wait3A_325, %dma_wait3A_326] : memref<6x128x64xbf16, #tpu.memory_space<vmem>> -> memref<1x128x64xbf16, #tpu.memory_space<vmem>>
      %dma_wait3A_328 = tpu.memref_squeeze %dma_wait3A_327 : memref<1x128x64xbf16, #tpu.memory_space<vmem>> -> memref<128x64xbf16, #tpu.memory_space<vmem>>
      %dma_wait3A_329 = arith.constant 0 : i32
      %dma_wait3A_330 = tpu.memref_slice %arg7[%add3A_194, %dma_wait3A_329] : memref<84x128xi32, #tpu.memory_space<vmem>> -> memref<1x128xi32, #tpu.memory_space<vmem>>
      %dma_wait3A_331 = tpu.memref_squeeze %dma_wait3A_330 : memref<1x128xi32, #tpu.memory_space<vmem>> -> memref<128xi32, #tpu.memory_space<vmem>>
      %dma_wait3A_332 = arith.constant 0 : i32
      %dma_wait3A_333 = arith.constant 0 : i32
      %dma_wait3A_334 = tpu.memref_slice %arg10[%dma_wait3A_332, %dma_wait3A_333] : memref<10112x64xbf16, #tpu.memory_space<vmem_shared>> -> memref<10112x64xbf16, #tpu.memory_space<vmem_shared>>
      tpu.wait_indirect_dma semaphore(%arg12 : memref<!tpu.dma_semaphore, #tpu.memory_space<semaphore_mem>>) src(%dma_wait3A_328 : memref<128x64xbf16, #tpu.memory_space<vmem>>) dst(%dma_wait3A_334 : memref<10112x64xbf16, #tpu.memory_space<vmem_shared>>)
      %add3A_335 = arith.constant 3 : i32
      %add3A_336 = arith.addi %mul3A_71, %add3A_335 : i32
      %dma_start3A_337 = arith.constant 3 : i32
      %dma_start3A_338 = arith.constant 0 : i32
      %dma_start3A_339 = arith.constant 0 : i32
      %dma_start3A_340 = tpu.memref_slice %arg9[%dma_start3A_337, %dma_start3A_338, %dma_start3A_339] : memref<6x128x64xbf16, #tpu.memory_space<vmem>> -> memref<1x128x64xbf16, #tpu.memory_space<vmem>>
      %dma_start3A_341 = tpu.memref_squeeze %dma_start3A_340 : memref<1x128x64xbf16, #tpu.memory_space<vmem>> -> memref<128x64xbf16, #tpu.memory_space<vmem>>
      %dma_start3A_342 = arith.constant 0 : i32
      %dma_start3A_343 = tpu.memref_slice %arg7[%add3A_336, %dma_start3A_342] : memref<84x128xi32, #tpu.memory_space<vmem>> -> memref<1x128xi32, #tpu.memory_space<vmem>>
      %dma_start3A_344 = tpu.memref_squeeze %dma_start3A_343 : memref<1x128xi32, #tpu.memory_space<vmem>> -> memref<128xi32, #tpu.memory_space<vmem>>
      %dma_start3A_345 = arith.constant 0 : i32
      %dma_start3A_346 = arith.constant 0 : i32
      %dma_start3A_347 = tpu.memref_slice %arg10[%dma_start3A_345, %dma_start3A_346] : memref<10112x64xbf16, #tpu.memory_space<vmem_shared>> -> memref<10112x64xbf16, #tpu.memory_space<vmem_shared>>
      tpu.enqueue_indirect_dma source(%dma_start3A_341 : memref<128x64xbf16, #tpu.memory_space<vmem>>) target(%dma_start3A_347 : memref<10112x64xbf16, #tpu.memory_space<vmem_shared>>) offsets(%dma_start3A_344 : memref<128xi32, #tpu.memory_space<vmem>>) semaphore(%arg12 : memref<!tpu.dma_semaphore, #tpu.memory_space<semaphore_mem>>) {add = true}
      %add3A_348 = arith.constant 4 : i32
      %add3A_349 = arith.addi %mul3A_71, %add3A_348 : i32
      %dma_start3A_350 = arith.constant 4 : i32
      %dma_start3A_351 = arith.constant 0 : i32
      %dma_start3A_352 = arith.constant 0 : i32
      %dma_start3A_353 = tpu.memref_slice %arg9[%dma_start3A_350, %dma_start3A_351, %dma_start3A_352] : memref<6x128x64xbf16, #tpu.memory_space<vmem>> -> memref<1x128x64xbf16, #tpu.memory_space<vmem>>
      %dma_start3A_354 = tpu.memref_squeeze %dma_start3A_353 : memref<1x128x64xbf16, #tpu.memory_space<vmem>> -> memref<128x64xbf16, #tpu.memory_space<vmem>>
      %dma_start3A_355 = arith.constant 0 : i32
      %dma_start3A_356 = tpu.memref_slice %arg7[%add3A_349, %dma_start3A_355] : memref<84x128xi32, #tpu.memory_space<vmem>> -> memref<1x128xi32, #tpu.memory_space<vmem>>
      %dma_start3A_357 = tpu.memref_squeeze %dma_start3A_356 : memref<1x128xi32, #tpu.memory_space<vmem>> -> memref<128xi32, #tpu.memory_space<vmem>>
      %dma_start3A_358 = arith.constant 0 : i32
      %dma_start3A_359 = arith.constant 0 : i32
      %dma_start3A_360 = tpu.memref_slice %arg10[%dma_start3A_358, %dma_start3A_359] : memref<10112x64xbf16, #tpu.memory_space<vmem_shared>> -> memref<10112x64xbf16, #tpu.memory_space<vmem_shared>>
      tpu.enqueue_indirect_dma source(%dma_start3A_354 : memref<128x64xbf16, #tpu.memory_space<vmem>>) target(%dma_start3A_360 : memref<10112x64xbf16, #tpu.memory_space<vmem_shared>>) offsets(%dma_start3A_357 : memref<128xi32, #tpu.memory_space<vmem>>) semaphore(%arg12 : memref<!tpu.dma_semaphore, #tpu.memory_space<semaphore_mem>>) {add = true}
      %add3A_361 = arith.constant 5 : i32
      %add3A_362 = arith.addi %mul3A_71, %add3A_361 : i32
      %dma_start3A_363 = arith.constant 5 : i32
      %dma_start3A_364 = arith.constant 0 : i32
      %dma_start3A_365 = arith.constant 0 : i32
      %dma_start3A_366 = tpu.memref_slice %arg9[%dma_start3A_363, %dma_start3A_364, %dma_start3A_365] : memref<6x128x64xbf16, #tpu.memory_space<vmem>> -> memref<1x128x64xbf16, #tpu.memory_space<vmem>>
      %dma_start3A_367 = tpu.memref_squeeze %dma_start3A_366 : memref<1x128x64xbf16, #tpu.memory_space<vmem>> -> memref<128x64xbf16, #tpu.memory_space<vmem>>
      %dma_start3A_368 = arith.constant 0 : i32
      %dma_start3A_369 = tpu.memref_slice %arg7[%add3A_362, %dma_start3A_368] : memref<84x128xi32, #tpu.memory_space<vmem>> -> memref<1x128xi32, #tpu.memory_space<vmem>>
      %dma_start3A_370 = tpu.memref_squeeze %dma_start3A_369 : memref<1x128xi32, #tpu.memory_space<vmem>> -> memref<128xi32, #tpu.memory_space<vmem>>
      %dma_start3A_371 = arith.constant 0 : i32
      %dma_start3A_372 = arith.constant 0 : i32
      %dma_start3A_373 = tpu.memref_slice %arg10[%dma_start3A_371, %dma_start3A_372] : memref<10112x64xbf16, #tpu.memory_space<vmem_shared>> -> memref<10112x64xbf16, #tpu.memory_space<vmem_shared>>
      tpu.enqueue_indirect_dma source(%dma_start3A_367 : memref<128x64xbf16, #tpu.memory_space<vmem>>) target(%dma_start3A_373 : memref<10112x64xbf16, #tpu.memory_space<vmem_shared>>) offsets(%dma_start3A_370 : memref<128xi32, #tpu.memory_space<vmem>>) semaphore(%arg12 : memref<!tpu.dma_semaphore, #tpu.memory_space<semaphore_mem>>) {add = true}
    }
    %scan3A_22 = arith.constant 14 : i32
    %dma_wait3A = arith.constant 0 : i32
    %dma_wait3A_23 = arith.constant 0 : i32
    %dma_wait3A_24 = arith.constant 0 : i32
    %dma_wait3A_25 = arith.constant 0 : i32
    %dma_wait3A_26 = tpu.memref_slice %arg9[%dma_wait3A, %dma_wait3A_24, %dma_wait3A_25] : memref<6x128x64xbf16, #tpu.memory_space<vmem>> -> memref<1x128x64xbf16, #tpu.memory_space<vmem>>
    %dma_wait3A_27 = tpu.memref_squeeze %dma_wait3A_26 : memref<1x128x64xbf16, #tpu.memory_space<vmem>> -> memref<128x64xbf16, #tpu.memory_space<vmem>>
    %dma_wait3A_28 = arith.constant 0 : i32
    %dma_wait3A_29 = tpu.memref_slice %arg7[%dma_wait3A_23, %dma_wait3A_28] : memref<84x128xi32, #tpu.memory_space<vmem>> -> memref<1x128xi32, #tpu.memory_space<vmem>>
    %dma_wait3A_30 = tpu.memref_squeeze %dma_wait3A_29 : memref<1x128xi32, #tpu.memory_space<vmem>> -> memref<128xi32, #tpu.memory_space<vmem>>
    %dma_wait3A_31 = arith.constant 0 : i32
    %dma_wait3A_32 = arith.constant 0 : i32
    %dma_wait3A_33 = tpu.memref_slice %arg10[%dma_wait3A_31, %dma_wait3A_32] : memref<10112x64xbf16, #tpu.memory_space<vmem_shared>> -> memref<10112x64xbf16, #tpu.memory_space<vmem_shared>>
    tpu.wait_indirect_dma semaphore(%arg12 : memref<!tpu.dma_semaphore, #tpu.memory_space<semaphore_mem>>) src(%dma_wait3A_27 : memref<128x64xbf16, #tpu.memory_space<vmem>>) dst(%dma_wait3A_33 : memref<10112x64xbf16, #tpu.memory_space<vmem_shared>>)
    %dma_wait3A_34 = arith.constant 0 : i32
    %dma_wait3A_35 = arith.constant 0 : i32
    %dma_wait3A_36 = arith.constant 0 : i32
    %dma_wait3A_37 = arith.constant 0 : i32
    %dma_wait3A_38 = tpu.memref_slice %arg9[%dma_wait3A_34, %dma_wait3A_36, %dma_wait3A_37] : memref<6x128x64xbf16, #tpu.memory_space<vmem>> -> memref<1x128x64xbf16, #tpu.memory_space<vmem>>
    %dma_wait3A_39 = tpu.memref_squeeze %dma_wait3A_38 : memref<1x128x64xbf16, #tpu.memory_space<vmem>> -> memref<128x64xbf16, #tpu.memory_space<vmem>>
    %dma_wait3A_40 = arith.constant 0 : i32
    %dma_wait3A_41 = tpu.memref_slice %arg7[%dma_wait3A_35, %dma_wait3A_40] : memref<84x128xi32, #tpu.memory_space<vmem>> -> memref<1x128xi32, #tpu.memory_space<vmem>>
    %dma_wait3A_42 = tpu.memref_squeeze %dma_wait3A_41 : memref<1x128xi32, #tpu.memory_space<vmem>> -> memref<128xi32, #tpu.memory_space<vmem>>
    %dma_wait3A_43 = arith.constant 0 : i32
    %dma_wait3A_44 = arith.constant 0 : i32
    %dma_wait3A_45 = tpu.memref_slice %arg10[%dma_wait3A_43, %dma_wait3A_44] : memref<10112x64xbf16, #tpu.memory_space<vmem_shared>> -> memref<10112x64xbf16, #tpu.memory_space<vmem_shared>>
    tpu.wait_indirect_dma semaphore(%arg12 : memref<!tpu.dma_semaphore, #tpu.memory_space<semaphore_mem>>) src(%dma_wait3A_39 : memref<128x64xbf16, #tpu.memory_space<vmem>>) dst(%dma_wait3A_45 : memref<10112x64xbf16, #tpu.memory_space<vmem_shared>>)
    %dma_wait3A_46 = arith.constant 0 : i32
    %dma_wait3A_47 = arith.constant 0 : i32
    %dma_wait3A_48 = arith.constant 0 : i32
    %dma_wait3A_49 = arith.constant 0 : i32
    %dma_wait3A_50 = tpu.memref_slice %arg9[%dma_wait3A_46, %dma_wait3A_48, %dma_wait3A_49] : memref<6x128x64xbf16, #tpu.memory_space<vmem>> -> memref<1x128x64xbf16, #tpu.memory_space<vmem>>
    %dma_wait3A_51 = tpu.memref_squeeze %dma_wait3A_50 : memref<1x128x64xbf16, #tpu.memory_space<vmem>> -> memref<128x64xbf16, #tpu.memory_space<vmem>>
    %dma_wait3A_52 = arith.constant 0 : i32
    %dma_wait3A_53 = tpu.memref_slice %arg7[%dma_wait3A_47, %dma_wait3A_52] : memref<84x128xi32, #tpu.memory_space<vmem>> -> memref<1x128xi32, #tpu.memory_space<vmem>>
    %dma_wait3A_54 = tpu.memref_squeeze %dma_wait3A_53 : memref<1x128xi32, #tpu.memory_space<vmem>> -> memref<128xi32, #tpu.memory_space<vmem>>
    %dma_wait3A_55 = arith.constant 0 : i32
    %dma_wait3A_56 = arith.constant 0 : i32
    %dma_wait3A_57 = tpu.memref_slice %arg10[%dma_wait3A_55, %dma_wait3A_56] : memref<10112x64xbf16, #tpu.memory_space<vmem_shared>> -> memref<10112x64xbf16, #tpu.memory_space<vmem_shared>>
    tpu.wait_indirect_dma semaphore(%arg12 : memref<!tpu.dma_semaphore, #tpu.memory_space<semaphore_mem>>) src(%dma_wait3A_51 : memref<128x64xbf16, #tpu.memory_space<vmem>>) dst(%dma_wait3A_57 : memref<10112x64xbf16, #tpu.memory_space<vmem_shared>>)
    %barrier3A_58 = arith.constant 0 : index
    tpu.barrier barrier_id(%barrier3A_58)
    %lt3A = arith.constant 15 : i32
    %lt3A_59 = arith.cmpi slt, %arg1, %lt3A : i32
    %convert_element_type3A = arith.extui %lt3A_59 : i1 to i32
    %cond3A = arith.constant 0 : i32
    %cond3A_60 = arith.cmpi ne, %convert_element_type3A, %cond3A : i32
    scf.if %cond3A_60 {
      "tpu.region"() ({
        %run_scoped3A = tpu.sem_alloc : memref<!tpu.dma_semaphore, #tpu.memory_space<semaphore_mem>>
        %dma_start3A = arith.constant 0 : i32
        %dma_start3A_65 = tpu.memref_slice %arg5[%arg0, %mul3A_0, %dma_start3A] : memref<2x10000x64xbf16, #tpu.memory_space<hbm>> -> memref<1x632x64xbf16, #tpu.memory_space<hbm>>
        %dma_start3A_66 = tpu.memref_squeeze %dma_start3A_65 : memref<1x632x64xbf16, #tpu.memory_space<hbm>> -> memref<632x64xbf16, #tpu.memory_space<hbm>>
        %dma_start3A_67 = arith.constant 0 : i32
        %dma_start3A_68 = tpu.memref_slice %arg10[%mul3A_0, %dma_start3A_67] : memref<10112x64xbf16, #tpu.memory_space<vmem_shared>> -> memref<632x64xbf16, #tpu.memory_space<vmem_shared>>
        tpu.enqueue_dma source(%dma_start3A_68 : memref<632x64xbf16, #tpu.memory_space<vmem_shared>>) target(%dma_start3A_66 : memref<632x64xbf16, #tpu.memory_space<hbm>>) target_semaphore(%run_scoped3A : memref<!tpu.dma_semaphore, #tpu.memory_space<semaphore_mem>>)
        %dma_wait3A_69 = arith.constant 0 : i32
        %dma_wait3A_70 = tpu.memref_slice %arg5[%arg0, %mul3A_0, %dma_wait3A_69] : memref<2x10000x64xbf16, #tpu.memory_space<hbm>> -> memref<1x632x64xbf16, #tpu.memory_space<hbm>>
        %dma_wait3A_71 = tpu.memref_squeeze %dma_wait3A_70 : memref<1x632x64xbf16, #tpu.memory_space<hbm>> -> memref<632x64xbf16, #tpu.memory_space<hbm>>
        %dma_wait3A_72 = arith.constant 0 : i32
        %dma_wait3A_73 = tpu.memref_slice %arg10[%mul3A_0, %dma_wait3A_72] : memref<10112x64xbf16, #tpu.memory_space<vmem_shared>> -> memref<632x64xbf16, #tpu.memory_space<vmem_shared>>
        tpu.wait_dma2 semaphore(%run_scoped3A : memref<!tpu.dma_semaphore, #tpu.memory_space<semaphore_mem>>) src(%dma_wait3A_73 : memref<632x64xbf16, #tpu.memory_space<vmem_shared>>) dst(%dma_wait3A_71 : memref<632x64xbf16, #tpu.memory_space<hbm>>)
        tpu.yield
      }) : () -> ()
    } else {
    }
    %eq3A = arith.constant 15 : i32
    %eq3A_61 = arith.cmpi eq, %arg1, %eq3A : i32
    %convert_element_type3A_62 = arith.extui %eq3A_61 : i1 to i32
    %cond3A_63 = arith.constant 0 : i32
    %cond3A_64 = arith.cmpi ne, %convert_element_type3A_62, %cond3A_63 : i32
    scf.if %cond3A_64 {
      "tpu.region"() ({
        %run_scoped3A = tpu.sem_alloc : memref<!tpu.dma_semaphore, #tpu.memory_space<semaphore_mem>>
        %dma_start3A = arith.constant 0 : i32
        %dma_start3A_65 = tpu.memref_slice %arg5[%arg0, %mul3A_0, %dma_start3A] : memref<2x10000x64xbf16, #tpu.memory_space<hbm>> -> memref<1x520x64xbf16, #tpu.memory_space<hbm>>
        %dma_start3A_66 = tpu.memref_squeeze %dma_start3A_65 : memref<1x520x64xbf16, #tpu.memory_space<hbm>> -> memref<520x64xbf16, #tpu.memory_space<hbm>>
        %dma_start3A_67 = arith.constant 0 : i32
        %dma_start3A_68 = tpu.memref_slice %arg10[%mul3A_0, %dma_start3A_67] : memref<10112x64xbf16, #tpu.memory_space<vmem_shared>> -> memref<520x64xbf16, #tpu.memory_space<vmem_shared>>
        tpu.enqueue_dma source(%dma_start3A_68 : memref<520x64xbf16, #tpu.memory_space<vmem_shared>>) target(%dma_start3A_66 : memref<520x64xbf16, #tpu.memory_space<hbm>>) target_semaphore(%run_scoped3A : memref<!tpu.dma_semaphore, #tpu.memory_space<semaphore_mem>>)
        %dma_wait3A_69 = arith.constant 0 : i32
        %dma_wait3A_70 = tpu.memref_slice %arg5[%arg0, %mul3A_0, %dma_wait3A_69] : memref<2x10000x64xbf16, #tpu.memory_space<hbm>> -> memref<1x520x64xbf16, #tpu.memory_space<hbm>>
        %dma_wait3A_71 = tpu.memref_squeeze %dma_wait3A_70 : memref<1x520x64xbf16, #tpu.memory_space<hbm>> -> memref<520x64xbf16, #tpu.memory_space<hbm>>
        %dma_wait3A_72 = arith.constant 0 : i32
        %dma_wait3A_73 = tpu.memref_slice %arg10[%mul3A_0, %dma_wait3A_72] : memref<10112x64xbf16, #tpu.memory_space<vmem_shared>> -> memref<520x64xbf16, #tpu.memory_space<vmem_shared>>
        tpu.wait_dma2 semaphore(%run_scoped3A : memref<!tpu.dma_semaphore, #tpu.memory_space<semaphore_mem>>) src(%dma_wait3A_73 : memref<520x64xbf16, #tpu.memory_space<vmem_shared>>) dst(%dma_wait3A_71 : memref<520x64xbf16, #tpu.memory_space<hbm>>)
        tpu.yield
      }) : () -> ()
    } else {
    }
    return
  }
}

module attributes {stable_mosaic.version = 14 : i64} {
  func.func @_k0_body(%arg0: i32, %arg1: memref<10x1000xf32, #tpu.memory_space<vmem>>, %arg2: memref<10x1000xf32, #tpu.memory_space<vmem>>) attributes {dimension_semantics = [#tpu.dimension_semantics<arbitrary>], iteration_bounds = array<i64: 1>, scalar_prefetch = 0 : i64, scratch_operands = 0 : i64, tpu.core_type = #tpu.core_type<tc>, window_params = [{pipeline_mode = #tpu.pipeline_mode<synchronous>, transform_indices = @transform_0, window_bounds = array<i64: 10, 1000>}, {pipeline_mode = #tpu.pipeline_mode<synchronous>, transform_indices = @transform_1, window_bounds = array<i64: 10, 1000>}]} {
    %get3A = arith.constant 0 : index
    %get3A_0 = arith.constant 0 : index
    %get3A_1 = vector.load %arg1[%get3A, %get3A_0] : memref<10x1000xf32, #tpu.memory_space<vmem>>, vector<10x1000xf32>
    %sqrt3A = math.sqrt %get3A_1 : vector<10x1000xf32>
    %swap3A = arith.constant 0 : index
    %swap3A_2 = arith.constant 0 : index
    %swap3A_3 = vector.load %arg2[%swap3A, %swap3A_2] : memref<10x1000xf32, #tpu.memory_space<vmem>>, vector<10x1000xf32>
    tpu.vector_store %arg2[%swap3A, %swap3A_2], %sqrt3A {strides = array<i32>} : memref<10x1000xf32, #tpu.memory_space<vmem>>, vector<10x1000xf32>,
    return
  }
  func.func @transform_0(%arg0: i32) -> (i32, i32) {
    %c0_i32 = arith.constant 0 : i32
    %c0_i32_0 = arith.constant 0 : i32
    %c0_i32_1 = arith.constant 0 : i32
    return %c0_i32, %c0_i32_0 : i32, i32
  }
  func.func @transform_1(%arg0: i32) -> (i32, i32) {
    %c0_i32 = arith.constant 0 : i32
    %c0_i32_0 = arith.constant 0 : i32
    %c0_i32_1 = arith.constant 0 : i32
    return %c0_i32, %c0_i32_0 : i32, i32
  }
}

module attributes {stable_mosaic.version = 14 : i64} {
  func.func @_k1_body(%arg0: i32, %arg1: i32, %arg2: memref<1x1000x128xf32, #tpu.memory_space<vmem>>, %arg3: memref<1x1000x64xf32, #tpu.memory_space<vmem>>, %arg4: memref<1000x1xf32, #tpu.memory_space<vmem>>, %arg5: memref<128x128xf32, #tpu.memory_space<vmem>>, %arg6: memref<64x128xf32, #tpu.memory_space<vmem>>, %arg7: memref<1x1000x128xbf16, #tpu.memory_space<vmem>>) attributes {dimension_semantics = [#tpu.dimension_semantics<arbitrary>, #tpu.dimension_semantics<arbitrary>], iteration_bounds = array<i64: 2, 10>, scalar_prefetch = 0 : i64, scratch_operands = 0 : i64, tpu.core_type = #tpu.core_type<tc>, window_params = [{transform_indices = @transform_0, window_bounds = array<i64: 1, 1000, 128>}, {transform_indices = @transform_1, window_bounds = array<i64: 1, 1000, 64>}, {transform_indices = @transform_2, window_bounds = array<i64: 1000, 1>}, {pipeline_mode = #tpu.pipeline_mode<synchronous>, transform_indices = @transform_3, window_bounds = array<i64: 128, 128>}, {pipeline_mode = #tpu.pipeline_mode<synchronous>, transform_indices = @transform_4, window_bounds = array<i64: 64, 128>}, {transform_indices = @transform_5, window_bounds = array<i64: 1, 1000, 128>}]} {
    %get3A = arith.constant 0 : index
    %get3A_0 = arith.constant 0 : index
    %get3A_1 = arith.constant 0 : index
    %get3A_2 = vector.load %arg2[%get3A, %get3A_0, %get3A_1] : memref<1x1000x128xf32, #tpu.memory_space<vmem>>, vector<1x1000x128xf32>
    %get3A_3 = vector.shape_cast %get3A_2 : vector<1x1000x128xf32> to vector<1000x128xf32>
    %get3A_4 = arith.constant 0 : index
    %get3A_5 = arith.constant 0 : index
    %get3A_6 = arith.constant 0 : index
    %get3A_7 = vector.load %arg3[%get3A_4, %get3A_5, %get3A_6] : memref<1x1000x64xf32, #tpu.memory_space<vmem>>, vector<1x1000x64xf32>
    %get3A_8 = vector.shape_cast %get3A_7 : vector<1x1000x64xf32> to vector<1000x64xf32>
    %get3A_9 = arith.constant 0 : index
    %get3A_10 = arith.constant 0 : index
    %get3A_11 = vector.load %arg4[%get3A_9, %get3A_10] : memref<1000x1xf32, #tpu.memory_space<vmem>>, vector<1000x1xf32>
    %get3A_12 = arith.constant 0 : index
    %get3A_13 = arith.constant 0 : index
    %get3A_14 = vector.load %arg5[%get3A_12, %get3A_13] : memref<128x128xf32, #tpu.memory_space<vmem>>, vector<128x128xf32>
    %dot_general3A = arith.constant dense<0.000000e+00> : vector<1000x128xf32>
    %dot_general3A_15 = tpu.matmul %get3A_3, %get3A_14, %dot_general3A {dimension_numbers = #tpu.dot_dimension_numbers<[1], [0], [0], [1], [0, 0, 1, 1], [], []>, transpose_lhs_hint = false} : vector<1000x128xf32>, vector<128x128xf32>, vector<1000x128xf32> -> vector<1000x128xf32>
    %get3A_16 = arith.constant 0 : index
    %get3A_17 = arith.constant 0 : index
    %get3A_18 = vector.load %arg6[%get3A_16, %get3A_17] : memref<64x128xf32, #tpu.memory_space<vmem>>, vector<64x128xf32>
    %dot_general3A_19 = arith.constant dense<0.000000e+00> : vector<1000x128xf32>
    %dot_general3A_20 = tpu.matmul %get3A_8, %get3A_18, %dot_general3A_19 {dimension_numbers = #tpu.dot_dimension_numbers<[1], [0], [0], [1], [0, 0, 1, 1], [], []>, transpose_lhs_hint = false} : vector<1000x64xf32>, vector<64x128xf32>, vector<1000x128xf32> -> vector<1000x128xf32>
    %add3A = arith.addf %dot_general3A_15, %dot_general3A_20 : vector<1000x128xf32>
    %mul3A = vector.broadcast %get3A_11 : vector<1000x1xf32> to vector<1000x128xf32>
    %mul3A_21 = arith.mulf %add3A, %mul3A : vector<1000x128xf32>
    %convert_element_type3A = arith.truncf %mul3A_21 : vector<1000x128xf32> to vector<1000x128xbf16>
    %swap3A = arith.constant 0 : index
    %swap3A_22 = arith.constant 0 : index
    %swap3A_23 = arith.constant 0 : index
    %swap3A_24 = vector.load %arg7[%swap3A, %swap3A_22, %swap3A_23] : memref<1x1000x128xbf16, #tpu.memory_space<vmem>>, vector<1x1000x128xbf16>
    %swap3A_25 = vector.shape_cast %swap3A_24 : vector<1x1000x128xbf16> to vector<1000x128xbf16>
    %swap3A_26 = vector.shape_cast %convert_element_type3A : vector<1000x128xbf16> to vector<1x1000x128xbf16>
    tpu.vector_store %arg7[%swap3A, %swap3A_22, %swap3A_23], %swap3A_26 {strides = array<i32>} : memref<1x1000x128xbf16, #tpu.memory_space<vmem>>, vector<1x1000x128xbf16>,
    return
  }
  func.func @transform_0(%arg0: i32, %arg1: i32) -> (i32, i32, i32) {
    %c0_i32 = arith.constant 0 : i32
    %c0_i32_0 = arith.constant 0 : i32
    return %arg0, %arg1, %c0_i32 : i32, i32, i32
  }
  func.func @transform_1(%arg0: i32, %arg1: i32) -> (i32, i32, i32) {
    %c0_i32 = arith.constant 0 : i32
    %c0_i32_0 = arith.constant 0 : i32
    return %arg0, %arg1, %c0_i32 : i32, i32, i32
  }
  func.func @transform_2(%arg0: i32, %arg1: i32) -> (i32, i32) {
    %c0_i32 = arith.constant 0 : i32
    %c0_i32_0 = arith.constant 0 : i32
    return %arg1, %c0_i32 : i32, i32
  }
  func.func @transform_3(%arg0: i32, %arg1: i32) -> (i32, i32) {
    %c0_i32 = arith.constant 0 : i32
    %c0_i32_0 = arith.constant 0 : i32
    %c0_i32_1 = arith.constant 0 : i32
    return %c0_i32, %c0_i32_0 : i32, i32
  }
  func.func @transform_4(%arg0: i32, %arg1: i32) -> (i32, i32) {
    %c0_i32 = arith.constant 0 : i32
    %c0_i32_0 = arith.constant 0 : i32
    %c0_i32_1 = arith.constant 0 : i32
    return %c0_i32, %c0_i32_0 : i32, i32
  }
  func.func @transform_5(%arg0: i32, %arg1: i32) -> (i32, i32, i32) {
    %c0_i32 = arith.constant 0 : i32
    %c0_i32_0 = arith.constant 0 : i32
    return %arg0, %arg1, %c0_i32 : i32, i32, i32
  }
}

module attributes {stable_mosaic.version = 14 : i64} {
  func.func @_k2x_body(%arg0: i32, %arg1: i32, %arg2: memref<1x1000x128xf32, #tpu.memory_space<vmem>>, %arg3: memref<128x64xf32, #tpu.memory_space<vmem>>, %arg4: memref<1x1000x64xf32, #tpu.memory_space<vmem>>) attributes {dimension_semantics = [#tpu.dimension_semantics<arbitrary>, #tpu.dimension_semantics<arbitrary>], iteration_bounds = array<i64: 2, 10>, scalar_prefetch = 0 : i64, scratch_operands = 0 : i64, tpu.core_type = #tpu.core_type<tc>, window_params = [{transform_indices = @transform_0, window_bounds = array<i64: 1, 1000, 128>}, {pipeline_mode = #tpu.pipeline_mode<synchronous>, transform_indices = @transform_1, window_bounds = array<i64: 128, 64>}, {transform_indices = @transform_2, window_bounds = array<i64: 1, 1000, 64>}]} {
    %get3A = arith.constant 0 : index
    %get3A_0 = arith.constant 0 : index
    %get3A_1 = arith.constant 0 : index
    %get3A_2 = vector.load %arg2[%get3A, %get3A_0, %get3A_1] : memref<1x1000x128xf32, #tpu.memory_space<vmem>>, vector<1x1000x128xf32>
    %get3A_3 = vector.shape_cast %get3A_2 : vector<1x1000x128xf32> to vector<1000x128xf32>
    %get3A_4 = arith.constant 0 : index
    %get3A_5 = arith.constant 0 : index
    %get3A_6 = vector.load %arg3[%get3A_4, %get3A_5] : memref<128x64xf32, #tpu.memory_space<vmem>>, vector<128x64xf32>
    %dot_general3A = arith.constant dense<0.000000e+00> : vector<1000x64xf32>
    %dot_general3A_7 = tpu.matmul %get3A_3, %get3A_6, %dot_general3A {dimension_numbers = #tpu.dot_dimension_numbers<[1], [0], [0], [1], [0, 0, 1, 1], [], []>, transpose_lhs_hint = false} : vector<1000x128xf32>, vector<128x64xf32>, vector<1000x64xf32> -> vector<1000x64xf32>
    %swap3A = arith.constant 0 : index
    %swap3A_8 = arith.constant 0 : index
    %swap3A_9 = arith.constant 0 : index
    %swap3A_10 = vector.load %arg4[%swap3A, %swap3A_8, %swap3A_9] : memref<1x1000x64xf32, #tpu.memory_space<vmem>>, vector<1x1000x64xf32>
    %swap3A_11 = vector.shape_cast %swap3A_10 : vector<1x1000x64xf32> to vector<1000x64xf32>
    %swap3A_12 = vector.shape_cast %dot_general3A_7 : vector<1000x64xf32> to vector<1x1000x64xf32>
    tpu.vector_store %arg4[%swap3A, %swap3A_8, %swap3A_9], %swap3A_12 {strides = array<i32>} : memref<1x1000x64xf32, #tpu.memory_space<vmem>>, vector<1x1000x64xf32>,
    return
  }
  func.func @transform_0(%arg0: i32, %arg1: i32) -> (i32, i32, i32) {
    %c0_i32 = arith.constant 0 : i32
    %c0_i32_0 = arith.constant 0 : i32
    return %arg0, %arg1, %c0_i32 : i32, i32, i32
  }
  func.func @transform_1(%arg0: i32, %arg1: i32) -> (i32, i32) {
    %c0_i32 = arith.constant 0 : i32
    %c0_i32_0 = arith.constant 0 : i32
    %c0_i32_1 = arith.constant 0 : i32
    return %c0_i32, %c0_i32_0 : i32, i32
  }
  func.func @transform_2(%arg0: i32, %arg1: i32) -> (i32, i32, i32) {
    %c0_i32 = arith.constant 0 : i32
    %c0_i32_0 = arith.constant 0 : i32
    return %arg0, %arg1, %c0_i32 : i32, i32, i32
  }
}

module attributes {stable_mosaic.version = 14 : i64} {
  func.func @_k34_body(%arg0: i32, %arg1: i32, %arg2: memref<1x1000x128xbf16, #tpu.memory_space<vmem>>, %arg3: memref<1x1000x128xbf16, #tpu.memory_space<vmem>>, %arg4: memref<1000x1xf32, #tpu.memory_space<vmem>>, %arg5: memref<1000x1xf32, #tpu.memory_space<vmem>>, %arg6: memref<1000x1xf32, #tpu.memory_space<vmem>>, %arg7: memref<1000x1xf32, #tpu.memory_space<vmem>>, %arg8: memref<1x128xf32, #tpu.memory_space<vmem>>, %arg9: memref<1x1000x128xf32, #tpu.memory_space<vmem>>, %arg10: memref<1x1000x128xf32, #tpu.memory_space<vmem>>, %arg11: memref<64x64xf32, #tpu.memory_space<vmem>>, %arg12: memref<1x1000x64xbf16, #tpu.memory_space<vmem>>, %arg13: memref<1x1000x128xf32, #tpu.memory_space<vmem>>) attributes {dimension_semantics = [#tpu.dimension_semantics<arbitrary>, #tpu.dimension_semantics<arbitrary>], iteration_bounds = array<i64: 2, 10>, scalar_prefetch = 0 : i64, scratch_operands = 0 : i64, tpu.core_type = #tpu.core_type<tc>, window_params = [{transform_indices = @transform_0, window_bounds = array<i64: 1, 1000, 128>}, {transform_indices = @transform_1, window_bounds = array<i64: 1, 1000, 128>}, {transform_indices = @transform_2, window_bounds = array<i64: 1000, 1>}, {transform_indices = @transform_3, window_bounds = array<i64: 1000, 1>}, {transform_indices = @transform_4, window_bounds = array<i64: 1000, 1>}, {transform_indices = @transform_5, window_bounds = array<i64: 1000, 1>}, {pipeline_mode = #tpu.pipeline_mode<synchronous>, transform_indices = @transform_6, window_bounds = array<i64: 1, 128>}, {transform_indices = @transform_7, window_bounds = array<i64: 1, 1000, 128>}, {transform_indices = @transform_8, window_bounds = array<i64: 1, 1000, 128>}, {pipeline_mode = #tpu.pipeline_mode<synchronous>, transform_indices = @transform_9, window_bounds = array<i64: 64, 64>}, {transform_indices = @transform_10, window_bounds = array<i64: 1, 1000, 64>}, {transform_indices = @transform_11, window_bounds = array<i64: 1, 1000, 128>}]} {
    %lt3A = arith.constant 5 : i32
    %lt3A_0 = arith.cmpi slt, %arg1, %lt3A : i32
    %get3A = arith.constant 0 : index
    %get3A_1 = arith.constant 0 : index
    %get3A_2 = vector.load %arg4[%get3A, %get3A_1] : memref<1000x1xf32, #tpu.memory_space<vmem>>, vector<1000x1xf32>
    %get3A_3 = arith.constant 0 : index
    %get3A_4 = arith.constant 0 : index
    %get3A_5 = vector.load %arg5[%get3A_3, %get3A_4] : memref<1000x1xf32, #tpu.memory_space<vmem>>, vector<1000x1xf32>
    %get3A_6 = arith.constant 0 : index
    %get3A_7 = arith.constant 0 : index
    %get3A_8 = vector.load %arg8[%get3A_6, %get3A_7] : memref<1x128xf32, #tpu.memory_space<vmem>>, vector<1x128xf32>
    %get3A_9 = arith.constant 0 : index
    %get3A_10 = arith.constant 0 : index
    %get3A_11 = arith.constant 0 : index
    %get3A_12 = vector.load %arg9[%get3A_9, %get3A_10, %get3A_11] : memref<1x1000x128xf32, #tpu.memory_space<vmem>>, vector<1x1000x128xf32>
    %get3A_13 = vector.shape_cast %get3A_12 : vector<1x1000x128xf32> to vector<1000x128xf32>
    %get3A_14 = arith.constant 0 : index
    %get3A_15 = arith.constant 0 : index
    %get3A_16 = arith.constant 0 : index
    %get3A_17 = vector.load %arg2[%get3A_14, %get3A_15, %get3A_16] : memref<1x1000x128xbf16, #tpu.memory_space<vmem>>, vector<1x1000x128xbf16>
    %get3A_18 = vector.shape_cast %get3A_17 : vector<1x1000x128xbf16> to vector<1000x128xbf16>
    %convert_element_type3A = arith.extf %get3A_18 : vector<1000x128xbf16> to vector<1000x128xf32>
    %mul3A = vector.broadcast %get3A_2 : vector<1000x1xf32> to vector<1000x128xf32>
    %mul3A_19 = arith.mulf %convert_element_type3A, %mul3A : vector<1000x128xf32>
    %add3A = vector.broadcast %get3A_8 : vector<1x128xf32> to vector<1000x128xf32>
    %add3A_20 = arith.addf %mul3A_19, %add3A : vector<1000x128xf32>
    %logistic3A = arith.negf %add3A_20 : vector<1000x128xf32>
    %logistic3A_21 = math.exp %logistic3A : vector<1000x128xf32>
    %logistic3A_22 = arith.constant 1.000000e+00 : f32
    %logistic3A_23 = vector.broadcast %logistic3A_22 : f32 to vector<1000x128xf32>
    %logistic3A_24 = arith.addf %logistic3A_23, %logistic3A_21 : vector<1000x128xf32>
    %logistic3A_25 = arith.divf %logistic3A_23, %logistic3A_24 : vector<1000x128xf32>
    %get3A_26 = arith.constant 0 : index
    %get3A_27 = arith.constant 0 : index
    %get3A_28 = arith.constant 0 : index
    %get3A_29 = vector.load %arg3[%get3A_26, %get3A_27, %get3A_28] : memref<1x1000x128xbf16, #tpu.memory_space<vmem>>, vector<1x1000x128xbf16>
    %get3A_30 = vector.shape_cast %get3A_29 : vector<1x1000x128xbf16> to vector<1000x128xbf16>
    %convert_element_type3A_31 = arith.extf %get3A_30 : vector<1000x128xbf16> to vector<1000x128xf32>
    %mul3A_32 = vector.broadcast %get3A_5 : vector<1000x1xf32> to vector<1000x128xf32>
    %mul3A_33 = arith.mulf %convert_element_type3A_31, %mul3A_32 : vector<1000x128xf32>
    %add3A_34 = vector.broadcast %get3A_8 : vector<1x128xf32> to vector<1000x128xf32>
    %add3A_35 = arith.addf %mul3A_33, %add3A_34 : vector<1000x128xf32>
    %logistic3A_36 = arith.negf %add3A_35 : vector<1000x128xf32>
    %logistic3A_37 = math.exp %logistic3A_36 : vector<1000x128xf32>
    %logistic3A_38 = arith.constant 1.000000e+00 : f32
    %logistic3A_39 = vector.broadcast %logistic3A_38 : f32 to vector<1000x128xf32>
    %logistic3A_40 = arith.addf %logistic3A_39, %logistic3A_37 : vector<1000x128xf32>
    %logistic3A_41 = arith.divf %logistic3A_39, %logistic3A_40 : vector<1000x128xf32>
    %swap3A = arith.constant 0 : index
    %swap3A_42 = arith.constant 0 : index
    %swap3A_43 = arith.constant 0 : index
    %swap3A_44 = vector.load %arg13[%swap3A, %swap3A_42, %swap3A_43] : memref<1x1000x128xf32, #tpu.memory_space<vmem>>, vector<1x1000x128xf32>
    %swap3A_45 = vector.shape_cast %swap3A_44 : vector<1x1000x128xf32> to vector<1000x128xf32>
    %swap3A_46 = vector.shape_cast %logistic3A_41 : vector<1000x128xf32> to vector<1x1000x128xf32>
    tpu.vector_store %arg13[%swap3A, %swap3A_42, %swap3A_43], %swap3A_46 {strides = array<i32>} : memref<1x1000x128xf32, #tpu.memory_space<vmem>>, vector<1x1000x128xf32>,
    %slice3A = vector.extract_strided_slice %logistic3A_25 {offsets = [0, 0], sizes = [1000, 64], strides = [1, 1]} : vector<1000x128xf32> to vector<1000x64xf32>
    %slice3A_47 = vector.extract_strided_slice %get3A_13 {offsets = [0, 0], sizes = [1000, 64], strides = [1, 1]} : vector<1000x128xf32> to vector<1000x64xf32>
    %mul3A_48 = arith.mulf %slice3A, %slice3A_47 : vector<1000x64xf32>
    %slice3A_49 = vector.extract_strided_slice %logistic3A_25 {offsets = [0, 64], sizes = [1000, 64], strides = [1, 1]} : vector<1000x128xf32> to vector<1000x64xf32>
    %slice3A_50 = vector.extract_strided_slice %get3A_13 {offsets = [0, 64], sizes = [1000, 64], strides = [1, 1]} : vector<1000x128xf32> to vector<1000x64xf32>
    %mul3A_51 = arith.mulf %slice3A_49, %slice3A_50 : vector<1000x64xf32>
    %select_n3A = arith.select %lt3A_0, %mul3A_48, %mul3A_51 : vector<1000x64xf32>
    %get3A_52 = arith.constant 0 : index
    %get3A_53 = arith.constant 0 : index
    %get3A_54 = arith.constant 0 : index
    %get3A_55 = vector.load %arg10[%get3A_52, %get3A_53, %get3A_54] : memref<1x1000x128xf32, #tpu.memory_space<vmem>>, vector<1x1000x128xf32>
    %get3A_56 = vector.shape_cast %get3A_55 : vector<1x1000x128xf32> to vector<1000x128xf32>
    %slice3A_57 = vector.extract_strided_slice %get3A_56 {offsets = [0, 0], sizes = [1000, 64], strides = [1, 1]} : vector<1000x128xf32> to vector<1000x64xf32>
    %slice3A_58 = vector.extract_strided_slice %get3A_56 {offsets = [0, 64], sizes = [1000, 64], strides = [1, 1]} : vector<1000x128xf32> to vector<1000x64xf32>
    %select_n3A_59 = arith.select %lt3A_0, %slice3A_57, %slice3A_58 : vector<1000x64xf32>
    %get3A_60 = arith.constant 0 : index
    %get3A_61 = arith.constant 0 : index
    %get3A_62 = vector.load %arg6[%get3A_60, %get3A_61] : memref<1000x1xf32, #tpu.memory_space<vmem>>, vector<1000x1xf32>
    %get3A_63 = arith.constant 0 : index
    %get3A_64 = arith.constant 0 : index
    %get3A_65 = vector.load %arg7[%get3A_63, %get3A_64] : memref<1000x1xf32, #tpu.memory_space<vmem>>, vector<1000x1xf32>
    %select_n3A_66 = arith.select %lt3A_0, %get3A_62, %get3A_65 : vector<1000x1xf32>
    %get3A_67 = arith.constant 0 : index
    %get3A_68 = arith.constant 0 : index
    %get3A_69 = vector.load %arg11[%get3A_67, %get3A_68] : memref<64x64xf32, #tpu.memory_space<vmem>>, vector<64x64xf32>
    %dot_general3A = arith.constant dense<0.000000e+00> : vector<1000x64xf32>
    %dot_general3A_70 = tpu.matmul %select_n3A, %get3A_69, %dot_general3A {dimension_numbers = #tpu.dot_dimension_numbers<[1], [0], [0], [1], [0, 0, 1, 1], [], []>, transpose_lhs_hint = false} : vector<1000x64xf32>, vector<64x64xf32>, vector<1000x64xf32> -> vector<1000x64xf32>
    %add3A_71 = arith.addf %select_n3A_59, %dot_general3A_70 : vector<1000x64xf32>
    %mul3A_72 = vector.broadcast %select_n3A_66 : vector<1000x1xf32> to vector<1000x64xf32>
    %mul3A_73 = arith.mulf %add3A_71, %mul3A_72 : vector<1000x64xf32>
    %convert_element_type3A_74 = arith.truncf %mul3A_73 : vector<1000x64xf32> to vector<1000x64xbf16>
    %swap3A_75 = arith.constant 0 : index
    %swap3A_76 = arith.constant 0 : index
    %swap3A_77 = arith.constant 0 : index
    %swap3A_78 = vector.load %arg12[%swap3A_75, %swap3A_76, %swap3A_77] : memref<1x1000x64xbf16, #tpu.memory_space<vmem>>, vector<1x1000x64xbf16>
    %swap3A_79 = vector.shape_cast %swap3A_78 : vector<1x1000x64xbf16> to vector<1000x64xbf16>
    %swap3A_80 = vector.shape_cast %convert_element_type3A_74 : vector<1000x64xbf16> to vector<1x1000x64xbf16>
    tpu.vector_store %arg12[%swap3A_75, %swap3A_76, %swap3A_77], %swap3A_80 {strides = array<i32>} : memref<1x1000x64xbf16, #tpu.memory_space<vmem>>, vector<1x1000x64xbf16>,
    return
  }
  func.func @transform_0(%arg0: i32, %arg1: i32) -> (i32, i32, i32) {
    %jit3A = arith.constant 5 : i32
    %eq3A = arith.constant 0 : i32
    %eq3A_0 = arith.cmpi eq, %jit3A, %eq3A : i32
    %jit3A_1 = arith.constant 1 : i32
    %select_n3A = arith.select %eq3A_0, %jit3A_1, %jit3A : i32
    %rem3A = arith.remsi %arg1, %select_n3A : i32
    %ne3A = arith.constant 0 : i32
    %ne3A_2 = arith.cmpi ne, %rem3A, %ne3A : i32
    %lt3A = arith.constant 0 : i32
    %lt3A_3 = arith.cmpi slt, %rem3A, %lt3A : i32
    %lt3A_4 = arith.constant 0 : i32
    %lt3A_5 = arith.cmpi slt, %select_n3A, %lt3A_4 : i32
    %ne3A_6 = arith.xori %lt3A_3, %lt3A_5 : i1
    %and3A = arith.andi %ne3A_6, %ne3A_2 : i1
    %add3A = arith.addi %rem3A, %select_n3A : i32
    %select_n3A_7 = arith.select %and3A, %add3A, %rem3A : i32
    %c0_i32 = arith.constant 0 : i32
    %c0_i32_8 = arith.constant 0 : i32
    return %arg0, %select_n3A_7, %c0_i32 : i32, i32, i32
  }
  func.func @transform_1(%arg0: i32, %arg1: i32) -> (i32, i32, i32) {
    %jit3A = arith.constant 5 : i32
    %eq3A = arith.constant 0 : i32
    %eq3A_0 = arith.cmpi eq, %jit3A, %eq3A : i32
    %jit3A_1 = arith.constant 1 : i32
    %select_n3A = arith.select %eq3A_0, %jit3A_1, %jit3A : i32
    %rem3A = arith.remsi %arg1, %select_n3A : i32
    %ne3A = arith.constant 0 : i32
    %ne3A_2 = arith.cmpi ne, %rem3A, %ne3A : i32
    %lt3A = arith.constant 0 : i32
    %lt3A_3 = arith.cmpi slt, %rem3A, %lt3A : i32
    %lt3A_4 = arith.constant 0 : i32
    %lt3A_5 = arith.cmpi slt, %select_n3A, %lt3A_4 : i32
    %ne3A_6 = arith.xori %lt3A_3, %lt3A_5 : i1
    %and3A = arith.andi %ne3A_6, %ne3A_2 : i1
    %add3A = arith.addi %rem3A, %select_n3A : i32
    %select_n3A_7 = arith.select %and3A, %add3A, %rem3A : i32
    %add3A_8 = arith.constant 5 : i32
    %add3A_9 = arith.addi %add3A_8, %select_n3A_7 : i32
    %c0_i32 = arith.constant 0 : i32
    %c0_i32_10 = arith.constant 0 : i32
    return %arg0, %add3A_9, %c0_i32 : i32, i32, i32
  }
  func.func @transform_2(%arg0: i32, %arg1: i32) -> (i32, i32) {
    %jit3A = arith.constant 5 : i32
    %eq3A = arith.constant 0 : i32
    %eq3A_0 = arith.cmpi eq, %jit3A, %eq3A : i32
    %jit3A_1 = arith.constant 1 : i32
    %select_n3A = arith.select %eq3A_0, %jit3A_1, %jit3A : i32
    %rem3A = arith.remsi %arg1, %select_n3A : i32
    %ne3A = arith.constant 0 : i32
    %ne3A_2 = arith.cmpi ne, %rem3A, %ne3A : i32
    %lt3A = arith.constant 0 : i32
    %lt3A_3 = arith.cmpi slt, %rem3A, %lt3A : i32
    %lt3A_4 = arith.constant 0 : i32
    %lt3A_5 = arith.cmpi slt, %select_n3A, %lt3A_4 : i32
    %ne3A_6 = arith.xori %lt3A_3, %lt3A_5 : i1
    %and3A = arith.andi %ne3A_6, %ne3A_2 : i1
    %add3A = arith.addi %rem3A, %select_n3A : i32
    %select_n3A_7 = arith.select %and3A, %add3A, %rem3A : i32
    %c0_i32 = arith.constant 0 : i32
    %c0_i32_8 = arith.constant 0 : i32
    return %select_n3A_7, %c0_i32 : i32, i32
  }
  func.func @transform_3(%arg0: i32, %arg1: i32) -> (i32, i32) {
    %jit3A = arith.constant 5 : i32
    %eq3A = arith.constant 0 : i32
    %eq3A_0 = arith.cmpi eq, %jit3A, %eq3A : i32
    %jit3A_1 = arith.constant 1 : i32
    %select_n3A = arith.select %eq3A_0, %jit3A_1, %jit3A : i32
    %rem3A = arith.remsi %arg1, %select_n3A : i32
    %ne3A = arith.constant 0 : i32
    %ne3A_2 = arith.cmpi ne, %rem3A, %ne3A : i32
    %lt3A = arith.constant 0 : i32
    %lt3A_3 = arith.cmpi slt, %rem3A, %lt3A : i32
    %lt3A_4 = arith.constant 0 : i32
    %lt3A_5 = arith.cmpi slt, %select_n3A, %lt3A_4 : i32
    %ne3A_6 = arith.xori %lt3A_3, %lt3A_5 : i1
    %and3A = arith.andi %ne3A_6, %ne3A_2 : i1
    %add3A = arith.addi %rem3A, %select_n3A : i32
    %select_n3A_7 = arith.select %and3A, %add3A, %rem3A : i32
    %add3A_8 = arith.constant 5 : i32
    %add3A_9 = arith.addi %add3A_8, %select_n3A_7 : i32
    %c0_i32 = arith.constant 0 : i32
    %c0_i32_10 = arith.constant 0 : i32
    return %add3A_9, %c0_i32 : i32, i32
  }
  func.func @transform_4(%arg0: i32, %arg1: i32) -> (i32, i32) {
    %jit3A = arith.constant 5 : i32
    %eq3A = arith.constant 0 : i32
    %eq3A_0 = arith.cmpi eq, %jit3A, %eq3A : i32
    %jit3A_1 = arith.constant 1 : i32
    %select_n3A = arith.select %eq3A_0, %jit3A_1, %jit3A : i32
    %rem3A = arith.remsi %arg1, %select_n3A : i32
    %ne3A = arith.constant 0 : i32
    %ne3A_2 = arith.cmpi ne, %rem3A, %ne3A : i32
    %lt3A = arith.constant 0 : i32
    %lt3A_3 = arith.cmpi slt, %rem3A, %lt3A : i32
    %lt3A_4 = arith.constant 0 : i32
    %lt3A_5 = arith.cmpi slt, %select_n3A, %lt3A_4 : i32
    %ne3A_6 = arith.xori %lt3A_3, %lt3A_5 : i1
    %and3A = arith.andi %ne3A_6, %ne3A_2 : i1
    %add3A = arith.addi %rem3A, %select_n3A : i32
    %select_n3A_7 = arith.select %and3A, %add3A, %rem3A : i32
    %c0_i32 = arith.constant 0 : i32
    %c0_i32_8 = arith.constant 0 : i32
    return %select_n3A_7, %c0_i32 : i32, i32
  }
  func.func @transform_5(%arg0: i32, %arg1: i32) -> (i32, i32) {
    %jit3A = arith.constant 5 : i32
    %eq3A = arith.constant 0 : i32
    %eq3A_0 = arith.cmpi eq, %jit3A, %eq3A : i32
    %jit3A_1 = arith.constant 1 : i32
    %select_n3A = arith.select %eq3A_0, %jit3A_1, %jit3A : i32
    %rem3A = arith.remsi %arg1, %select_n3A : i32
    %ne3A = arith.constant 0 : i32
    %ne3A_2 = arith.cmpi ne, %rem3A, %ne3A : i32
    %lt3A = arith.constant 0 : i32
    %lt3A_3 = arith.cmpi slt, %rem3A, %lt3A : i32
    %lt3A_4 = arith.constant 0 : i32
    %lt3A_5 = arith.cmpi slt, %select_n3A, %lt3A_4 : i32
    %ne3A_6 = arith.xori %lt3A_3, %lt3A_5 : i1
    %and3A = arith.andi %ne3A_6, %ne3A_2 : i1
    %add3A = arith.addi %rem3A, %select_n3A : i32
    %select_n3A_7 = arith.select %and3A, %add3A, %rem3A : i32
    %c0_i32 = arith.constant 0 : i32
    %c0_i32_8 = arith.constant 0 : i32
    return %select_n3A_7, %c0_i32 : i32, i32
  }
  func.func @transform_6(%arg0: i32, %arg1: i32) -> (i32, i32) {
    %c0_i32 = arith.constant 0 : i32
    %c0_i32_0 = arith.constant 0 : i32
    %c0_i32_1 = arith.constant 0 : i32
    return %c0_i32, %c0_i32_0 : i32, i32
  }
  func.func @transform_7(%arg0: i32, %arg1: i32) -> (i32, i32, i32) {
    %jit3A = arith.constant 5 : i32
    %eq3A = arith.constant 0 : i32
    %eq3A_0 = arith.cmpi eq, %jit3A, %eq3A : i32
    %jit3A_1 = arith.constant 1 : i32
    %select_n3A = arith.select %eq3A_0, %jit3A_1, %jit3A : i32
    %rem3A = arith.remsi %arg1, %select_n3A : i32
    %ne3A = arith.constant 0 : i32
    %ne3A_2 = arith.cmpi ne, %rem3A, %ne3A : i32
    %lt3A = arith.constant 0 : i32
    %lt3A_3 = arith.cmpi slt, %rem3A, %lt3A : i32
    %lt3A_4 = arith.constant 0 : i32
    %lt3A_5 = arith.cmpi slt, %select_n3A, %lt3A_4 : i32
    %ne3A_6 = arith.xori %lt3A_3, %lt3A_5 : i1
    %and3A = arith.andi %ne3A_6, %ne3A_2 : i1
    %add3A = arith.addi %rem3A, %select_n3A : i32
    %select_n3A_7 = arith.select %and3A, %add3A, %rem3A : i32
    %c0_i32 = arith.constant 0 : i32
    %c0_i32_8 = arith.constant 0 : i32
    return %arg0, %select_n3A_7, %c0_i32 : i32, i32, i32
  }
  func.func @transform_8(%arg0: i32, %arg1: i32) -> (i32, i32, i32) {
    %jit3A = arith.constant 5 : i32
    %eq3A = arith.constant 0 : i32
    %eq3A_0 = arith.cmpi eq, %jit3A, %eq3A : i32
    %jit3A_1 = arith.constant 1 : i32
    %select_n3A = arith.select %eq3A_0, %jit3A_1, %jit3A : i32
    %rem3A = arith.remsi %arg1, %select_n3A : i32
    %ne3A = arith.constant 0 : i32
    %ne3A_2 = arith.cmpi ne, %rem3A, %ne3A : i32
    %lt3A = arith.constant 0 : i32
    %lt3A_3 = arith.cmpi slt, %rem3A, %lt3A : i32
    %lt3A_4 = arith.constant 0 : i32
    %lt3A_5 = arith.cmpi slt, %select_n3A, %lt3A_4 : i32
    %ne3A_6 = arith.xori %lt3A_3, %lt3A_5 : i1
    %and3A = arith.andi %ne3A_6, %ne3A_2 : i1
    %add3A = arith.addi %rem3A, %select_n3A : i32
    %select_n3A_7 = arith.select %and3A, %add3A, %rem3A : i32
    %c0_i32 = arith.constant 0 : i32
    %c0_i32_8 = arith.constant 0 : i32
    return %arg0, %select_n3A_7, %c0_i32 : i32, i32, i32
  }
  func.func @transform_9(%arg0: i32, %arg1: i32) -> (i32, i32) {
    %c0_i32 = arith.constant 0 : i32
    %c0_i32_0 = arith.constant 0 : i32
    %c0_i32_1 = arith.constant 0 : i32
    return %c0_i32, %c0_i32_0 : i32, i32
  }
  func.func @transform_10(%arg0: i32, %arg1: i32) -> (i32, i32, i32) {
    %c0_i32 = arith.constant 0 : i32
    %c0_i32_0 = arith.constant 0 : i32
    return %arg0, %arg1, %c0_i32 : i32, i32, i32
  }
  func.func @transform_11(%arg0: i32, %arg1: i32) -> (i32, i32, i32) {
    %jit3A = arith.constant 5 : i32
    %eq3A = arith.constant 0 : i32
    %eq3A_0 = arith.cmpi eq, %jit3A, %eq3A : i32
    %jit3A_1 = arith.constant 1 : i32
    %select_n3A = arith.select %eq3A_0, %jit3A_1, %jit3A : i32
    %rem3A = arith.remsi %arg1, %select_n3A : i32
    %ne3A = arith.constant 0 : i32
    %ne3A_2 = arith.cmpi ne, %rem3A, %ne3A : i32
    %lt3A = arith.constant 0 : i32
    %lt3A_3 = arith.cmpi slt, %rem3A, %lt3A : i32
    %lt3A_4 = arith.constant 0 : i32
    %lt3A_5 = arith.cmpi slt, %select_n3A, %lt3A_4 : i32
    %ne3A_6 = arith.xori %lt3A_3, %lt3A_5 : i1
    %and3A = arith.andi %ne3A_6, %ne3A_2 : i1
    %add3A = arith.addi %rem3A, %select_n3A : i32
    %select_n3A_7 = arith.select %and3A, %add3A, %rem3A : i32
    %c0_i32 = arith.constant 0 : i32
    %c0_i32_8 = arith.constant 0 : i32
    return %arg0, %select_n3A_7, %c0_i32 : i32, i32, i32
  }
}

module attributes {stable_mosaic.version = 14 : i64} {
  func.func @_k5_body(%arg0: i32, %arg1: i32, %arg2: memref<1x1000x64xbf16, #tpu.memory_space<vmem>>, %arg3: memref<1x1000x64xbf16, #tpu.memory_space<vmem>>, %arg4: memref<1000x1xf32, #tpu.memory_space<vmem>>, %arg5: memref<1000x1xf32, #tpu.memory_space<vmem>>, %arg6: memref<1x64xf32, #tpu.memory_space<vmem>>, %arg7: memref<1x1000x128xf32, #tpu.memory_space<vmem>>, %arg8: memref<1x1000x128xf32, #tpu.memory_space<vmem>>, %arg9: memref<1x1000x128xf32, #tpu.memory_space<vmem>>) attributes {dimension_semantics = [#tpu.dimension_semantics<arbitrary>, #tpu.dimension_semantics<arbitrary>], iteration_bounds = array<i64: 2, 5>, scalar_prefetch = 0 : i64, scratch_operands = 0 : i64, tpu.core_type = #tpu.core_type<tc>, window_params = [{transform_indices = @transform_0, window_bounds = array<i64: 1, 1000, 64>}, {transform_indices = @transform_1, window_bounds = array<i64: 1, 1000, 64>}, {transform_indices = @transform_2, window_bounds = array<i64: 1000, 1>}, {transform_indices = @transform_3, window_bounds = array<i64: 1000, 1>}, {pipeline_mode = #tpu.pipeline_mode<synchronous>, transform_indices = @transform_4, window_bounds = array<i64: 1, 64>}, {transform_indices = @transform_5, window_bounds = array<i64: 1, 1000, 128>}, {transform_indices = @transform_6, window_bounds = array<i64: 1, 1000, 128>}, {transform_indices = @transform_7, window_bounds = array<i64: 1, 1000, 128>}]} {
    %get3A = arith.constant 0 : index
    %get3A_0 = arith.constant 0 : index
    %get3A_1 = vector.load %arg6[%get3A, %get3A_0] : memref<1x64xf32, #tpu.memory_space<vmem>>, vector<1x64xf32>
    %get3A_2 = arith.constant 0 : index
    %get3A_3 = arith.constant 0 : index
    %get3A_4 = arith.constant 0 : index
    %get3A_5 = vector.load %arg7[%get3A_2, %get3A_3, %get3A_4] : memref<1x1000x128xf32, #tpu.memory_space<vmem>>, vector<1x1000x128xf32>
    %get3A_6 = vector.shape_cast %get3A_5 : vector<1x1000x128xf32> to vector<1000x128xf32>
    %get3A_7 = arith.constant 0 : index
    %get3A_8 = arith.constant 0 : index
    %get3A_9 = arith.constant 0 : index
    %get3A_10 = vector.load %arg8[%get3A_7, %get3A_8, %get3A_9] : memref<1x1000x128xf32, #tpu.memory_space<vmem>>, vector<1x1000x128xf32>
    %get3A_11 = vector.shape_cast %get3A_10 : vector<1x1000x128xf32> to vector<1000x128xf32>
    %get3A_12 = arith.constant 0 : index
    %get3A_13 = arith.constant 0 : index
    %get3A_14 = arith.constant 0 : index
    %get3A_15 = vector.load %arg2[%get3A_12, %get3A_13, %get3A_14] : memref<1x1000x64xbf16, #tpu.memory_space<vmem>>, vector<1x1000x64xbf16>
    %get3A_16 = vector.shape_cast %get3A_15 : vector<1x1000x64xbf16> to vector<1000x64xbf16>
    %convert_element_type3A = arith.extf %get3A_16 : vector<1000x64xbf16> to vector<1000x64xf32>
    %get3A_17 = arith.constant 0 : index
    %get3A_18 = arith.constant 0 : index
    %get3A_19 = vector.load %arg4[%get3A_17, %get3A_18] : memref<1000x1xf32, #tpu.memory_space<vmem>>, vector<1000x1xf32>
    %mul3A = vector.broadcast %get3A_19 : vector<1000x1xf32> to vector<1000x64xf32>
    %mul3A_20 = arith.mulf %convert_element_type3A, %mul3A : vector<1000x64xf32>
    %add3A = vector.broadcast %get3A_1 : vector<1x64xf32> to vector<1000x64xf32>
    %add3A_21 = arith.addf %mul3A_20, %add3A : vector<1000x64xf32>
    %max3A = arith.constant 0.000000e+00 : f32
    %max3A_22 = vector.broadcast %max3A : f32 to vector<1000x64xf32>
    %max3A_23 = arith.maximumf %add3A_21, %max3A_22 : vector<1000x64xf32>
    %get3A_24 = arith.constant 0 : index
    %get3A_25 = arith.constant 0 : index
    %get3A_26 = arith.constant 0 : index
    %get3A_27 = vector.load %arg3[%get3A_24, %get3A_25, %get3A_26] : memref<1x1000x64xbf16, #tpu.memory_space<vmem>>, vector<1x1000x64xbf16>
    %get3A_28 = vector.shape_cast %get3A_27 : vector<1x1000x64xbf16> to vector<1000x64xbf16>
    %convert_element_type3A_29 = arith.extf %get3A_28 : vector<1000x64xbf16> to vector<1000x64xf32>
    %get3A_30 = arith.constant 0 : index
    %get3A_31 = arith.constant 0 : index
    %get3A_32 = vector.load %arg5[%get3A_30, %get3A_31] : memref<1000x1xf32, #tpu.memory_space<vmem>>, vector<1000x1xf32>
    %mul3A_33 = vector.broadcast %get3A_32 : vector<1000x1xf32> to vector<1000x64xf32>
    %mul3A_34 = arith.mulf %convert_element_type3A_29, %mul3A_33 : vector<1000x64xf32>
    %add3A_35 = vector.broadcast %get3A_1 : vector<1x64xf32> to vector<1000x64xf32>
    %add3A_36 = arith.addf %mul3A_34, %add3A_35 : vector<1000x64xf32>
    %max3A_37 = arith.constant 0.000000e+00 : f32
    %max3A_38 = vector.broadcast %max3A_37 : f32 to vector<1000x64xf32>
    %max3A_39 = arith.maximumf %add3A_36, %max3A_38 : vector<1000x64xf32>
    %slice3A = vector.extract_strided_slice %get3A_6 {offsets = [0, 0], sizes = [1000, 64], strides = [1, 1]} : vector<1000x128xf32> to vector<1000x64xf32>
    %slice3A_40 = vector.extract_strided_slice %get3A_11 {offsets = [0, 0], sizes = [1000, 64], strides = [1, 1]} : vector<1000x128xf32> to vector<1000x64xf32>
    %mul3A_41 = arith.mulf %slice3A, %slice3A_40 : vector<1000x64xf32>
    %slice3A_42 = vector.extract_strided_slice %get3A_6 {offsets = [0, 0], sizes = [1000, 64], strides = [1, 1]} : vector<1000x128xf32> to vector<1000x64xf32>
    %sub3A = arith.constant 1.000000e+00 : f32
    %sub3A_43 = vector.broadcast %sub3A : f32 to vector<1000x64xf32>
    %sub3A_44 = arith.subf %sub3A_43, %slice3A_42 : vector<1000x64xf32>
    %mul3A_45 = arith.mulf %sub3A_44, %max3A_23 : vector<1000x64xf32>
    %add3A_46 = arith.addf %mul3A_41, %mul3A_45 : vector<1000x64xf32>
    %slice3A_47 = vector.extract_strided_slice %get3A_6 {offsets = [0, 64], sizes = [1000, 64], strides = [1, 1]} : vector<1000x128xf32> to vector<1000x64xf32>
    %slice3A_48 = vector.extract_strided_slice %get3A_11 {offsets = [0, 64], sizes = [1000, 64], strides = [1, 1]} : vector<1000x128xf32> to vector<1000x64xf32>
    %mul3A_49 = arith.mulf %slice3A_47, %slice3A_48 : vector<1000x64xf32>
    %slice3A_50 = vector.extract_strided_slice %get3A_6 {offsets = [0, 64], sizes = [1000, 64], strides = [1, 1]} : vector<1000x128xf32> to vector<1000x64xf32>
    %sub3A_51 = arith.constant 1.000000e+00 : f32
    %sub3A_52 = vector.broadcast %sub3A_51 : f32 to vector<1000x64xf32>
    %sub3A_53 = arith.subf %sub3A_52, %slice3A_50 : vector<1000x64xf32>
    %mul3A_54 = arith.mulf %sub3A_53, %max3A_39 : vector<1000x64xf32>
    %add3A_55 = arith.addf %mul3A_49, %mul3A_54 : vector<1000x64xf32>
    %concatenate3A = tpu.concatenate %add3A_46, %add3A_55 in 1 : vector<1000x64xf32>, vector<1000x64xf32> -> vector<1000x128xf32>
    %swap3A = arith.constant 0 : index
    %swap3A_56 = arith.constant 0 : index
    %swap3A_57 = arith.constant 0 : index
    %swap3A_58 = vector.load %arg9[%swap3A, %swap3A_56, %swap3A_57] : memref<1x1000x128xf32, #tpu.memory_space<vmem>>, vector<1x1000x128xf32>
    %swap3A_59 = vector.shape_cast %swap3A_58 : vector<1x1000x128xf32> to vector<1000x128xf32>
    %swap3A_60 = vector.shape_cast %concatenate3A : vector<1000x128xf32> to vector<1x1000x128xf32>
    tpu.vector_store %arg9[%swap3A, %swap3A_56, %swap3A_57], %swap3A_60 {strides = array<i32>} : memref<1x1000x128xf32, #tpu.memory_space<vmem>>, vector<1x1000x128xf32>,
    return
  }
  func.func @transform_0(%arg0: i32, %arg1: i32) -> (i32, i32, i32) {
    %c0_i32 = arith.constant 0 : i32
    %c0_i32_0 = arith.constant 0 : i32
    return %arg0, %arg1, %c0_i32 : i32, i32, i32
  }
  func.func @transform_1(%arg0: i32, %arg1: i32) -> (i32, i32, i32) {
    %add3A = arith.constant 5 : i32
    %add3A_0 = arith.addi %add3A, %arg1 : i32
    %c0_i32 = arith.constant 0 : i32
    %c0_i32_1 = arith.constant 0 : i32
    return %arg0, %add3A_0, %c0_i32 : i32, i32, i32
  }
  func.func @transform_2(%arg0: i32, %arg1: i32) -> (i32, i32) {
    %c0_i32 = arith.constant 0 : i32
    %c0_i32_0 = arith.constant 0 : i32
    return %arg1, %c0_i32 : i32, i32
  }
  func.func @transform_3(%arg0: i32, %arg1: i32) -> (i32, i32) {
    %c0_i32 = arith.constant 0 : i32
    %c0_i32_0 = arith.constant 0 : i32
    return %arg1, %c0_i32 : i32, i32
  }
  func.func @transform_4(%arg0: i32, %arg1: i32) -> (i32, i32) {
    %c0_i32 = arith.constant 0 : i32
    %c0_i32_0 = arith.constant 0 : i32
    %c0_i32_1 = arith.constant 0 : i32
    return %c0_i32, %c0_i32_0 : i32, i32
  }
  func.func @transform_5(%arg0: i32, %arg1: i32) -> (i32, i32, i32) {
    %c0_i32 = arith.constant 0 : i32
    %c0_i32_0 = arith.constant 0 : i32
    return %arg0, %arg1, %c0_i32 : i32, i32, i32
  }
  func.func @transform_6(%arg0: i32, %arg1: i32) -> (i32, i32, i32) {
    %c0_i32 = arith.constant 0 : i32
    %c0_i32_0 = arith.constant 0 : i32
    return %arg0, %arg1, %c0_i32 : i32, i32, i32
  }
  func.func @transform_7(%arg0: i32, %arg1: i32) -> (i32, i32, i32) {
    %c0_i32 = arith.constant 0 : i32
    %c0_i32_0 = arith.constant 0 : i32
    return %arg0, %arg1, %c0_i32 : i32, i32, i32
  }
}

</mosaic_0001>

<sc_bundles>
// kernel: kernel.12.cloned.1.call-start
scs
__scs_entry_jumppad:
0x0: {  	(pc) =	sbr.rel $0x88, $3  }
0x1: {  	(tag) =	ssettag $0x0;
	lr =	simm.s32 $0x1  }
0x2: {  	[smem:$0x3F98] =	sst lr;
	_ =	strace $0xD0000000  }
0x3: {  	_ = 	snop  }
0x4: {  	_ = 	snop  }
0x5: {  	_ = 	snop  }
0x6: {  	_ = 	snop  }
0x7: {  	_ = 	snop  }
__scs_overlays_trampoline_lowered:
0x8: {  	[smem:$0x3FA7] =	sst s0  }
0x9: {  	[smem:$0x3FA8] =	sst s1  }
0xa: {  	[smem:$0x3FA9] =	sst s2  }
0xb: {  	[smem:$0x3FAA] =	sst s3  }
0xc: {  	[smem:$0x3FAB] =	sst s4  }
0xd: {  	[smem:$0x3FAC] =	sst s5  }
0xe: {  	[smem:$0x3FAD] =	sst s6  }
0xf: {  	[smem:$0x3FAE] =	sst s7  }
0x10: {  	[smem:$0x3FAF] =	sst s8  }
0x11: {  	[smem:$0x3FB0] =	sst s9;
	s0 =	simm.s32 @!p0 $0x0  }
0x12: {  	s1 =	sld [smem:$0x3F96];
	s0 =	simm.s32 @p0 $0x1  }
0x13: {  	[smem:$0x3FB1] =	sst s0;
	s0 =	simm.s32 @!p1 $0x0  }
0x14: {  	s2 =	sld [smem:$0x3F95];
	s0 =	simm.s32 @p1 $0x1  }
0x15: {  	[smem:$0x3FB2] =	sst s0;
	s0 =	simm.s32 @!p2 $0x0  }
0x16: {  	s3 =	sld [smem:$0x3FDB];
	s0 =	simm.s32 @p2 $0x1  }
0x17: {  	s4 =	simm.s32 $0x1BF5;
	[smem:$0x3FB4] =	sst s0  }
0x18: {  	s0 =	sld [smem:$0x3F97];
	_ =	swait.ge [sflag:s4], $0x0  }
0x19: {  	s7 =	sld [smem:$0x3F98]  }
0x1a: {  	s8 =	sadd.s32 $0xFFFFE003, lr  }
0x1b: {  	s9 =	sadd.s32 $0xFFFFFEF7, lr;
	s5 =	simm.s32 $0xFFFFFFFF;
	p2 =	slt.u32 s8, $0xFFFFF086  }
0x1c: {  	p1 =	slt.u32 s9, $0xF7A;
	s5 =	simm.s32 @!p2 $0x0  }
0x1d: {  	s5 =	simm.s32 @p1 $0x1;
	p0 =	seq.s32 s7, s2  }
0x1e: {  	s7 =	smul.u32 @!p0 $0xF7A, s2;
	p2 =	seq.s32 @!p0 s5, $0x0  }
0x1f: {  	s9 =	smul.u32 $0xF7A, s1;
	s8 =	simm.s32 @!p0 $0x1BF5;
	p2 =	por !p2, p0  }
0x20: {  	[sflag:s8] =	ssyncset.s32 @!p0 $0xFFFFF086;
	s6 =	sadd.s32 @!p0 s3, s7;
	s7 =	simm.s32 @!p0 $0x108  }
0x21: {  	s3 =	sadd.s32 s3, s9;
	s6 =	sadd.s32 @!p0 $0x88, s6;
	s7 =	simm.s32 @p2 $0x1082  }
0x22: {  	[simem:s7], [sflag:s8] =	dma.local @!p0 [hbm:s6], $0xF7A  }
0x23: {  	s9 =	sor.u32 $0xD0000000, s2;
	s6 =	simm.s32 $0x108;
	_ =	swait.ge @!p0 [sflag:s8], $0x0  }
0x24: {  	s3 =	sadd.s32 $0x88, s3;
	s6 =	simm.s32 @!p1 $0x1082;
	[sflag:s4] =	ssyncset.s32 $0xFFFFF086  }
0x25: {  	[simem:s6], [sflag:s4] =	dma.local [hbm:s3], $0xF7A  }
0x26: {  	[smem:$0x3F98] =	sst s1;
	(tag) =	ssettag s2;
	_ =	strace s9  }
0x27: {  	s1 =	sld [smem:$0x3FA8]  }
0x28: {  	s2 =	sld [smem:$0x3FA9]  }
0x29: {  	s4 =	sld [smem:$0x3FAB]  }
0x2a: {  	p0 =	seq.s32 s5, $0x0;
	s5 =	sld [smem:$0x3FAC]  }
0x2b: {  	s6 =	sld [smem:$0x3FAD]  }
0x2c: {  	s7 =	sld [smem:$0x3FAE]  }
0x2d: {  	s3 =	simm.s32 $0x108;
	s8 =	sld [smem:$0x3FAF]  }
0x2e: {  	s3 =	simm.s32 @!p0 $0x1082;
	s9 =	sld [smem:$0x3FB0]  }
0x2f: {  	lr =	sadd.s32 s0, s3;
	s0 =	sld [smem:$0x3FA7]  }
0x30: {  	s3 =	sld [smem:$0x3FAA]  }
0x31: {  	[smem:$0x3FB3] =	sst s10  }
0x32: {  	s10 =	sld [smem:$0x3FB1];
	_ =	sdelay $0x3  }
0x33: {  	p0 =	seq.s32 s10, $0x1;
	s10 =	sld [smem:$0x3FB3];
	_ =	sdelay $0x3  }
0x34: {  	[smem:$0x3FB3] =	sst s10  }
0x35: {  	s10 =	sld [smem:$0x3FB2];
	_ =	sdelay $0x3  }
0x36: {  	p1 =	seq.s32 s10, $0x1;
	s10 =	sld [smem:$0x3FB3];
	_ =	sdelay $0x3  }
0x37: {  	[smem:$0x3FB3] =	sst s10  }
0x38: {  	s10 =	sld [smem:$0x3FB4]  }
0x39: {  	_ = 	snop;
	(pc) =	sbr.ind lr, $3  }
0x3a: {  	_ = 	snop  }
0x3b: {  	_ = 	snop  }
0x3c: {  	p2 =	seq.s32 s10, $0x1;
	s10 =	sld [smem:$0x3FB3]  }
0x3d: {  	_ =	shalt  }
0x3e: {  	_ =	shalt  }
0x3f: {  	_ =	shalt  }
0x40: {  	_ =	shalt  }
0x41: {  	_ =	shalt  }
0x42: {  	_ =	shalt  }
0x43: {  	_ =	shalt  }
0x44: {  	_ =	shalt  }
0x45: {  	_ =	shalt  }
0x46: {  	_ =	shalt  }
0x47: {  	_ =	shalt  }
0x48: {  	_ =	shalt  }
0x49: {  	_ =	shalt  }
0x4a: {  	_ =	shalt  }
0x4b: {  	_ =	shalt  }
0x4c: {  	_ =	shalt  }
0x4d: {  	_ =	shalt  }
0x4e: {  	_ =	shalt  }
0x4f: {  	_ =	shalt  }
0x50: {  	_ =	shalt  }
0x51: {  	_ =	shalt  }
0x52: {  	_ =	shalt  }
0x53: {  	_ =	shalt  }
0x54: {  	_ =	shalt  }
0x55: {  	_ =	shalt  }
0x56: {  	_ =	shalt  }
0x57: {  	_ =	shalt  }
0x58: {  	_ =	shalt  }
0x59: {  	_ =	shalt  }
0x5a: {  	_ =	shalt  }
0x5b: {  	_ =	shalt  }
0x5c: {  	_ =	shalt  }
0x5d: {  	_ =	shalt  }
0x5e: {  	_ =	shalt  }
0x5f: {  	_ =	shalt  }
0x60: {  	_ =	shalt  }
0x61: {  	_ =	shalt  }
0x62: {  	_ =	shalt  }
0x63: {  	_ =	shalt  }
0x64: {  	_ =	shalt  }
0x65: {  	_ =	shalt  }
0x66: {  	_ =	shalt  }
0x67: {  	_ =	shalt  }
0x68: {  	_ =	shalt  }
0x69: {  	_ =	shalt  }
0x6a: {  	_ =	shalt  }
0x6b: {  	_ =	shalt  }
0x6c: {  	_ =	shalt  }
0x6d: {  	_ =	shalt  }
0x6e: {  	_ =	shalt  }
0x6f: {  	_ =	shalt  }
0x70: {  	_ =	shalt  }
0x71: {  	_ =	shalt  }
0x72: {  	_ =	shalt  }
0x73: {  	_ =	shalt  }
0x74: {  	_ =	shalt  }
0x75: {  	_ =	shalt  }
0x76: {  	_ =	shalt  }
0x77: {  	_ =	shalt  }
0x78: {  	_ =	shalt  }
0x79: {  	_ =	shalt  }
0x7a: {  	_ =	shalt  }
0x7b: {  	_ =	shalt  }
0x7c: {  	_ =	shalt  }
0x7d: {  	_ =	shalt  }
0x7e: {  	_ =	shalt  }
0x7f: {  	_ =	shalt  }
0x80: {  	_ =	shalt  }
0x81: {  	_ =	shalt  }
0x82: {  	_ =	shalt  }
0x83: {  	_ =	shalt  }
0x84: {  	_ =	shalt  }
0x85: {  	_ =	shalt  }
0x86: {  	_ =	shalt  }
0x87: {  	_ =	shalt  }
.Lfunc_end0:
.L_simem_size_0:
called_computation.1_lowered:
.L_overlay_start_0:
0x88: {  	s2 =	sld [smem:$0x3FD9]  }
0x89: {  	s3 =	sld [smem:$0x3FFE];
	_ =	sdelay $0x1  }
0x8a: {  	s1 =	srdreg.scid  }
0x8b: {  	s0 =	sand.u32 $0x1, s1  }
0x8c: {  	s14 =	sshll.u32 s0, $0xA;
	s2 =	sadd.s32 s3, s2  }
0x8d: {  	s2 =	sadd.s32 s2, s14  }
0x8e: {  	[smem:$0x3FBF] =	sst s2  }
0x8f: {  	_ = 	snop  }
0x90: {  	s2 =	sld [smem:$0x3FD0];
	_ =	sdelay $0x2  }
0x91: {  	s15 =	simm.s32 $0xA;
	s4 =	simm.s32 $0x10  }
0x92: {  	[smem:s4], [sflag:s15] =	dma.local [hbm:s2], $0x1  }
0x93: {  	_ =	swait.eq [sflag:s15], $0x1  }
0x94: {  	[sflag:s15] =	ssyncset.done $0x0  }
0x95: {  	s16 =	sld [smem:$0x10];
	[sflag:s15] =	ssyncadd.s32 $0xFFFFFFFF  }
0x96: {  	s17 =	sld [smem:$0x11];
	(tm) =	ssettm $0x1  }
0x97: {  	s18 =	sld [smem:$0x3FFB];
	_ =	sdelay $0x3  }
0x98: {  	_ =	strace s18  }
0x99: {  	s4 =	sld [smem:$0x3FFC];
	_ =	sdelay $0x3  }
0x9a: {  	_ =	strace s4  }
0x9b: {  	s4 =	sld [smem:$0x3FFD];
	_ =	sdelay $0x3  }
0x9c: {  	_ =	strace s4  }
0x9d: {  	_ =	strace $0x8FFFFFFF  }
0x9e: {  	s19 =	sld [smem:$0x3FDB];
	_ =	sdelay $0x1  }
0x9f: {  	s5 =	simm.s32 $_scs_section_size  }
0xa0: {  	s6 =	simm.s32 $_size__tile_overlayer_lowered;
	s7 =	simm.s32 $_tile_overlayer_lowered  }
0xa1: {  	s22 =	simm.s32 $0x1BFF;
	s21 =	sshll.u32 s7, $0x1;
	s4 =	sadd.s32 s5, s19  }
0xa2: {  	s8 =	simm.s32 $0x0;
	s20 =	sshll.u32 s6, $0x1;
	s6 =	sadd.s32 s21, s4  }
0xa3: {  	[timem:s8], [sflag:s22] =	dma.local [hbm:s6], s20  }
0xa4: {  	_ =	swait.ge [sflag:s22], s20  }
0xa5: {  	s5 =	ssub.s32 $0x0, s20;
	[sflag:s22] =	ssyncset.done $0x0  }
0xa6: {  	[sflag:s22] =	ssyncadd.s32 s5;
	_ =	sdelay $0x1  }
0xa7: {  	s23 =	simm.s32 $0x1B8B  }
0xa8: {  	_ =	swait.ge [sflag:s23], $0x1  }
0xa9: {  	[sflag:s23] =	ssyncset.done $0x0  }
0xaa: {  	s25 =	simm.s32 $0x1B8E;
	s24 =	sld [smem:$0x3FFE];
	[sflag:s23] =	ssyncadd.s32 $0xFFFFFFFF  }
0xab: {  	s26 =	simm.s32 $execute0_lowered;
	[smem:$0x3FD2] =	sst s25  }
0xac: {  	s6 =	sshll.u32 s26, $0x1;
	_ =	strace $0x80000049;
	[dreg:$0x1] =	wrdreg $0xFFFFFFFF  }
0xad: {  	s28 =	simm.s32 $_size_execute0_lowered;
	s4 =	sadd.s32 s4, s6;
	[dreg:$0x0] =	wrdreg $0x0  }
0xae: {  	s6 =	sshll.u32 s28, $0x1;
	[dreg:$0x2] =	wrdreg s4  }
0xaf: {  	[dreg:$0x3] =	wrdreg s6  }
0xb0: {  	[dreg:$0x4] =	wrdreg $0xC0  }
0xb1: {  	_ =	task [dreg:s8], $0x5FFFF  }
0xb2: {  	[dreg:$0x1] =	wrdreg $0xFFFFFFFF  }
0xb3: {  	[dreg:$0x0] =	wrdreg $0x60  }
0xb4: {  	[dreg:$0x2] =	wrdreg s17  }
0xb5: {  	[dreg:$0x3] =	wrdreg s24  }
0xb6: {  	[dreg:$0x4] =	wrdreg s16  }
0xb7: {  	[dreg:$0x5] =	wrdreg $0xC4000  }
0xb8: {  	[dreg:$0x6] =	wrdreg $0x9  }
0xb9: {  	_ =	task.clear_ibuf [dreg:s8], $0x7FFFF;
	_ =	strace $0x90000049  }
0xba: {  	s29 =	simm.s32 $0x9;
	_ =	strace $0x8000004B  }
0xbb: {  	_ =	swait.ge [sflag:s29], $0x1  }
0xbc: {  	[sflag:s29] =	ssyncadd.s32 $0xFFFFFFFF  }
0xbd: {  	_ =	strace $0x9000004B  }
0xbe: {  	_ =	sfence  }
0xbf: {  	s30 =	sld [smem:$0x0];
	_ =	sdelay $0x2  }
0xc0: {  	s31 =	sshll.u32 s1, $0xD;
	s1 =	sshrl.u32 s1, $0x2  }
0xc1: {  	s3 =	sand.u32 $0x4000, s31;
	s1 =	sadd.s32 s1, s30  }
0xc2: {  	s0 =	sor.u32 s3, s0;
	s1 =	sshll.u32 s1, $0x11  }
0xc3: {  	s0 =	sor.u32 s1, s0  }
0xc4: {  	s0 =	sadd.s32 $0x8F2B, s0  }
0xc5: {  	[sflag:s0] =	ssyncadd.remote.s32 $0x1  }
0xc6: {  	_ =	sfence.sel $0xFFFF  }
0xc7: {  	[dreg:$0x0] =	wrdreg $0xFFFFFFFF;
	(pc) =	sbr.abs _section_cstart, $3  }
0xc8: {  	[dreg:$0x1] =	wrdreg $0xFFFFFFFF  }
0xc9: {  	_ =	task.clear_ibuf [dreg:s8], $0x2FFFF;
	_ =	strace $0x9FFFFFFF  }
0xca: {  	(tm) =	ssettm $0x7FFFFFFF  }
0xcb: {  	_ =	shalt  }
tec
execute0_lowered:
.L_overlay_start_1:
0x0: {  	(tag) =	ssettag $0x1  }
0x1: {  	s0 =	rddreg [dreg:$0x0]  }
0x2: {  	s1 =	rddreg [dreg:$0x1]  }
0x3: {  	s12 =	rddreg [dreg:$0x2]  }
0x4: {  	s2 =	rddreg [dreg:$0x3];
	s21 =	stileid.u32  }
0x5: {  	s4 =	srdreg.scid;
	s3 =	simm.s32 $0x0;
	s16 =	simm.s32 $0x2A00  }
0x6: {  	s17 =	simm.s32 $0x5400;
	s18 =	simm.s32 $0x80;
	s19 =	simm.s32 $0x6400  }
0x7: {  	s20 =	simm.s32 $0x7400;
	s22 =	simm.s32 $0x8400;
	s23 =	simm.s32 $0x1  }
0x8: {  	s28 =	simm.s32 $0x9400;
	s30 =	simm.s32 $0xA400;
	s5 =	smul.u32 $0x540, s21  }
0x9: {  	s29 =	simm.s32 $0x0;
	s10 =	sand.u32 $0x1, s4;
	s11 =	smul.u32 $0x9E00, s21  }
0xa: {  	[smem:$0x7FF] =	sst s3;
	s6 =	smul.u32 $0x13C00, s21;
	p0 =	seq.s32 s21, $0xF  }
0xb: {  	s21 =	simm.s32 $0x2;
	s4 =	ssub.s32 $0x2, s10;
	s13 =	smul.u32 $0x9C400, s10  }
0xc: {  	_ =	strace $0x8000004A;
	s15 =	smul.u32 $0x9C40, s10;
	s1 =	sadd.s32 s5, s1  }
0xd: {  	s24 =	sshrl.u32 s4, $0x1;
	s25 =	sshrl.u32 s11, $0x1;
	s7 =	sshrl.u32 s6, $0x2  }
0xe: {  	s14 =	ssub.s32 s4, s24;
	s4 =	sadd.s32 $0x7E00, s1;
	s5 =	sadd.s32 $0x87C00, s1  }
0xf: {  	s6 =	sadd.s32 s25, s2;
	s26 =	sadd.s32 s7, s2;
	s11 =	sadd.s32 s11, s13  }
0x10: {  	s13 =	sshrl.u32 s13, $0x4;
	s25 =	simm.s32 $0x2C00;
	s7 =	sadd.s32 $0x1000, s26  }
0x11: {  	s8 =	sadd.s32 $0x2000, s26;
	s9 =	sadd.s32 $0x3000, s26;
	s10 =	sadd.s32 $0x4000, s26  }
0x12: {  	s31 =	sshrl.u32 s11, $0x4;
	s13 =	sadd.s32 s12, s13;
	s11 =	sadd.s32 s0, s15  }
0x13: {  	s14 =	smax.u32 s14, $0x1;
	s15 =	simm.s32 $0x3;
	s0 =	simm.s32 $0xB400  }
0x14: {  	v0 =	vimm.bf16 $0.0e+00;
	s26 =	simm.s32 $0x2C80;
	s12 =	sadd.s32 s12, s31;
	s13 =	sadd.s32 $0x9420, s13  }
.LBB2_1:
0x15: {  	[tilespmem:s3], [sflag:$0x3] =	stream.linear.gather [hbm4b:s4+s3], $0x2A00, $0x38;
	[tilespmem:$0x11300] =	vst v63  }
0x16: {  	_ =	swait.ge [sflag:s15], $0x2A00  }
0x17: {  	[sflag:s15] =	ssyncset.done $0x0  }
0x18: {  	[sflag:s15] =	ssyncadd.s32 $0xFFFFD600  }
0x19: {  	[tilespmem:s16], [sflag:$0x3] =	stream.linear.gather [hbm4b:s5+s3], $0x2A00, $0x38;
	[tilespmem:$0x11300] =	vst v63  }
0x1a: {  	_ =	swait.ge [sflag:s15], $0x2A00  }
0x1b: {  	[sflag:s15] =	ssyncset.done $0x0  }
0x1c: {  	s1 =	simm.s32 $0x80;
	s31 =	simm.s32 $0x0;
	[sflag:s15] =	ssyncadd.s32 $0xFFFFD600  }
.LBB2_2:
0x1d: {  	p1 =	sne.s32 s1, $0x3F80;
	[tilespmem:s31+$0x5400] =	vst v0;
	s24 =	smov.u32 s1;
	s1 =	sadd.s32 $0x80, s1  }
.Ltmp0:
0x1e: {  	[tilespmem:s31+$0x5410] =	vst v0;
	(pc) =	sbr.rel @p1 .LBB2_2-.Ltmp0, $2  }
0x1f: {  	_ =	sdelay $0x2  }
0x20: {  	s31 =	sshra.s32 s24, $0x2  }
0x21: {  	[tilespmem:s31+$0x5400] =	vst v0  }
0x22: {  	[tilespmem:s31+$0x5410] =	vst v0  }
0x23: {  	[spmem:s6] =	stream.linear.scatter [tilespmem:s17], [sflag:$0x3], $0x1000, $0x38;
	[tilespmem:$0x11300] =	vst v63  }
0x24: {  	_ =	swait.ge [sflag:s15], $0x1000  }
0x25: {  	[sflag:s15] =	ssyncset.done $0x0  }
0x26: {  	[sflag:s15] =	ssyncadd.s32 $0xFFFFF000  }
0x27: {  	[spmem:s7] =	stream.linear.scatter [tilespmem:s17], [sflag:$0x3], $0x1000, $0x38;
	[tilespmem:$0x11300] =	vst v63  }
0x28: {  	_ =	swait.ge [sflag:s15], $0x1000  }
0x29: {  	[sflag:s15] =	ssyncset.done $0x0  }
0x2a: {  	[sflag:s15] =	ssyncadd.s32 $0xFFFFF000  }
0x2b: {  	[spmem:s8] =	stream.linear.scatter [tilespmem:s17], [sflag:$0x3], $0x1000, $0x38;
	[tilespmem:$0x11300] =	vst v63  }
0x2c: {  	_ =	swait.ge [sflag:s15], $0x1000  }
0x2d: {  	[sflag:s15] =	ssyncset.done $0x0  }
0x2e: {  	[sflag:s15] =	ssyncadd.s32 $0xFFFFF000  }
0x2f: {  	[spmem:s9] =	stream.linear.scatter [tilespmem:s17], [sflag:$0x3], $0x1000, $0x38;
	[tilespmem:$0x11300] =	vst v63  }
0x30: {  	_ =	swait.ge [sflag:s15], $0x1000  }
0x31: {  	[sflag:s15] =	ssyncset.done $0x0  }
0x32: {  	[sflag:s15] =	ssyncadd.s32 $0xFFFFF000  }
0x33: {  	[spmem:s10] =	stream.linear.scatter [tilespmem:s17], [sflag:$0x3], $0xF00, $0x38;
	[tilespmem:$0x11300] =	vst v63  }
0x34: {  	_ =	swait.ge [sflag:s15], $0xF00  }
0x35: {  	[sflag:s15] =	ssyncset.done $0x0  }
0x36: {  	[sflag:s15] =	ssyncadd.s32 $0xFFFFF100  }
0x37: {  	s1 =	simm.s32 $0x0;
	[bflag:$0x0] =	sbarrier.arrive $0xFFFF  }
0x38: {  	[tilespmem:s19], [sflag:$0x1] =	stream.indirect.gather [hbm4b:s11+s18], $0x20, s1, s18, $0xb8;
	[tilespmem:$0x11300] =	vst v63  }
0x39: {  	_ = 	snop  }
0x3a: {  	[tilespmem:s20], [sflag:$0x1] =	stream.indirect.gather [hbm4b:s11+s18], $0x20, s18, s18, $0xb8;
	[tilespmem:$0x11300] =	vst v63  }
0x3b: {  	s24 =	simm.s32 $0x100  }
0x3c: {  	[tilespmem:s22], [sflag:$0x1] =	stream.indirect.gather [hbm4b:s11+s18], $0x20, s24, s18, $0xb8;
	[tilespmem:$0x11300] =	vst v63  }
0x3d: {  	_ =	swait.ge [sflag:s23], $0x1000  }
0x3e: {  	[sflag:s23] =	ssyncset.done $0x0  }
0x3f: {  	[sflag:s23] =	ssyncadd.s32 $0xFFFFF000  }
0x40: {  	_ =	swait.ge [sflag:s23], $0x1000  }
0x41: {  	[sflag:s23] =	ssyncset.done $0x0  }
0x42: {  	[sflag:s23] =	ssyncadd.s32 $0xFFFFF000  }
0x43: {  	_ =	swait.ge [sflag:s23], $0x1000  }
0x44: {  	[sflag:s23] =	ssyncset.done $0x0  }
0x45: {  	[sflag:s23] =	ssyncadd.s32 $0xFFFFF000  }
0x46: {  	[spmem:s2] =	stream.indirect.scatter.add.bf16 [tilespmem:s19], [sflag:$0x2], $0x20, s16, s18, $0xb8;
	[tilespmem:$0x11300] =	vst v63  }
0x47: {  	s24 =	simm.s32 $0x2A80  }
0x48: {  	[spmem:s2] =	stream.indirect.scatter.add.bf16 [tilespmem:s20], [sflag:$0x2], $0x20, s24, s18, $0xb8;
	[tilespmem:$0x11300] =	vst v63  }
0x49: {  	s24 =	simm.s32 $0x2B00  }
0x4a: {  	[spmem:s2] =	stream.indirect.scatter.add.bf16 [tilespmem:s22], [sflag:$0x2], $0x20, s24, s18, $0xb8;
	[tilespmem:$0x11300] =	vst v63  }
0x4b: {  	s24 =	simm.s32 $0x180  }
0x4c: {  	[tilespmem:s28], [sflag:$0x1] =	stream.indirect.gather [hbm4b:s11+s18], $0x20, s24, s18, $0xb8;
	[tilespmem:$0x11300] =	vst v63  }
0x4d: {  	s24 =	simm.s32 $0x200  }
0x4e: {  	[tilespmem:s30], [sflag:$0x1] =	stream.indirect.gather [hbm4b:s11+s18], $0x20, s24, s18, $0xb8;
	[tilespmem:$0x11300] =	vst v63  }
0x4f: {  	s24 =	simm.s32 $0x280  }
0x50: {  	[tilespmem:s0], [sflag:$0x1] =	stream.indirect.gather [hbm4b:s11+s18], $0x20, s24, s18, $0xb8;
	[tilespmem:$0x11300] =	vst v63  }
0x51: {  	_ =	swait.ge [sflag:s23], $0x1000  }
0x52: {  	[sflag:s23] =	ssyncset.done $0x0  }
0x53: {  	[sflag:s23] =	ssyncadd.s32 $0xFFFFF000  }
0x54: {  	_ =	swait.ge [sflag:s23], $0x1000  }
0x55: {  	[sflag:s23] =	ssyncset.done $0x0  }
0x56: {  	[sflag:s23] =	ssyncadd.s32 $0xFFFFF000  }
0x57: {  	_ =	swait.ge [sflag:s23], $0x1000  }
0x58: {  	[sflag:s23] =	ssyncset.done $0x0  }
0x59: {  	[sflag:s23] =	ssyncadd.s32 $0xFFFFF000  }
0x5a: {  	_ =	swait.ge [sflag:s21], $0x1000  }
0x5b: {  	[sflag:s21] =	ssyncset.done $0x0  }
0x5c: {  	[sflag:s21] =	ssyncadd.s32 $0xFFFFF000  }
0x5d: {  	_ =	swait.ge [sflag:s21], $0x1000  }
0x5e: {  	[sflag:s21] =	ssyncset.done $0x0  }
0x5f: {  	[sflag:s21] =	ssyncadd.s32 $0xFFFFF000  }
0x60: {  	_ =	swait.ge [sflag:s21], $0x1000  }
0x61: {  	[sflag:s21] =	ssyncset.done $0x0  }
0x62: {  	s24 =	simm.s32 $0x2B80;
	[sflag:s21] =	ssyncadd.s32 $0xFFFFF000  }
0x63: {  	[spmem:s2] =	stream.indirect.scatter.add.bf16 [tilespmem:s28], [sflag:$0x2], $0x20, s24, s18, $0xb8;
	[tilespmem:$0x11300] =	vst v63  }
0x64: {  	_ = 	snop  }
0x65: {  	[spmem:s2] =	stream.indirect.scatter.add.bf16 [tilespmem:s30], [sflag:$0x2], $0x20, s25, s18, $0xb8;
	[tilespmem:$0x11300] =	vst v63  }
0x66: {  	_ = 	snop  }
0x67: {  	[spmem:s2] =	stream.indirect.scatter.add.bf16 [tilespmem:s0], [sflag:$0x2], $0x20, s26, s18, $0xb8;
	[tilespmem:$0x11300] =	vst v63  }
0x68: {  	_ =	swait.ge [sflag:s21], $0x1000  }
0x69: {  	[sflag:s21] =	ssyncset.done $0x0  }
0x6a: {  	[sflag:s21] =	ssyncadd.s32 $0xFFFFF000  }
0x6b: {  	_ =	swait.ge [sflag:s21], $0x1000  }
0x6c: {  	[sflag:s21] =	ssyncset.done $0x0  }
0x6d: {  	[sflag:s21] =	ssyncadd.s32 $0xFFFFF000  }
0x6e: {  	_ =	swait.ge [sflag:s21], $0x1000  }
0x6f: {  	[sflag:s21] =	ssyncset.done $0x0  }
0x70: {  	s24 =	simm.s32 $0x300;
	[sflag:s21] =	ssyncadd.s32 $0xFFFFF000  }
0x71: {  	[tilespmem:s19], [sflag:$0x1] =	stream.indirect.gather [hbm4b:s11+s18], $0x20, s24, s18, $0xb8;
	[tilespmem:$0x11300] =	vst v63  }
0x72: {  	s24 =	simm.s32 $0x380  }
0x73: {  	[tilespmem:s20], [sflag:$0x1] =	stream.indirect.gather [hbm4b:s11+s18], $0x20, s24, s18, $0xb8;
	[tilespmem:$0x11300] =	vst v63  }
0x74: {  	s24 =	simm.s32 $0x400  }
0x75: {  	[tilespmem:s22], [sflag:$0x1] =	stream.indirect.gather [hbm4b:s11+s18], $0x20, s24, s18, $0xb8;
	[tilespmem:$0x11300] =	vst v63  }
0x76: {  	_ =	swait.ge [sflag:s23], $0x1000  }
0x77: {  	[sflag:s23] =	ssyncset.done $0x0  }
0x78: {  	[sflag:s23] =	ssyncadd.s32 $0xFFFFF000  }
0x79: {  	_ =	swait.ge [sflag:s23], $0x1000  }
0x7a: {  	[sflag:s23] =	ssyncset.done $0x0  }
0x7b: {  	[sflag:s23] =	ssyncadd.s32 $0xFFFFF000  }
0x7c: {  	_ =	swait.ge [sflag:s23], $0x1000  }
0x7d: {  	[sflag:s23] =	ssyncset.done $0x0  }
0x7e: {  	s24 =	simm.s32 $0x2D00;
	[sflag:s23] =	ssyncadd.s32 $0xFFFFF000  }
0x7f: {  	[spmem:s2] =	stream.indirect.scatter.add.bf16 [tilespmem:s19], [sflag:$0x2], $0x20, s24, s18, $0xb8;
	[tilespmem:$0x11300] =	vst v63  }
0x80: {  	s24 =	simm.s32 $0x2D80  }
0x81: {  	[spmem:s2] =	stream.indirect.scatter.add.bf16 [tilespmem:s20], [sflag:$0x2], $0x20, s24, s18, $0xb8;
	[tilespmem:$0x11300] =	vst v63  }
0x82: {  	s24 =	simm.s32 $0x2E00  }
0x83: {  	[spmem:s2] =	stream.indirect.scatter.add.bf16 [tilespmem:s22], [sflag:$0x2], $0x20, s24, s18, $0xb8;
	[tilespmem:$0x11300] =	vst v63  }
0x84: {  	s24 =	simm.s32 $0x480  }
0x85: {  	[tilespmem:s28], [sflag:$0x1] =	stream.indirect.gather [hbm4b:s11+s18], $0x20, s24, s18, $0xb8;
	[tilespmem:$0x11300] =	vst v63  }
0x86: {  	s24 =	simm.s32 $0x500  }
0x87: {  	[tilespmem:s30], [sflag:$0x1] =	stream.indirect.gather [hbm4b:s11+s18], $0x20, s24, s18, $0xb8;
	[tilespmem:$0x11300] =	vst v63  }
0x88: {  	s24 =	simm.s32 $0x580  }
0x89: {  	[tilespmem:s0], [sflag:$0x1] =	stream.indirect.gather [hbm4b:s11+s18], $0x20, s24, s18, $0xb8;
	[tilespmem:$0x11300] =	vst v63  }
0x8a: {  	_ =	swait.ge [sflag:s23], $0x1000  }
0x8b: {  	[sflag:s23] =	ssyncset.done $0x0  }
0x8c: {  	[sflag:s23] =	ssyncadd.s32 $0xFFFFF000  }
0x8d: {  	_ =	swait.ge [sflag:s23], $0x1000  }
0x8e: {  	[sflag:s23] =	ssyncset.done $0x0  }
0x8f: {  	[sflag:s23] =	ssyncadd.s32 $0xFFFFF000  }
0x90: {  	_ =	swait.ge [sflag:s23], $0x1000  }
0x91: {  	[sflag:s23] =	ssyncset.done $0x0  }
0x92: {  	[sflag:s23] =	ssyncadd.s32 $0xFFFFF000  }
0x93: {  	_ =	swait.ge [sflag:s21], $0x1000  }
0x94: {  	[sflag:s21] =	ssyncset.done $0x0  }
0x95: {  	[sflag:s21] =	ssyncadd.s32 $0xFFFFF000  }
0x96: {  	_ =	swait.ge [sflag:s21], $0x1000  }
0x97: {  	[sflag:s21] =	ssyncset.done $0x0  }
0x98: {  	[sflag:s21] =	ssyncadd.s32 $0xFFFFF000  }
0x99: {  	_ =	swait.ge [sflag:s21], $0x1000  }
0x9a: {  	[sflag:s21] =	ssyncset.done $0x0  }
0x9b: {  	s24 =	simm.s32 $0x2E80;
	[sflag:s21] =	ssyncadd.s32 $0xFFFFF000  }
0x9c: {  	[spmem:s2] =	stream.indirect.scatter.add.bf16 [tilespmem:s28], [sflag:$0x2], $0x20, s24, s18, $0xb8;
	[tilespmem:$0x11300] =	vst v63  }
0x9d: {  	s31 =	simm.s32 $0x2F80;
	s1 =	simm.s32 $0xC00;
	s24 =	simm.s32 $0x2F00  }
0x9e: {  	[spmem:s2] =	stream.indirect.scatter.add.bf16 [tilespmem:s30], [sflag:$0x2], $0x20, s24, s18, $0xb8;
	[tilespmem:$0x11300] =	vst v63  }
.LBB2_4:
0x9f: {  	[spmem:s2] =	stream.indirect.scatter.add.bf16 [tilespmem:s0], [sflag:$0x2], $0x20, s31, s18, $0xb8;
	[tilespmem:$0x11300] =	vst v63  }
0xa0: {  	s24 =	smov.u32 s1  }
0xa1: {  	p1 =	sne.s32 s1, $0x9000;
	s1 =	sadd.s32 $0xC00, s1;
	_ =	swait.ge [sflag:s21], $0x1000  }
0xa2: {  	[sflag:s21] =	ssyncset.done $0x0  }
0xa3: {  	[sflag:s21] =	ssyncadd.s32 $0xFFFFF000  }
0xa4: {  	_ =	swait.ge [sflag:s21], $0x1000  }
0xa5: {  	[sflag:s21] =	ssyncset.done $0x0  }
0xa6: {  	[sflag:s21] =	ssyncadd.s32 $0xFFFFF000  }
0xa7: {  	_ =	swait.ge [sflag:s21], $0x1000  }
0xa8: {  	s31 =	sshra.s32 s24, $0x2;
	[sflag:s21] =	ssyncset.done $0x0  }
0xa9: {  	s24 =	sadd.s32 $0x300, s31;
	[sflag:s21] =	ssyncadd.s32 $0xFFFFF000  }
0xaa: {  	[tilespmem:s19], [sflag:$0x1] =	stream.indirect.gather [hbm4b:s11+s18], $0x20, s24, s18, $0xb8;
	[tilespmem:$0x11300] =	vst v63  }
0xab: {  	s24 =	sadd.s32 $0x380, s31  }
0xac: {  	[tilespmem:s20], [sflag:$0x1] =	stream.indirect.gather [hbm4b:s11+s18], $0x20, s24, s18, $0xb8;
	[tilespmem:$0x11300] =	vst v63  }
0xad: {  	s24 =	sadd.s32 $0x400, s31  }
0xae: {  	[tilespmem:s22], [sflag:$0x1] =	stream.indirect.gather [hbm4b:s11+s18], $0x20, s24, s18, $0xb8;
	[tilespmem:$0x11300] =	vst v63  }
0xaf: {  	_ =	swait.ge [sflag:s23], $0x1000  }
0xb0: {  	[sflag:s23] =	ssyncset.done $0x0  }
0xb1: {  	[sflag:s23] =	ssyncadd.s32 $0xFFFFF000  }
0xb2: {  	_ =	swait.ge [sflag:s23], $0x1000  }
0xb3: {  	[sflag:s23] =	ssyncset.done $0x0  }
0xb4: {  	[sflag:s23] =	ssyncadd.s32 $0xFFFFF000  }
0xb5: {  	_ =	swait.ge [sflag:s23], $0x1000  }
0xb6: {  	[sflag:s23] =	ssyncset.done $0x0  }
0xb7: {  	s24 =	sadd.s32 $0x2D00, s31;
	[sflag:s23] =	ssyncadd.s32 $0xFFFFF000  }
0xb8: {  	[spmem:s2] =	stream.indirect.scatter.add.bf16 [tilespmem:s19], [sflag:$0x2], $0x20, s24, s18, $0xb8;
	[tilespmem:$0x11300] =	vst v63  }
0xb9: {  	s24 =	sadd.s32 $0x2D80, s31  }
0xba: {  	[spmem:s2] =	stream.indirect.scatter.add.bf16 [tilespmem:s20], [sflag:$0x2], $0x20, s24, s18, $0xb8;
	[tilespmem:$0x11300] =	vst v63  }
0xbb: {  	s24 =	sadd.s32 $0x2E00, s31  }
0xbc: {  	[spmem:s2] =	stream.indirect.scatter.add.bf16 [tilespmem:s22], [sflag:$0x2], $0x20, s24, s18, $0xb8;
	[tilespmem:$0x11300] =	vst v63  }
0xbd: {  	s24 =	sadd.s32 $0x480, s31  }
0xbe: {  	[tilespmem:s28], [sflag:$0x1] =	stream.indirect.gather [hbm4b:s11+s18], $0x20, s24, s18, $0xb8;
	[tilespmem:$0x11300] =	vst v63  }
0xbf: {  	s24 =	sadd.s32 $0x500, s31  }
0xc0: {  	[tilespmem:s30], [sflag:$0x1] =	stream.indirect.gather [hbm4b:s11+s18], $0x20, s24, s18, $0xb8;
	[tilespmem:$0x11300] =	vst v63  }
0xc1: {  	s24 =	sadd.s32 $0x580, s31  }
0xc2: {  	[tilespmem:s0], [sflag:$0x1] =	stream.indirect.gather [hbm4b:s11+s18], $0x20, s24, s18, $0xb8;
	[tilespmem:$0x11300] =	vst v63  }
0xc3: {  	_ =	swait.ge [sflag:s23], $0x1000  }
0xc4: {  	[sflag:s23] =	ssyncset.done $0x0  }
0xc5: {  	[sflag:s23] =	ssyncadd.s32 $0xFFFFF000  }
0xc6: {  	_ =	swait.ge [sflag:s23], $0x1000  }
0xc7: {  	[sflag:s23] =	ssyncset.done $0x0  }
0xc8: {  	[sflag:s23] =	ssyncadd.s32 $0xFFFFF000  }
0xc9: {  	_ =	swait.ge [sflag:s23], $0x1000  }
0xca: {  	[sflag:s23] =	ssyncset.done $0x0  }
0xcb: {  	[sflag:s23] =	ssyncadd.s32 $0xFFFFF000  }
0xcc: {  	_ =	swait.ge [sflag:s21], $0x1000  }
0xcd: {  	[sflag:s21] =	ssyncset.done $0x0  }
0xce: {  	[sflag:s21] =	ssyncadd.s32 $0xFFFFF000  }
0xcf: {  	_ =	swait.ge [sflag:s21], $0x1000  }
0xd0: {  	[sflag:s21] =	ssyncset.done $0x0  }
0xd1: {  	[sflag:s21] =	ssyncadd.s32 $0xFFFFF000  }
0xd2: {  	_ =	swait.ge [sflag:s21], $0x1000  }
0xd3: {  	[sflag:s21] =	ssyncset.done $0x0  }
.Ltmp1:
0xd4: {  	s24 =	sadd.s32 $0x2E80, s31;
	[sflag:s21] =	ssyncadd.s32 $0xFFFFF000;
	(pc) =	sbr.rel @p1 .LBB2_4-.Ltmp1, $4  }
0xd5: {  	[spmem:s2] =	stream.indirect.scatter.add.bf16 [tilespmem:s28], [sflag:$0x2], $0x20, s24, s18, $0xb8;
	[tilespmem:$0x11300] =	vst v63  }
0xd6: {  	s24 =	sadd.s32 $0x2F00, s31  }
0xd7: {  	[spmem:s2] =	stream.indirect.scatter.add.bf16 [tilespmem:s30], [sflag:$0x2], $0x20, s24, s18, $0xb8;
	[tilespmem:$0x11300] =	vst v63  }
0xd8: {  	s31 =	sadd.s32 $0x2F80, s31  }
0xd9: {  	[spmem:s2] =	stream.indirect.scatter.add.bf16 [tilespmem:s0], [sflag:$0x2], $0x20, s31, s18, $0xb8;
	[tilespmem:$0x11300] =	vst v63  }
0xda: {  	_ =	swait.ge [sflag:s21], $0x1000  }
0xdb: {  	[sflag:s21] =	ssyncset.done $0x0  }
0xdc: {  	[sflag:s21] =	ssyncadd.s32 $0xFFFFF000  }
0xdd: {  	_ =	swait.ge [sflag:s21], $0x1000  }
0xde: {  	[sflag:s21] =	ssyncset.done $0x0  }
0xdf: {  	[sflag:s21] =	ssyncadd.s32 $0xFFFFF000  }
0xe0: {  	_ =	swait.ge [sflag:s21], $0x1000  }
0xe1: {  	[sflag:s21] =	ssyncset.done $0x0  }
0xe2: {  	[sflag:s21] =	ssyncadd.s32 $0xFFFFF000  }
0xe3: {  	s1 =	sshrl.u32 @p0 s6, $0x3;
	s24 =	simm.s32 @p0 $0x1FC3;
	[bflag:$0x0] =	sbarrier.arrive $0xFFFF  }
0xe4: {  	[hbm:s13], [sflag:s24] =	dma.local @p0 [spmem:s1], $0x820  }
0xe5: {  	s1 =	simm.s32 @p0 $0x3  }
0xe6: {  	s29 =	sadd.s32 $0x1, s29;
	s24 =	stileid.u32;
	_ =	swait.ge @p0 [sflag:s1], $0x820  }
0xe7: {  	p1 =	sne.s32 s29, s14;
	s24 =	sshll.u32 @!p0 s24, $0x6;
	[sflag:s1] =	ssyncset.done @p0 $0x0  }
0xe8: {  	[sflag:s1] =	ssyncadd.s32 @p0 $0xFFFFF7E0;
	s1 =	sor.u32 @!p0 $0x1C03, s24;
	s24 =	sshrl.u32 @!p0 s6, $0x3  }
0xe9: {  	[hbm:s12], [sflag:s1] =	dma.local @!p0 [spmem:s24], $0x9E0  }
.Ltmp2:
0xea: {  	_ = 	snop;
	(pc) =	sbr.rel @p1 .LBB2_1-.Ltmp2, $4  }
0xeb: {  	s1 =	simm.s32 @!p0 $0x3  }
0xec: {  	_ =	swait.ge @!p0 [sflag:s1], $0x9E0  }
0xed: {  	[sflag:s1] =	ssyncset.done @!p0 $0x0  }
0xee: {  	[sflag:s1] =	ssyncadd.s32 @!p0 $0xFFFFF620  }
0xef: {  	_ =	sfence.sel $0x180000  }
0xf0: {  	[bflag:$0x0] =	sbarrier.arrive $0xFFFF  }
0xf1: {  	_ =	strace $0x9000004A  }
0xf2: {  	s0 =	stileid.u32;
	[bflag:$0x2] =	sbarrier.arrive $0xFFFF  }
0xf3: {  	p0 =	sne.s32 s0, $0x0;
	s0 =	rddreg [dreg:$0x4]  }
0xf4: {  	s0 =	sadd.s32 @!p0 $0x100000, s0  }
0xf5: {  	[sflag:s0] =	ssyncadd.tile.s32 @!p0 $0x1;
	_ =	shalt  }
.Lfunc_end2:
_tile_overlayer_lowered:
.L_overlay_start_2:
0xf6: {  	(tag) =	ssettag $0x2  }
0xf7: {  	s0 =	rddreg [dreg:$0x0];
	s2 =	stileid.u32  }
0xf8: {  	s1 =	rddreg [dreg:$0x1];
	p0 =	sne.s32 s2, $0x0  }
0xf9: {  	s3 =	rddreg [dreg:$0x2];
	[bflag:$0x3] =	sbarrier.arrive $0xFFFF;
	s2 =	simm.s32 @!p0 $0x1C03  }
0xfa: {  	[timem:s3], [sflag:s2] =	dma.local @!p0 [hbm:s0], s1  }
0xfb: {  	s0 =	simm.s32 @!p0 $0x3  }
0xfc: {  	_ =	swait.ge @!p0 [sflag:s0], s1  }
0xfd: {  	s1 =	ssub.s32 @!p0 $0x0, s1;
	[sflag:s0] =	ssyncset.done @!p0 $0x0  }
0xfe: {  	[sflag:s0] =	ssyncadd.s32 @!p0 s1  }
0xff: {  	[bflag:$0x3] =	sbarrier.arrive $0xFFFF  }
0x100: {  	_ =	shalt  }

// kernel: kernel.9.cloned.1.call-start
scs
__scs_entry_jumppad:
0x0: {  	(pc) =	sbr.rel $0x88, $3  }
0x1: {  	(tag) =	ssettag $0x0;
	lr =	simm.s32 $0x1  }
0x2: {  	[smem:$0x3F98] =	sst lr;
	_ =	strace $0xD0000000  }
0x3: {  	_ = 	snop  }
0x4: {  	_ = 	snop  }
0x5: {  	_ = 	snop  }
0x6: {  	_ = 	snop  }
0x7: {  	_ = 	snop  }
__scs_overlays_trampoline_lowered:
0x8: {  	[smem:$0x3FA7] =	sst s0  }
0x9: {  	[smem:$0x3FA8] =	sst s1  }
0xa: {  	[smem:$0x3FA9] =	sst s2  }
0xb: {  	[smem:$0x3FAA] =	sst s3  }
0xc: {  	[smem:$0x3FAB] =	sst s4  }
0xd: {  	[smem:$0x3FAC] =	sst s5  }
0xe: {  	[smem:$0x3FAD] =	sst s6  }
0xf: {  	[smem:$0x3FAE] =	sst s7  }
0x10: {  	[smem:$0x3FAF] =	sst s8  }
0x11: {  	[smem:$0x3FB0] =	sst s9;
	s0 =	simm.s32 @!p0 $0x0  }
0x12: {  	s1 =	sld [smem:$0x3F96];
	s0 =	simm.s32 @p0 $0x1  }
0x13: {  	[smem:$0x3FB1] =	sst s0;
	s0 =	simm.s32 @!p1 $0x0  }
0x14: {  	s2 =	sld [smem:$0x3F95];
	s0 =	simm.s32 @p1 $0x1  }
0x15: {  	[smem:$0x3FB2] =	sst s0;
	s0 =	simm.s32 @!p2 $0x0  }
0x16: {  	s3 =	sld [smem:$0x3FDB];
	s0 =	simm.s32 @p2 $0x1  }
0x17: {  	s4 =	simm.s32 $0x1BF5;
	[smem:$0x3FB4] =	sst s0  }
0x18: {  	s0 =	sld [smem:$0x3F97];
	_ =	swait.ge [sflag:s4], $0x0  }
0x19: {  	s7 =	sld [smem:$0x3F98]  }
0x1a: {  	s8 =	sadd.s32 $0xFFFFE003, lr  }
0x1b: {  	s9 =	sadd.s32 $0xFFFFFEF7, lr;
	s5 =	simm.s32 $0xFFFFFFFF;
	p2 =	slt.u32 s8, $0xFFFFF086  }
0x1c: {  	p1 =	slt.u32 s9, $0xF7A;
	s5 =	simm.s32 @!p2 $0x0  }
0x1d: {  	s5 =	simm.s32 @p1 $0x1;
	p0 =	seq.s32 s7, s2  }
0x1e: {  	s7 =	smul.u32 @!p0 $0xF7A, s2;
	p2 =	seq.s32 @!p0 s5, $0x0  }
0x1f: {  	s9 =	smul.u32 $0xF7A, s1;
	s8 =	simm.s32 @!p0 $0x1BF5;
	p2 =	por !p2, p0  }
0x20: {  	[sflag:s8] =	ssyncset.s32 @!p0 $0xFFFFF086;
	s6 =	sadd.s32 @!p0 s3, s7;
	s7 =	simm.s32 @!p0 $0x108  }
0x21: {  	s3 =	sadd.s32 s3, s9;
	s6 =	sadd.s32 @!p0 $0x88, s6;
	s7 =	simm.s32 @p2 $0x1082  }
0x22: {  	[simem:s7], [sflag:s8] =	dma.local @!p0 [hbm:s6], $0xF7A  }
0x23: {  	s9 =	sor.u32 $0xD0000000, s2;
	s6 =	simm.s32 $0x108;
	_ =	swait.ge @!p0 [sflag:s8], $0x0  }
0x24: {  	s3 =	sadd.s32 $0x88, s3;
	s6 =	simm.s32 @!p1 $0x1082;
	[sflag:s4] =	ssyncset.s32 $0xFFFFF086  }
0x25: {  	[simem:s6], [sflag:s4] =	dma.local [hbm:s3], $0xF7A  }
0x26: {  	[smem:$0x3F98] =	sst s1;
	(tag) =	ssettag s2;
	_ =	strace s9  }
0x27: {  	s1 =	sld [smem:$0x3FA8]  }
0x28: {  	s2 =	sld [smem:$0x3FA9]  }
0x29: {  	s4 =	sld [smem:$0x3FAB]  }
0x2a: {  	p0 =	seq.s32 s5, $0x0;
	s5 =	sld [smem:$0x3FAC]  }
0x2b: {  	s6 =	sld [smem:$0x3FAD]  }
0x2c: {  	s7 =	sld [smem:$0x3FAE]  }
0x2d: {  	s3 =	simm.s32 $0x108;
	s8 =	sld [smem:$0x3FAF]  }
0x2e: {  	s3 =	simm.s32 @!p0 $0x1082;
	s9 =	sld [smem:$0x3FB0]  }
0x2f: {  	lr =	sadd.s32 s0, s3;
	s0 =	sld [smem:$0x3FA7]  }
0x30: {  	s3 =	sld [smem:$0x3FAA]  }
0x31: {  	[smem:$0x3FB3] =	sst s10  }
0x32: {  	s10 =	sld [smem:$0x3FB1];
	_ =	sdelay $0x3  }
0x33: {  	p0 =	seq.s32 s10, $0x1;
	s10 =	sld [smem:$0x3FB3];
	_ =	sdelay $0x3  }
0x34: {  	[smem:$0x3FB3] =	sst s10  }
0x35: {  	s10 =	sld [smem:$0x3FB2];
	_ =	sdelay $0x3  }
0x36: {  	p1 =	seq.s32 s10, $0x1;
	s10 =	sld [smem:$0x3FB3];
	_ =	sdelay $0x3  }
0x37: {  	[smem:$0x3FB3] =	sst s10  }
0x38: {  	s10 =	sld [smem:$0x3FB4]  }
0x39: {  	_ = 	snop;
	(pc) =	sbr.ind lr, $3  }
0x3a: {  	_ = 	snop  }
0x3b: {  	_ = 	snop  }
0x3c: {  	p2 =	seq.s32 s10, $0x1;
	s10 =	sld [smem:$0x3FB3]  }
0x3d: {  	_ =	shalt  }
0x3e: {  	_ =	shalt  }
0x3f: {  	_ =	shalt  }
0x40: {  	_ =	shalt  }
0x41: {  	_ =	shalt  }
0x42: {  	_ =	shalt  }
0x43: {  	_ =	shalt  }
0x44: {  	_ =	shalt  }
0x45: {  	_ =	shalt  }
0x46: {  	_ =	shalt  }
0x47: {  	_ =	shalt  }
0x48: {  	_ =	shalt  }
0x49: {  	_ =	shalt  }
0x4a: {  	_ =	shalt  }
0x4b: {  	_ =	shalt  }
0x4c: {  	_ =	shalt  }
0x4d: {  	_ =	shalt  }
0x4e: {  	_ =	shalt  }
0x4f: {  	_ =	shalt  }
0x50: {  	_ =	shalt  }
0x51: {  	_ =	shalt  }
0x52: {  	_ =	shalt  }
0x53: {  	_ =	shalt  }
0x54: {  	_ =	shalt  }
0x55: {  	_ =	shalt  }
0x56: {  	_ =	shalt  }
0x57: {  	_ =	shalt  }
0x58: {  	_ =	shalt  }
0x59: {  	_ =	shalt  }
0x5a: {  	_ =	shalt  }
0x5b: {  	_ =	shalt  }
0x5c: {  	_ =	shalt  }
0x5d: {  	_ =	shalt  }
0x5e: {  	_ =	shalt  }
0x5f: {  	_ =	shalt  }
0x60: {  	_ =	shalt  }
0x61: {  	_ =	shalt  }
0x62: {  	_ =	shalt  }
0x63: {  	_ =	shalt  }
0x64: {  	_ =	shalt  }
0x65: {  	_ =	shalt  }
0x66: {  	_ =	shalt  }
0x67: {  	_ =	shalt  }
0x68: {  	_ =	shalt  }
0x69: {  	_ =	shalt  }
0x6a: {  	_ =	shalt  }
0x6b: {  	_ =	shalt  }
0x6c: {  	_ =	shalt  }
0x6d: {  	_ =	shalt  }
0x6e: {  	_ =	shalt  }
0x6f: {  	_ =	shalt  }
0x70: {  	_ =	shalt  }
0x71: {  	_ =	shalt  }
0x72: {  	_ =	shalt  }
0x73: {  	_ =	shalt  }
0x74: {  	_ =	shalt  }
0x75: {  	_ =	shalt  }
0x76: {  	_ =	shalt  }
0x77: {  	_ =	shalt  }
0x78: {  	_ =	shalt  }
0x79: {  	_ =	shalt  }
0x7a: {  	_ =	shalt  }
0x7b: {  	_ =	shalt  }
0x7c: {  	_ =	shalt  }
0x7d: {  	_ =	shalt  }
0x7e: {  	_ =	shalt  }
0x7f: {  	_ =	shalt  }
0x80: {  	_ =	shalt  }
0x81: {  	_ =	shalt  }
0x82: {  	_ =	shalt  }
0x83: {  	_ =	shalt  }
0x84: {  	_ =	shalt  }
0x85: {  	_ =	shalt  }
0x86: {  	_ =	shalt  }
0x87: {  	_ =	shalt  }
.Lfunc_end0:
.L_simem_size_0:
called_computation_lowered:
.L_overlay_start_0:
0x88: {  	s2 =	sld [smem:$0x3FD9]  }
0x89: {  	s3 =	sld [smem:$0x3FFE];
	_ =	sdelay $0x1  }
0x8a: {  	s1 =	srdreg.scid  }
0x8b: {  	s0 =	sand.u32 $0x1, s1  }
0x8c: {  	s14 =	sshll.u32 s0, $0xA;
	s2 =	sadd.s32 s3, s2  }
0x8d: {  	s2 =	sadd.s32 s2, s14  }
0x8e: {  	[smem:$0x3FBF] =	sst s2  }
0x8f: {  	_ = 	snop  }
0x90: {  	s2 =	sld [smem:$0x3FD0];
	_ =	sdelay $0x2  }
0x91: {  	s15 =	simm.s32 $0xA;
	s4 =	simm.s32 $0x10  }
0x92: {  	[smem:s4], [sflag:s15] =	dma.local [hbm:s2], $0x1  }
0x93: {  	_ =	swait.eq [sflag:s15], $0x1  }
0x94: {  	[sflag:s15] =	ssyncset.done $0x0  }
0x95: {  	[sflag:s15] =	ssyncadd.s32 $0xFFFFFFFF  }
0x96: {  	s16 =	sld [smem:$0x11];
	(tm) =	ssettm $0x1  }
0x97: {  	s17 =	sld [smem:$0x3FFB];
	_ =	sdelay $0x3  }
0x98: {  	_ =	strace s17  }
0x99: {  	s3 =	sld [smem:$0x3FFC];
	_ =	sdelay $0x3  }
0x9a: {  	_ =	strace s3  }
0x9b: {  	s3 =	sld [smem:$0x3FFD];
	_ =	sdelay $0x3  }
0x9c: {  	_ =	strace s3  }
0x9d: {  	_ =	strace $0x8FFFFFFF  }
0x9e: {  	s18 =	sld [smem:$0x3FDB];
	_ =	sdelay $0x1  }
0x9f: {  	s19 =	simm.s32 $_scs_section_size  }
0xa0: {  	s5 =	simm.s32 $_size__tile_overlayer_lowered;
	s6 =	simm.s32 $_tile_overlayer_lowered  }
0xa1: {  	s22 =	simm.s32 $0x1BFF;
	s21 =	sshll.u32 s6, $0x1;
	s3 =	sadd.s32 s19, s18  }
0xa2: {  	s7 =	simm.s32 $0x0;
	s20 =	sshll.u32 s5, $0x1;
	s5 =	sadd.s32 s21, s3  }
0xa3: {  	[timem:s7], [sflag:s22] =	dma.local [hbm:s5], s20  }
0xa4: {  	_ =	swait.ge [sflag:s22], s20  }
0xa5: {  	s4 =	ssub.s32 $0x0, s20;
	[sflag:s22] =	ssyncset.done $0x0  }
0xa6: {  	[sflag:s22] =	ssyncadd.s32 s4;
	_ =	sdelay $0x1  }
0xa7: {  	s23 =	simm.s32 $0x1B8B  }
0xa8: {  	_ =	swait.ge [sflag:s23], $0x1  }
0xa9: {  	[sflag:s23] =	ssyncset.done $0x0  }
0xaa: {  	s25 =	simm.s32 $0x1B8E;
	s24 =	sld [smem:$0x3FFE];
	[sflag:s23] =	ssyncadd.s32 $0xFFFFFFFF  }
0xab: {  	s26 =	simm.s32 $execute0_lowered;
	[smem:$0x3FD2] =	sst s25  }
0xac: {  	s5 =	sshll.u32 s26, $0x1;
	_ =	strace $0x80000046;
	[dreg:$0x1] =	wrdreg $0xFFFFFFFF  }
0xad: {  	s28 =	simm.s32 $_size_execute0_lowered;
	s3 =	sadd.s32 s3, s5;
	[dreg:$0x0] =	wrdreg $0x0  }
0xae: {  	s5 =	sshll.u32 s28, $0x1;
	[dreg:$0x2] =	wrdreg s3  }
0xaf: {  	[dreg:$0x3] =	wrdreg s5  }
0xb0: {  	[dreg:$0x4] =	wrdreg $0xC0  }
0xb1: {  	_ =	task [dreg:s7], $0x5FFFF  }
0xb2: {  	[dreg:$0x1] =	wrdreg $0xFFFFFFFF  }
0xb3: {  	[dreg:$0x0] =	wrdreg $0x60  }
0xb4: {  	[dreg:$0x2] =	wrdreg s16  }
0xb5: {  	[dreg:$0x3] =	wrdreg s24  }
0xb6: {  	[dreg:$0x4] =	wrdreg $0x134000  }
0xb7: {  	[dreg:$0x5] =	wrdreg $0x9  }
0xb8: {  	_ =	task.clear_ibuf [dreg:s7], $0x6FFFF;
	_ =	strace $0x90000046  }
0xb9: {  	s29 =	simm.s32 $0x9;
	_ =	strace $0x80000048  }
0xba: {  	_ =	swait.ge [sflag:s29], $0x1  }
0xbb: {  	[sflag:s29] =	ssyncadd.s32 $0xFFFFFFFF  }
0xbc: {  	_ =	strace $0x90000048  }
0xbd: {  	_ =	sfence  }
0xbe: {  	s30 =	sld [smem:$0x0];
	_ =	sdelay $0x2  }
0xbf: {  	s31 =	sshll.u32 s1, $0xD;
	s1 =	sshrl.u32 s1, $0x2  }
0xc0: {  	s3 =	sand.u32 $0x4000, s31;
	s1 =	sadd.s32 s1, s30  }
0xc1: {  	s0 =	sor.u32 s3, s0;
	s1 =	sshll.u32 s1, $0x11  }
0xc2: {  	s0 =	sor.u32 s1, s0  }
0xc3: {  	s0 =	sadd.s32 $0x8F2B, s0  }
0xc4: {  	[sflag:s0] =	ssyncadd.remote.s32 $0x1  }
0xc5: {  	_ =	sfence.sel $0xFFFF  }
0xc6: {  	[dreg:$0x0] =	wrdreg $0xFFFFFFFF;
	(pc) =	sbr.abs _section_cstart, $3  }
0xc7: {  	[dreg:$0x1] =	wrdreg $0xFFFFFFFF  }
0xc8: {  	_ =	task.clear_ibuf [dreg:s7], $0x2FFFF;
	_ =	strace $0x9FFFFFFF  }
0xc9: {  	(tm) =	ssettm $0x7FFFFFFF  }
tec
execute0_lowered:
.L_overlay_start_1:
0x0: {  	(tag) =	ssettag $0x1  }
0x1: {  	s0 =	rddreg [dreg:$0x0]  }
0x2: {  	s1 =	rddreg [dreg:$0x1]  }
0x3: {  	s2 =	rddreg [dreg:$0x2];
	s3 =	simm.s32 $0x0;
	s21 =	stileid.u32  }
0x4: {  	s4 =	srdreg.scid;
	s16 =	simm.s32 $0x2A00;
	s17 =	simm.s32 $0x5400  }
0x5: {  	s18 =	simm.s32 $0x80;
	s19 =	simm.s32 $0x7400;
	s20 =	simm.s32 $0x9400  }
0x6: {  	s22 =	simm.s32 $0xB400;
	s23 =	simm.s32 $0x1;
	s28 =	simm.s32 $0xD400  }
0x7: {  	s30 =	simm.s32 $0xF400;
	s25 =	simm.s32 $0x2C00;
	s5 =	smul.u32 $0x540, s21  }
0x8: {  	s29 =	simm.s32 $0x0;
	[smem:$0x7FF] =	sst s3;
	s11 =	smul.u32 $0x13C00, s21  }
0x9: {  	s10 =	sand.u32 $0x1, s4;
	s7 =	smul.u32 $0x27800, s21;
	p0 =	seq.s32 s21, $0xF  }
0xa: {  	s21 =	simm.s32 $0x2;
	_ =	strace $0x80000047;
	s13 =	smul.u32 $0x138800, s10  }
0xb: {  	s4 =	ssub.s32 $0x2, s10;
	s15 =	smul.u32 $0x13880, s10;
	s5 =	sadd.s32 s5, s1  }
0xc: {  	s6 =	sshrl.u32 s4, $0x1;
	s1 =	sadd.s32 $0x12600, s1;
	s26 =	sshrl.u32 s11, $0x1  }
0xd: {  	s7 =	sshrl.u32 s7, $0x2;
	s14 =	ssub.s32 s4, s6;
	s4 =	sadd.s32 $0x2A00, s5  }
0xe: {  	s5 =	sadd.s32 $0xD200, s5;
	s6 =	sadd.s32 s26, s2;
	s12 =	sadd.s32 s7, s2  }
0xf: {  	s11 =	sadd.s32 s11, s13;
	s13 =	sshrl.u32 s13, $0x4;
	s26 =	simm.s32 $0x2C80  }
0x10: {  	s7 =	sadd.s32 $0x2000, s12;
	s8 =	sadd.s32 $0x4000, s12;
	s9 =	sadd.s32 $0x6000, s12  }
0x11: {  	s10 =	sadd.s32 $0x8000, s12;
	s31 =	sshrl.u32 s11, $0x4;
	s13 =	sadd.s32 s1, s13  }
0x12: {  	s11 =	sadd.s32 s0, s15;
	s14 =	smax.u32 s14, $0x1;
	s15 =	simm.s32 $0x3  }
0x13: {  	v0 =	vimm.bf16 $0.0e+00;
	s0 =	simm.s32 $0x11400;
	s12 =	sadd.s32 s1, s31;
	s13 =	sadd.s32 $0x12840, s13  }
.LBB2_1:
0x14: {  	[tilespmem:s3], [sflag:$0x3] =	stream.linear.gather [hbm4b:s4+s3], $0x2A00, $0x38;
	[tilespmem:$0x1D200] =	vst v63  }
0x15: {  	_ =	swait.ge [sflag:s15], $0x2A00  }
0x16: {  	[sflag:s15] =	ssyncset.done $0x0  }
0x17: {  	[sflag:s15] =	ssyncadd.s32 $0xFFFFD600  }
0x18: {  	[tilespmem:s16], [sflag:$0x3] =	stream.linear.gather [hbm4b:s5+s3], $0x2A00, $0x38;
	[tilespmem:$0x1D200] =	vst v63  }
0x19: {  	_ =	swait.ge [sflag:s15], $0x2A00  }
0x1a: {  	[sflag:s15] =	ssyncset.done $0x0  }
0x1b: {  	s31 =	simm.s32 $0x100;
	s1 =	simm.s32 $0x0;
	[sflag:s15] =	ssyncadd.s32 $0xFFFFD600  }
.LBB2_2:
0x1c: {  	p1 =	sne.s32 s31, $0x7F00;
	[tilespmem:s1+$0x5430] =	vst v0;
	s24 =	smov.u32 s31;
	s31 =	sadd.s32 $0x100, s31  }
.Ltmp0:
0x1d: {  	[tilespmem:s1+$0x5420] =	vst v0;
	(pc) =	sbr.rel @p1 .LBB2_2-.Ltmp0, $3  }
0x1e: {  	[tilespmem:s1+$0x5400] =	vst v0  }
0x1f: {  	[tilespmem:s1+$0x5410] =	vst v0;
	_ =	sdelay $0x1  }
0x20: {  	s1 =	sshra.s32 s24, $0x2  }
0x21: {  	[tilespmem:s1+$0x5430] =	vst v0  }
0x22: {  	[tilespmem:s1+$0x5420] =	vst v0  }
0x23: {  	[tilespmem:s1+$0x5400] =	vst v0  }
0x24: {  	[tilespmem:s1+$0x5410] =	vst v0  }
0x25: {  	[spmem:s6] =	stream.linear.scatter [tilespmem:s17], [sflag:$0x3], $0x2000, $0x38;
	[tilespmem:$0x1D200] =	vst v63  }
0x26: {  	_ =	swait.ge [sflag:s15], $0x2000  }
0x27: {  	[sflag:s15] =	ssyncset.done $0x0  }
0x28: {  	[sflag:s15] =	ssyncadd.s32 $0xFFFFE000  }
0x29: {  	[spmem:s7] =	stream.linear.scatter [tilespmem:s17], [sflag:$0x3], $0x2000, $0x38;
	[tilespmem:$0x1D200] =	vst v63  }
0x2a: {  	_ =	swait.ge [sflag:s15], $0x2000  }
0x2b: {  	[sflag:s15] =	ssyncset.done $0x0  }
0x2c: {  	[sflag:s15] =	ssyncadd.s32 $0xFFFFE000  }
0x2d: {  	[spmem:s8] =	stream.linear.scatter [tilespmem:s17], [sflag:$0x3], $0x2000, $0x38;
	[tilespmem:$0x1D200] =	vst v63  }
0x2e: {  	_ =	swait.ge [sflag:s15], $0x2000  }
0x2f: {  	[sflag:s15] =	ssyncset.done $0x0  }
0x30: {  	[sflag:s15] =	ssyncadd.s32 $0xFFFFE000  }
0x31: {  	[spmem:s9] =	stream.linear.scatter [tilespmem:s17], [sflag:$0x3], $0x2000, $0x38;
	[tilespmem:$0x1D200] =	vst v63  }
0x32: {  	_ =	swait.ge [sflag:s15], $0x2000  }
0x33: {  	[sflag:s15] =	ssyncset.done $0x0  }
0x34: {  	[sflag:s15] =	ssyncadd.s32 $0xFFFFE000  }
0x35: {  	[spmem:s10] =	stream.linear.scatter [tilespmem:s17], [sflag:$0x3], $0x1E00, $0x38;
	[tilespmem:$0x1D200] =	vst v63  }
0x36: {  	_ =	swait.ge [sflag:s15], $0x1E00  }
0x37: {  	[sflag:s15] =	ssyncset.done $0x0  }
0x38: {  	[sflag:s15] =	ssyncadd.s32 $0xFFFFE200  }
0x39: {  	s24 =	simm.s32 $0x0;
	[bflag:$0x0] =	sbarrier.arrive $0xFFFF  }
0x3a: {  	[tilespmem:s19], [sflag:$0x1] =	stream.indirect.gather [hbm4b:s11+s18], $0x40, s24, s18, $0xb8;
	[tilespmem:$0x1D200] =	vst v63  }
0x3b: {  	_ = 	snop  }
0x3c: {  	[tilespmem:s20], [sflag:$0x1] =	stream.indirect.gather [hbm4b:s11+s18], $0x40, s18, s18, $0xb8;
	[tilespmem:$0x1D200] =	vst v63  }
0x3d: {  	s24 =	simm.s32 $0x100  }
0x3e: {  	[tilespmem:s22], [sflag:$0x1] =	stream.indirect.gather [hbm4b:s11+s18], $0x40, s24, s18, $0xb8;
	[tilespmem:$0x1D200] =	vst v63  }
0x3f: {  	_ =	swait.ge [sflag:s23], $0x2000  }
0x40: {  	[sflag:s23] =	ssyncset.done $0x0  }
0x41: {  	[sflag:s23] =	ssyncadd.s32 $0xFFFFE000  }
0x42: {  	_ =	swait.ge [sflag:s23], $0x2000  }
0x43: {  	[sflag:s23] =	ssyncset.done $0x0  }
0x44: {  	[sflag:s23] =	ssyncadd.s32 $0xFFFFE000  }
0x45: {  	_ =	swait.ge [sflag:s23], $0x2000  }
0x46: {  	[sflag:s23] =	ssyncset.done $0x0  }
0x47: {  	[sflag:s23] =	ssyncadd.s32 $0xFFFFE000  }
0x48: {  	[spmem:s2] =	stream.indirect.scatter.add.bf16 [tilespmem:s19], [sflag:$0x2], $0x40, s16, s18, $0xb8;
	[tilespmem:$0x1D200] =	vst v63  }
0x49: {  	s24 =	simm.s32 $0x2A80  }
0x4a: {  	[spmem:s2] =	stream.indirect.scatter.add.bf16 [tilespmem:s20], [sflag:$0x2], $0x40, s24, s18, $0xb8;
	[tilespmem:$0x1D200] =	vst v63  }
0x4b: {  	s24 =	simm.s32 $0x2B00  }
0x4c: {  	[spmem:s2] =	stream.indirect.scatter.add.bf16 [tilespmem:s22], [sflag:$0x2], $0x40, s24, s18, $0xb8;
	[tilespmem:$0x1D200] =	vst v63  }
0x4d: {  	s24 =	simm.s32 $0x180  }
0x4e: {  	[tilespmem:s28], [sflag:$0x1] =	stream.indirect.gather [hbm4b:s11+s18], $0x40, s24, s18, $0xb8;
	[tilespmem:$0x1D200] =	vst v63  }
0x4f: {  	s24 =	simm.s32 $0x200  }
0x50: {  	[tilespmem:s30], [sflag:$0x1] =	stream.indirect.gather [hbm4b:s11+s18], $0x40, s24, s18, $0xb8;
	[tilespmem:$0x1D200] =	vst v63  }
0x51: {  	s24 =	simm.s32 $0x280  }
0x52: {  	[tilespmem:s0], [sflag:$0x1] =	stream.indirect.gather [hbm4b:s11+s18], $0x40, s24, s18, $0xb8;
	[tilespmem:$0x1D200] =	vst v63  }
0x53: {  	_ =	swait.ge [sflag:s23], $0x2000  }
0x54: {  	[sflag:s23] =	ssyncset.done $0x0  }
0x55: {  	[sflag:s23] =	ssyncadd.s32 $0xFFFFE000  }
0x56: {  	_ =	swait.ge [sflag:s23], $0x2000  }
0x57: {  	[sflag:s23] =	ssyncset.done $0x0  }
0x58: {  	[sflag:s23] =	ssyncadd.s32 $0xFFFFE000  }
0x59: {  	_ =	swait.ge [sflag:s23], $0x2000  }
0x5a: {  	[sflag:s23] =	ssyncset.done $0x0  }
0x5b: {  	[sflag:s23] =	ssyncadd.s32 $0xFFFFE000  }
0x5c: {  	_ =	swait.ge [sflag:s21], $0x2000  }
0x5d: {  	[sflag:s21] =	ssyncset.done $0x0  }
0x5e: {  	[sflag:s21] =	ssyncadd.s32 $0xFFFFE000  }
0x5f: {  	_ =	swait.ge [sflag:s21], $0x2000  }
0x60: {  	[sflag:s21] =	ssyncset.done $0x0  }
0x61: {  	[sflag:s21] =	ssyncadd.s32 $0xFFFFE000  }
0x62: {  	_ =	swait.ge [sflag:s21], $0x2000  }
0x63: {  	[sflag:s21] =	ssyncset.done $0x0  }
0x64: {  	s24 =	simm.s32 $0x2B80;
	[sflag:s21] =	ssyncadd.s32 $0xFFFFE000  }
0x65: {  	[spmem:s2] =	stream.indirect.scatter.add.bf16 [tilespmem:s28], [sflag:$0x2], $0x40, s24, s18, $0xb8;
	[tilespmem:$0x1D200] =	vst v63  }
0x66: {  	_ = 	snop  }
0x67: {  	[spmem:s2] =	stream.indirect.scatter.add.bf16 [tilespmem:s30], [sflag:$0x2], $0x40, s25, s18, $0xb8;
	[tilespmem:$0x1D200] =	vst v63  }
0x68: {  	_ = 	snop  }
0x69: {  	[spmem:s2] =	stream.indirect.scatter.add.bf16 [tilespmem:s0], [sflag:$0x2], $0x40, s26, s18, $0xb8;
	[tilespmem:$0x1D200] =	vst v63  }
0x6a: {  	_ =	swait.ge [sflag:s21], $0x2000  }
0x6b: {  	[sflag:s21] =	ssyncset.done $0x0  }
0x6c: {  	[sflag:s21] =	ssyncadd.s32 $0xFFFFE000  }
0x6d: {  	_ =	swait.ge [sflag:s21], $0x2000  }
0x6e: {  	[sflag:s21] =	ssyncset.done $0x0  }
0x6f: {  	[sflag:s21] =	ssyncadd.s32 $0xFFFFE000  }
0x70: {  	_ =	swait.ge [sflag:s21], $0x2000  }
0x71: {  	[sflag:s21] =	ssyncset.done $0x0  }
0x72: {  	s24 =	simm.s32 $0x300;
	[sflag:s21] =	ssyncadd.s32 $0xFFFFE000  }
0x73: {  	[tilespmem:s19], [sflag:$0x1] =	stream.indirect.gather [hbm4b:s11+s18], $0x40, s24, s18, $0xb8;
	[tilespmem:$0x1D200] =	vst v63  }
0x74: {  	s24 =	simm.s32 $0x380  }
0x75: {  	[tilespmem:s20], [sflag:$0x1] =	stream.indirect.gather [hbm4b:s11+s18], $0x40, s24, s18, $0xb8;
	[tilespmem:$0x1D200] =	vst v63  }
0x76: {  	s24 =	simm.s32 $0x400  }
0x77: {  	[tilespmem:s22], [sflag:$0x1] =	stream.indirect.gather [hbm4b:s11+s18], $0x40, s24, s18, $0xb8;
	[tilespmem:$0x1D200] =	vst v63  }
0x78: {  	_ =	swait.ge [sflag:s23], $0x2000  }
0x79: {  	[sflag:s23] =	ssyncset.done $0x0  }
0x7a: {  	[sflag:s23] =	ssyncadd.s32 $0xFFFFE000  }
0x7b: {  	_ =	swait.ge [sflag:s23], $0x2000  }
0x7c: {  	[sflag:s23] =	ssyncset.done $0x0  }
0x7d: {  	[sflag:s23] =	ssyncadd.s32 $0xFFFFE000  }
0x7e: {  	_ =	swait.ge [sflag:s23], $0x2000  }
0x7f: {  	[sflag:s23] =	ssyncset.done $0x0  }
0x80: {  	s24 =	simm.s32 $0x2D00;
	[sflag:s23] =	ssyncadd.s32 $0xFFFFE000  }
0x81: {  	[spmem:s2] =	stream.indirect.scatter.add.bf16 [tilespmem:s19], [sflag:$0x2], $0x40, s24, s18, $0xb8;
	[tilespmem:$0x1D200] =	vst v63  }
0x82: {  	s24 =	simm.s32 $0x2D80  }
0x83: {  	[spmem:s2] =	stream.indirect.scatter.add.bf16 [tilespmem:s20], [sflag:$0x2], $0x40, s24, s18, $0xb8;
	[tilespmem:$0x1D200] =	vst v63  }
0x84: {  	s24 =	simm.s32 $0x2E00  }
0x85: {  	[spmem:s2] =	stream.indirect.scatter.add.bf16 [tilespmem:s22], [sflag:$0x2], $0x40, s24, s18, $0xb8;
	[tilespmem:$0x1D200] =	vst v63  }
0x86: {  	s24 =	simm.s32 $0x480  }
0x87: {  	[tilespmem:s28], [sflag:$0x1] =	stream.indirect.gather [hbm4b:s11+s18], $0x40, s24, s18, $0xb8;
	[tilespmem:$0x1D200] =	vst v63  }
0x88: {  	s24 =	simm.s32 $0x500  }
0x89: {  	[tilespmem:s30], [sflag:$0x1] =	stream.indirect.gather [hbm4b:s11+s18], $0x40, s24, s18, $0xb8;
	[tilespmem:$0x1D200] =	vst v63  }
0x8a: {  	s24 =	simm.s32 $0x580  }
0x8b: {  	[tilespmem:s0], [sflag:$0x1] =	stream.indirect.gather [hbm4b:s11+s18], $0x40, s24, s18, $0xb8;
	[tilespmem:$0x1D200] =	vst v63  }
0x8c: {  	_ =	swait.ge [sflag:s23], $0x2000  }
0x8d: {  	[sflag:s23] =	ssyncset.done $0x0  }
0x8e: {  	[sflag:s23] =	ssyncadd.s32 $0xFFFFE000  }
0x8f: {  	_ =	swait.ge [sflag:s23], $0x2000  }
0x90: {  	[sflag:s23] =	ssyncset.done $0x0  }
0x91: {  	[sflag:s23] =	ssyncadd.s32 $0xFFFFE000  }
0x92: {  	_ =	swait.ge [sflag:s23], $0x2000  }
0x93: {  	[sflag:s23] =	ssyncset.done $0x0  }
0x94: {  	[sflag:s23] =	ssyncadd.s32 $0xFFFFE000  }
0x95: {  	_ =	swait.ge [sflag:s21], $0x2000  }
0x96: {  	[sflag:s21] =	ssyncset.done $0x0  }
0x97: {  	[sflag:s21] =	ssyncadd.s32 $0xFFFFE000  }
0x98: {  	_ =	swait.ge [sflag:s21], $0x2000  }
0x99: {  	[sflag:s21] =	ssyncset.done $0x0  }
0x9a: {  	[sflag:s21] =	ssyncadd.s32 $0xFFFFE000  }
0x9b: {  	_ =	swait.ge [sflag:s21], $0x2000  }
0x9c: {  	[sflag:s21] =	ssyncset.done $0x0  }
0x9d: {  	s24 =	simm.s32 $0x2E80;
	[sflag:s21] =	ssyncadd.s32 $0xFFFFE000  }
0x9e: {  	[spmem:s2] =	stream.indirect.scatter.add.bf16 [tilespmem:s28], [sflag:$0x2], $0x40, s24, s18, $0xb8;
	[tilespmem:$0x1D200] =	vst v63  }
0x9f: {  	s1 =	simm.s32 $0xC00;
	s31 =	simm.s32 $0x2F80;
	s24 =	simm.s32 $0x2F00  }
0xa0: {  	[spmem:s2] =	stream.indirect.scatter.add.bf16 [tilespmem:s30], [sflag:$0x2], $0x40, s24, s18, $0xb8;
	[tilespmem:$0x1D200] =	vst v63  }
.LBB2_4:
0xa1: {  	[spmem:s2] =	stream.indirect.scatter.add.bf16 [tilespmem:s0], [sflag:$0x2], $0x40, s31, s18, $0xb8;
	[tilespmem:$0x1D200] =	vst v63  }
0xa2: {  	s24 =	smov.u32 s1  }
0xa3: {  	p1 =	sne.s32 s1, $0x9000;
	s1 =	sadd.s32 $0xC00, s1;
	_ =	swait.ge [sflag:s21], $0x2000  }
0xa4: {  	[sflag:s21] =	ssyncset.done $0x0  }
0xa5: {  	[sflag:s21] =	ssyncadd.s32 $0xFFFFE000  }
0xa6: {  	_ =	swait.ge [sflag:s21], $0x2000  }
0xa7: {  	[sflag:s21] =	ssyncset.done $0x0  }
0xa8: {  	[sflag:s21] =	ssyncadd.s32 $0xFFFFE000  }
0xa9: {  	_ =	swait.ge [sflag:s21], $0x2000  }
0xaa: {  	s31 =	sshra.s32 s24, $0x2;
	[sflag:s21] =	ssyncset.done $0x0  }
0xab: {  	s24 =	sadd.s32 $0x300, s31;
	[sflag:s21] =	ssyncadd.s32 $0xFFFFE000  }
0xac: {  	[tilespmem:s19], [sflag:$0x1] =	stream.indirect.gather [hbm4b:s11+s18], $0x40, s24, s18, $0xb8;
	[tilespmem:$0x1D200] =	vst v63  }
0xad: {  	s24 =	sadd.s32 $0x380, s31  }
0xae: {  	[tilespmem:s20], [sflag:$0x1] =	stream.indirect.gather [hbm4b:s11+s18], $0x40, s24, s18, $0xb8;
	[tilespmem:$0x1D200] =	vst v63  }
0xaf: {  	s24 =	sadd.s32 $0x400, s31  }
0xb0: {  	[tilespmem:s22], [sflag:$0x1] =	stream.indirect.gather [hbm4b:s11+s18], $0x40, s24, s18, $0xb8;
	[tilespmem:$0x1D200] =	vst v63  }
0xb1: {  	_ =	swait.ge [sflag:s23], $0x2000  }
0xb2: {  	[sflag:s23] =	ssyncset.done $0x0  }
0xb3: {  	[sflag:s23] =	ssyncadd.s32 $0xFFFFE000  }
0xb4: {  	_ =	swait.ge [sflag:s23], $0x2000  }
0xb5: {  	[sflag:s23] =	ssyncset.done $0x0  }
0xb6: {  	[sflag:s23] =	ssyncadd.s32 $0xFFFFE000  }
0xb7: {  	_ =	swait.ge [sflag:s23], $0x2000  }
0xb8: {  	[sflag:s23] =	ssyncset.done $0x0  }
0xb9: {  	s24 =	sadd.s32 $0x2D00, s31;
	[sflag:s23] =	ssyncadd.s32 $0xFFFFE000  }
0xba: {  	[spmem:s2] =	stream.indirect.scatter.add.bf16 [tilespmem:s19], [sflag:$0x2], $0x40, s24, s18, $0xb8;
	[tilespmem:$0x1D200] =	vst v63  }
0xbb: {  	s24 =	sadd.s32 $0x2D80, s31  }
0xbc: {  	[spmem:s2] =	stream.indirect.scatter.add.bf16 [tilespmem:s20], [sflag:$0x2], $0x40, s24, s18, $0xb8;
	[tilespmem:$0x1D200] =	vst v63  }
0xbd: {  	s24 =	sadd.s32 $0x2E00, s31  }
0xbe: {  	[spmem:s2] =	stream.indirect.scatter.add.bf16 [tilespmem:s22], [sflag:$0x2], $0x40, s24, s18, $0xb8;
	[tilespmem:$0x1D200] =	vst v63  }
0xbf: {  	s24 =	sadd.s32 $0x480, s31  }
0xc0: {  	[tilespmem:s28], [sflag:$0x1] =	stream.indirect.gather [hbm4b:s11+s18], $0x40, s24, s18, $0xb8;
	[tilespmem:$0x1D200] =	vst v63  }
0xc1: {  	s24 =	sadd.s32 $0x500, s31  }
0xc2: {  	[tilespmem:s30], [sflag:$0x1] =	stream.indirect.gather [hbm4b:s11+s18], $0x40, s24, s18, $0xb8;
	[tilespmem:$0x1D200] =	vst v63  }
0xc3: {  	s24 =	sadd.s32 $0x580, s31  }
0xc4: {  	[tilespmem:s0], [sflag:$0x1] =	stream.indirect.gather [hbm4b:s11+s18], $0x40, s24, s18, $0xb8;
	[tilespmem:$0x1D200] =	vst v63  }
0xc5: {  	_ =	swait.ge [sflag:s23], $0x2000  }
0xc6: {  	[sflag:s23] =	ssyncset.done $0x0  }
0xc7: {  	[sflag:s23] =	ssyncadd.s32 $0xFFFFE000  }
0xc8: {  	_ =	swait.ge [sflag:s23], $0x2000  }
0xc9: {  	[sflag:s23] =	ssyncset.done $0x0  }
0xca: {  	[sflag:s23] =	ssyncadd.s32 $0xFFFFE000  }
0xcb: {  	_ =	swait.ge [sflag:s23], $0x2000  }
0xcc: {  	[sflag:s23] =	ssyncset.done $0x0  }
0xcd: {  	[sflag:s23] =	ssyncadd.s32 $0xFFFFE000  }
0xce: {  	_ =	swait.ge [sflag:s21], $0x2000  }
0xcf: {  	[sflag:s21] =	ssyncset.done $0x0  }
0xd0: {  	[sflag:s21] =	ssyncadd.s32 $0xFFFFE000  }
0xd1: {  	_ =	swait.ge [sflag:s21], $0x2000  }
0xd2: {  	[sflag:s21] =	ssyncset.done $0x0  }
0xd3: {  	[sflag:s21] =	ssyncadd.s32 $0xFFFFE000  }
0xd4: {  	_ =	swait.ge [sflag:s21], $0x2000  }
0xd5: {  	[sflag:s21] =	ssyncset.done $0x0  }
.Ltmp1:
0xd6: {  	s24 =	sadd.s32 $0x2E80, s31;
	[sflag:s21] =	ssyncadd.s32 $0xFFFFE000;
	(pc) =	sbr.rel @p1 .LBB2_4-.Ltmp1, $4  }
0xd7: {  	[spmem:s2] =	stream.indirect.scatter.add.bf16 [tilespmem:s28], [sflag:$0x2], $0x40, s24, s18, $0xb8;
	[tilespmem:$0x1D200] =	vst v63  }
0xd8: {  	s24 =	sadd.s32 $0x2F00, s31  }
0xd9: {  	[spmem:s2] =	stream.indirect.scatter.add.bf16 [tilespmem:s30], [sflag:$0x2], $0x40, s24, s18, $0xb8;
	[tilespmem:$0x1D200] =	vst v63  }
0xda: {  	s31 =	sadd.s32 $0x2F80, s31  }
0xdb: {  	[spmem:s2] =	stream.indirect.scatter.add.bf16 [tilespmem:s0], [sflag:$0x2], $0x40, s31, s18, $0xb8;
	[tilespmem:$0x1D200] =	vst v63  }
0xdc: {  	_ =	swait.ge [sflag:s21], $0x2000  }
0xdd: {  	[sflag:s21] =	ssyncset.done $0x0  }
0xde: {  	[sflag:s21] =	ssyncadd.s32 $0xFFFFE000  }
0xdf: {  	_ =	swait.ge [sflag:s21], $0x2000  }
0xe0: {  	[sflag:s21] =	ssyncset.done $0x0  }
0xe1: {  	[sflag:s21] =	ssyncadd.s32 $0xFFFFE000  }
0xe2: {  	_ =	swait.ge [sflag:s21], $0x2000  }
0xe3: {  	[sflag:s21] =	ssyncset.done $0x0  }
0xe4: {  	[sflag:s21] =	ssyncadd.s32 $0xFFFFE000  }
0xe5: {  	s1 =	sshrl.u32 @p0 s6, $0x3;
	s24 =	simm.s32 @p0 $0x1FC3;
	[bflag:$0x0] =	sbarrier.arrive $0xFFFF  }
0xe6: {  	[hbm:s13], [sflag:s24] =	dma.local @p0 [spmem:s1], $0x1040  }
0xe7: {  	s1 =	simm.s32 @p0 $0x3  }
0xe8: {  	s29 =	sadd.s32 $0x1, s29;
	s24 =	stileid.u32;
	_ =	swait.ge @p0 [sflag:s1], $0x1040  }
0xe9: {  	p1 =	sne.s32 s29, s14;
	s24 =	sshll.u32 @!p0 s24, $0x6;
	[sflag:s1] =	ssyncset.done @p0 $0x0  }
0xea: {  	[sflag:s1] =	ssyncadd.s32 @p0 $0xFFFFEFC0;
	s1 =	sor.u32 @!p0 $0x1C03, s24;
	s24 =	sshrl.u32 @!p0 s6, $0x3  }
0xeb: {  	[hbm:s12], [sflag:s1] =	dma.local @!p0 [spmem:s24], $0x13C0  }
.Ltmp2:
0xec: {  	_ = 	snop;
	(pc) =	sbr.rel @p1 .LBB2_1-.Ltmp2, $4  }
0xed: {  	s1 =	simm.s32 @!p0 $0x3  }
0xee: {  	_ =	swait.ge @!p0 [sflag:s1], $0x13C0  }
0xef: {  	[sflag:s1] =	ssyncset.done @!p0 $0x0  }
0xf0: {  	[sflag:s1] =	ssyncadd.s32 @!p0 $0xFFFFEC40  }
0xf1: {  	_ =	sfence.sel $0x180000  }
0xf2: {  	[bflag:$0x0] =	sbarrier.arrive $0xFFFF  }
0xf3: {  	_ =	strace $0x90000047  }
0xf4: {  	s0 =	stileid.u32;
	[bflag:$0x2] =	sbarrier.arrive $0xFFFF  }
0xf5: {  	p0 =	sne.s32 s0, $0x0;
	s0 =	rddreg [dreg:$0x3]  }
0xf6: {  	s0 =	sadd.s32 @!p0 $0x100000, s0  }
0xf7: {  	[sflag:s0] =	ssyncadd.tile.s32 @!p0 $0x1;
	_ =	shalt  }
.Lfunc_end2:
_tile_overlayer_lowered:
.L_overlay_start_2:
0xf8: {  	(tag) =	ssettag $0x2  }
0xf9: {  	s0 =	rddreg [dreg:$0x0];
	s2 =	stileid.u32  }
0xfa: {  	s1 =	rddreg [dreg:$0x1];
	p0 =	sne.s32 s2, $0x0  }
0xfb: {  	s3 =	rddreg [dreg:$0x2];
	[bflag:$0x3] =	sbarrier.arrive $0xFFFF;
	s2 =	simm.s32 @!p0 $0x1C03  }
0xfc: {  	[timem:s3], [sflag:s2] =	dma.local @!p0 [hbm:s0], s1  }
0xfd: {  	s0 =	simm.s32 @!p0 $0x3  }
0xfe: {  	_ =	swait.ge @!p0 [sflag:s0], s1  }
0xff: {  	s1 =	ssub.s32 @!p0 $0x0, s1;
	[sflag:s0] =	ssyncset.done @!p0 $0x0  }
0x100: {  	[sflag:s0] =	ssyncadd.s32 @!p0 s1  }
0x101: {  	[bflag:$0x3] =	sbarrier.arrive $0xFFFF  }
0x102: {  	_ =	shalt  }

</sc_bundles>
